<compile_context>
chip_gen: v7x
topology: tpu7x:2x2x1
jax: 0.10.2.dev20260603
libtpu: 0.0.44.dev20260713+nightly
codegen_flags: <defaults>
</compile_context>

<pallas_src>
import jax
import jax.numpy as jnp
from jax import lax
from jax.experimental import pallas as pl
from jax.experimental.pallas import tpu as pltpu
from jax.experimental.pallas import tpu_sc as plsc

B, S = 1024, 200
PQ_M, SUB, CODEBOOK, EMB = 8, 16, 256, 128
N = B * S
NC, NS = 2, 16
NW = NC * NS
TPW = N // NW
BLK = 256
NBLK = TPW // BLK
CODES_BLK = BLK * PQ_M
IDX_CHUNK = 128
C_CHUNKS = CODES_BLK // IDX_CHUNK
NUM_ITEMS = 1000000
MAIN_ITEMS = 999936
MAIN_WORDS = MAIN_ITEMS * PQ_M
AUX_ROWS = NUM_ITEMS + 1 - MAIN_ITEMS
AUX_WORDS = AUX_ROWS * PQ_M


def _sc_body(ids_hbm, codes_hbm, cent_hbm, out_hbm,
             ids_v, fidx_v, auxi_v, codes_v, out0_v, out1_v,
             cent_sh, semA, semC, semE0, semE1):
    sid = lax.axis_index("s")
    wid = sid * NC + lax.axis_index("c")
    lane = lax.iota(jnp.int32, 16)
    colpat = lax.bitwise_and(lane, 7)
    rowpat = lax.shift_right_logical(lane, 3)
    mpat = colpat * CODEBOOK
    m128 = colpat * IDX_CHUNK

    @pl.when(sid == 0)
    def _stage_tables():
        pltpu.sync_copy(cent_hbm, cent_sh)
    plsc.subcore_barrier()

    def do_block(blk, out_v, semE, wait_e):
        t0 = wid * TPW + blk * BLK
        pltpu.sync_copy(ids_hbm.at[pl.ds(t0, BLK)], ids_v)

        def eidx_body(i, c2):
            ids16 = ids_v[pl.ds(i * 16, 16)]
            tmain = jnp.minimum(ids16, MAIN_ITEMS - 1)
            base16 = (lax.shift_right_logical(tmain, 7) * 1024
                      + lax.bitwise_and(tmain, 127))
            auxb16 = jnp.where(
                ids16 >= MAIN_ITEMS,
                (ids16 - MAIN_ITEMS) * PQ_M + PQ_M * CODEBOOK, 0)
            for p in range(8):
                rp = rowpat + 2 * p
                o = i * 128 + p * 16
                fidx_v[pl.ds(o, 16)] = base16.at[rp].get(
                    mode="promise_in_bounds") + m128
                auxi_v[pl.ds(o, 16)] = auxb16.at[rp].get(
                    mode="promise_in_bounds") + colpat
            pltpu.async_copy(
                codes_hbm.at[fidx_v.at[pl.ds(i * IDX_CHUNK, IDX_CHUNK)]],
                codes_v.at[pl.ds(i * IDX_CHUNK, IDX_CHUNK)],
                semA)
            return c2
        lax.fori_loop(0, C_CHUNKS, eidx_body, 0)

        @pl.when(wait_e)
        def _drain_prev_out():
            pltpu.make_async_copy(
                out_v, out_hbm.at[pl.ds(t0 * PQ_M, CODES_BLK)], semE
            ).wait()

        def fidx_body(i, c2):
            pltpu.make_async_copy(
                codes_hbm.at[fidx_v.at[pl.ds(i * IDX_CHUNK, IDX_CHUNK)]],
                codes_v.at[pl.ds(i * IDX_CHUNK, IDX_CHUNK)],
                semA).wait()
            for q in range(8):
                o = i * 128 + q * 16
                fidx_v[pl.ds(o, 16)] = jnp.maximum(
                    codes_v[pl.ds(o, 16)] + mpat, auxi_v[pl.ds(o, 16)])
            pltpu.async_copy(
                cent_sh.at[fidx_v.at[pl.ds(i * IDX_CHUNK, IDX_CHUNK)]],
                out_v.at[pl.ds(i * IDX_CHUNK, IDX_CHUNK)],
                semC)
            return c2
        lax.fori_loop(0, C_CHUNKS, fidx_body, 0)
        for c in range(C_CHUNKS):
            pltpu.make_async_copy(
                cent_sh.at[fidx_v.at[pl.ds(c * IDX_CHUNK, IDX_CHUNK)]],
                out_v.at[pl.ds(c * IDX_CHUNK, IDX_CHUNK)],
                semC).wait()

        pltpu.async_copy(
            out_v, out_hbm.at[pl.ds(t0 * PQ_M, CODES_BLK)], semE)

    def pair_body(k, carry):
        do_block(2 * k, out0_v, semE0, k > 0)
        do_block(2 * k + 1, out1_v, semE1, k > 0)
        return carry
    lax.fori_loop(0, NBLK // 2, pair_body, 0)
    do_block(NBLK - 1, out0_v, semE0, True)
    last0 = wid * TPW + (NBLK - 1) * BLK
    pltpu.make_async_copy(
        out0_v, out_hbm.at[pl.ds(last0 * PQ_M, CODES_BLK)], semE0).wait()
    last1 = wid * TPW + (NBLK - 2) * BLK
    pltpu.make_async_copy(
        out1_v, out_hbm.at[pl.ds(last1 * PQ_M, CODES_BLK)], semE1).wait()


def kernel(input_ids, item_codes, centroids):
    ids_flat = input_ids.reshape(N)
    codes_main = (item_codes[:MAIN_ITEMS]
                  .reshape(MAIN_ITEMS // IDX_CHUNK, IDX_CHUNK, PQ_M)
                  .transpose(0, 2, 1)
                  .reshape(MAIN_WORDS))
    codes_aux = item_codes[MAIN_ITEMS:]
    tail_embs = centroids[
        jnp.arange(PQ_M, dtype=jnp.int32)[None, :], codes_aux
    ].reshape(AUX_WORDS, SUB)
    cent_flat = jnp.concatenate(
        [centroids.reshape(PQ_M * CODEBOOK, SUB), tail_embs], axis=0)
    mesh = plsc.VectorSubcoreMesh(core_axis_name="c", subcore_axis_name="s")
    f = pl.kernel(
        _sc_body,
        mesh=mesh,
        compiler_params=pltpu.CompilerParams(use_tc_tiling_on_sc=False),
        out_type=jax.ShapeDtypeStruct((N * PQ_M, SUB), jnp.float32),
        scratch_types=[
            pltpu.VMEM((BLK,), jnp.int32),
            pltpu.VMEM((CODES_BLK,), jnp.int32),
            pltpu.VMEM((CODES_BLK,), jnp.int32),
            pltpu.VMEM((CODES_BLK,), jnp.int32),
            pltpu.VMEM((CODES_BLK, SUB), jnp.float32),
            pltpu.VMEM((CODES_BLK, SUB), jnp.float32),
            pltpu.VMEM_SHARED((PQ_M * CODEBOOK + AUX_WORDS, SUB),
                              jnp.float32),
            pltpu.SemaphoreType.DMA,
            pltpu.SemaphoreType.DMA,
            pltpu.SemaphoreType.DMA,
            pltpu.SemaphoreType.DMA,
        ],
    )
    out = f(ids_flat, codes_main, cent_flat)
    return out.reshape(B, S, EMB)

# --- scband reference (transcript-rebuilt; emitter-appended) ---
"""Pipeline reference for scband-item-code-layer-30253749633338 (READ-ONLY COPY).

The authoritative reference and input builder live on the scoring server;
editing this copy changes nothing except your own understanding.
"""

import jax, jax.numpy as jnp
import numpy as np

B = 1024
S = 200
NUM_ITEMS = 1000000
PQ_M = 8
EMB = 128
SUB = EMB // PQ_M  # 16
CODEBOOK = 256


def setup_inputs(seed: int = 0) -> dict:
    key = jax.random.key(seed)
    k1, k2, k3 = jax.random.split(key, 3)
    # forward args
    input_ids = jax.random.randint(k1, (B, S), 0, NUM_ITEMS, dtype=jnp.int32)
    # learned / assigned parameters of ItemCodeLayer
    # item_codes: one PQ code byte per (item, byte-position); row num_items is the padding row
    item_codes = jax.random.randint(k2, (NUM_ITEMS + 1, PQ_M), 0, CODEBOOK, dtype=jnp.int32)
    # centroids: [item_code_bytes, 256, sub_embedding_size]
    centroids = jax.random.normal(k3, (PQ_M, CODEBOOK, SUB), dtype=jnp.float32) * 0.02
    return {"input_ids": input_ids, "item_codes": item_codes, "centroids": centroids}


def reference(input_ids, item_codes, centroids):
    # ItemCodeLayer.call(input_ids, bs):
    # 1) gather per-item PQ codes (stop_gradient on int codes is implicit: ints are non-diff)
    codes = jnp.take(item_codes, input_ids, axis=0)  # [B, S, PQ_M] int32 in [0,256)
    # 2) for each byte position i, look up centroids[i, codes[..., i], :]
    #    (equivalent to the TF one_hot + einsum formulation, same math)
    byte_idx = jnp.arange(PQ_M, dtype=jnp.int32)[None, None, :]  # [1,1,PQ_M]
    sub_embs = centroids[byte_idx, codes]  # [B, S, PQ_M, SUB]
    # 3) concatenate sub-embeddings into the full item embedding
    seq = sub_embs.reshape(input_ids.shape[0], input_ids.shape[1], PQ_M * SUB)  # [B, S, EMB]
    return seq

if __name__ == "__main__":
    import jax
    _d = setup_inputs()
    print(jax.jit(kernel)(*tuple(_d.values())))

</pallas_src>

<mosaic_0001>
#map = affine_map<(d0, d1) -> (0)>
#map1 = affine_map<(d0, d1) -> (0, 0)>
module attributes {stable_mosaic.version = 14 : i64} {
  func.func @_sc_body(%arg0: i32, %arg1: i32, %arg2: memref<204800xi32, #tpu.memory_space<hbm>>, %arg3: memref<7999488xi32, #tpu.memory_space<hbm>>, %arg4: memref<2568x16xf32, #tpu.memory_space<hbm>>, %arg5: memref<1638400x16xf32, #tpu.memory_space<hbm>>, %arg6: memref<256xi32, #tpu.memory_space<vmem>>, %arg7: memref<2048xi32, #tpu.memory_space<vmem>>, %arg8: memref<2048xi32, #tpu.memory_space<vmem>>, %arg9: memref<2048xi32, #tpu.memory_space<vmem>>, %arg10: memref<2048x16xf32, #tpu.memory_space<vmem>>, %arg11: memref<2048x16xf32, #tpu.memory_space<vmem>>, %arg12: memref<2568x16xf32, #tpu.memory_space<vmem_shared>>, %arg13: memref<!tpu.dma_semaphore, #tpu.memory_space<semaphore_mem>>, %arg14: memref<!tpu.dma_semaphore, #tpu.memory_space<semaphore_mem>>, %arg15: memref<!tpu.dma_semaphore, #tpu.memory_space<semaphore_mem>>, %arg16: memref<!tpu.dma_semaphore, #tpu.memory_space<semaphore_mem>>) attributes {dimension_semantics = [#tpu.dimension_semantics<core_parallel>, #tpu.dimension_semantics<subcore_parallel>], iteration_bounds = array<i64: 2, 16>, scalar_prefetch = 0 : i64, scratch_operands = 11 : i64, tpu.core_type = #tpu.core_type<sc_vector_subcore>, window_params = [{transform_indices = #map}, {transform_indices = #map}, {transform_indices = #map1}, {transform_indices = #map1}]} {
    %mul3A = arith.constant 2 : i32
    %mul3A_0 = arith.muli %arg1, %mul3A : i32
    %add3A = arith.addi %mul3A_0, %arg0 : i32
    %iota3A = tpu.iota {dimensions = array<i32: 0>} : vector<16xi32>
    %and3A = arith.constant 7 : i32
    %and3A_1 = vector.broadcast %and3A : i32 to vector<16xi32>
    %and3A_2 = arith.andi %iota3A, %and3A_1 : vector<16xi32>
    %shift_right_logical3A = arith.constant 3 : i32
    %shift_right_logical3A_3 = vector.broadcast %shift_right_logical3A : i32 to vector<16xi32>
    %shift_right_logical3A_4 = arith.shrui %iota3A, %shift_right_logical3A_3 : vector<16xi32>
    %mul3A_5 = arith.constant 256 : i32
    %mul3A_6 = vector.broadcast %mul3A_5 : i32 to vector<16xi32>
    %mul3A_7 = arith.muli %and3A_2, %mul3A_6 : vector<16xi32>
    %mul3A_8 = arith.constant 128 : i32
    %mul3A_9 = vector.broadcast %mul3A_8 : i32 to vector<16xi32>
    %mul3A_10 = arith.muli %and3A_2, %mul3A_9 : vector<16xi32>
    %eq3A = arith.constant 0 : i32
    %eq3A_11 = arith.cmpi eq, %arg1, %eq3A : i32
    %convert_element_type3A = arith.extui %eq3A_11 : i1 to i32
    %cond3A = arith.constant 0 : i32
    %cond3A_12 = arith.cmpi ne, %convert_element_type3A, %cond3A : i32
    scf.if %cond3A_12 {
      "tpu.region"() ({
        %run_scoped3A = tpu.sem_alloc : memref<!tpu.dma_semaphore, #tpu.memory_space<semaphore_mem>>
        tpu.enqueue_dma source(%arg4 : memref<2568x16xf32, #tpu.memory_space<hbm>>) target(%arg12 : memref<2568x16xf32, #tpu.memory_space<vmem_shared>>) target_semaphore(%run_scoped3A : memref<!tpu.dma_semaphore, #tpu.memory_space<semaphore_mem>>)
        tpu.wait_dma2 semaphore(%run_scoped3A : memref<!tpu.dma_semaphore, #tpu.memory_space<semaphore_mem>>) src(%arg4 : memref<2568x16xf32, #tpu.memory_space<hbm>>) dst(%arg12 : memref<2568x16xf32, #tpu.memory_space<vmem_shared>>)
        tpu.yield
      }) : () -> ()
    } else {
    }
    %barrier3A = arith.constant 0 : index
    tpu.barrier barrier_id(%barrier3A)
    %scan3A = arith.constant 0 : i32
    %scan3A_13 = arith.constant 0 : i32
    %scan3A_14 = arith.constant 12 : i32
    %scan3A_15 = arith.addi %scan3A_13, %scan3A_14 : i32
    %scan3A_16 = arith.constant 1 : i32
    scf.for %scan3A_192 = %scan3A_13 to %scan3A_15 step %scan3A_16  : i32 {
      %mul3A_193 = arith.constant 2 : i32
      %mul3A_194 = arith.muli %mul3A_193, %scan3A_192 : i32
      %gt3A = arith.constant 0 : i32
      %gt3A_195 = arith.cmpi sgt, %scan3A_192, %gt3A : i32
      %mul3A_196 = arith.constant 6400 : i32
      %mul3A_197 = arith.muli %add3A, %mul3A_196 : i32
      %mul3A_198 = arith.constant 256 : i32
      %mul3A_199 = arith.muli %mul3A_194, %mul3A_198 : i32
      %add3A_200 = arith.addi %mul3A_197, %mul3A_199 : i32
      "tpu.region"() ({
        %run_scoped3A = tpu.sem_alloc : memref<!tpu.dma_semaphore, #tpu.memory_space<semaphore_mem>>
        %dma_start3A_510 = tpu.memref_slice %arg2[%add3A_200] : memref<204800xi32, #tpu.memory_space<hbm>> -> memref<256xi32, #tpu.memory_space<hbm>>
        %dma_start3A_511 = tpu.memref_slice %arg2[%add3A_200] : memref<204800xi32, #tpu.memory_space<hbm>> -> memref<256xi32, #tpu.memory_space<hbm>>
        tpu.enqueue_dma source(%dma_start3A_511 : memref<256xi32, #tpu.memory_space<hbm>>) target(%arg6 : memref<256xi32, #tpu.memory_space<vmem>>) target_semaphore(%run_scoped3A : memref<!tpu.dma_semaphore, #tpu.memory_space<semaphore_mem>>)
        %dma_wait3A_512 = tpu.memref_slice %arg2[%add3A_200] : memref<204800xi32, #tpu.memory_space<hbm>> -> memref<256xi32, #tpu.memory_space<hbm>>
        %dma_wait3A_513 = tpu.memref_slice %arg2[%add3A_200] : memref<204800xi32, #tpu.memory_space<hbm>> -> memref<256xi32, #tpu.memory_space<hbm>>
        tpu.wait_dma2 semaphore(%run_scoped3A : memref<!tpu.dma_semaphore, #tpu.memory_space<semaphore_mem>>) src(%dma_wait3A_513 : memref<256xi32, #tpu.memory_space<hbm>>) dst(%arg6 : memref<256xi32, #tpu.memory_space<vmem>>)
        tpu.yield
      }) : () -> ()
      %scan3A_201 = arith.constant 0 : i32
      %scan3A_202 = arith.constant 0 : i32
      %scan3A_203 = arith.constant 16 : i32
      %scan3A_204 = arith.addi %scan3A_202, %scan3A_203 : i32
      %scan3A_205 = arith.constant 1 : i32
      scf.for %scan3A_510 = %scan3A_202 to %scan3A_204 step %scan3A_205  : i32 {
        %mul3A_511 = arith.constant 16 : i32
        %mul3A_512 = arith.muli %scan3A_510, %mul3A_511 : i32
        %get3A = arith.index_cast %mul3A_512 : i32 to index
        %get3A_513 = tpu.vector_load %arg6[%get3A] {strides = array<i32>} : memref<256xi32, #tpu.memory_space<vmem>>, vector<16xi32>,
        %get3A_514 = vector.shape_cast %get3A_513 : vector<16xi32> to vector<16xi32>
        %min3A = arith.constant 999935 : i32
        %min3A_515 = vector.broadcast %min3A : i32 to vector<16xi32>
        %min3A_516 = arith.minsi %get3A_514, %min3A_515 : vector<16xi32>
        %shift_right_logical3A_517 = arith.constant 7 : i32
        %shift_right_logical3A_518 = vector.broadcast %shift_right_logical3A_517 : i32 to vector<16xi32>
        %shift_right_logical3A_519 = arith.shrui %min3A_516, %shift_right_logical3A_518 : vector<16xi32>
        %mul3A_520 = arith.constant 1024 : i32
        %mul3A_521 = vector.broadcast %mul3A_520 : i32 to vector<16xi32>
        %mul3A_522 = arith.muli %shift_right_logical3A_519, %mul3A_521 : vector<16xi32>
        %and3A_523 = arith.constant 127 : i32
        %and3A_524 = vector.broadcast %and3A_523 : i32 to vector<16xi32>
        %and3A_525 = arith.andi %min3A_516, %and3A_524 : vector<16xi32>
        %add3A_526 = arith.addi %mul3A_522, %and3A_525 : vector<16xi32>
        %ge3A = arith.constant 999936 : i32
        %ge3A_527 = vector.broadcast %ge3A : i32 to vector<16xi32>
        %ge3A_528 = arith.cmpi sge, %get3A_514, %ge3A_527 : vector<16xi32>
        %sub3A = arith.constant 999936 : i32
        %sub3A_529 = vector.broadcast %sub3A : i32 to vector<16xi32>
        %sub3A_530 = arith.subi %get3A_514, %sub3A_529 : vector<16xi32>
        %mul3A_531 = arith.constant 8 : i32
        %mul3A_532 = vector.broadcast %mul3A_531 : i32 to vector<16xi32>
        %mul3A_533 = arith.muli %sub3A_530, %mul3A_532 : vector<16xi32>
        %add3A_534 = arith.constant 2048 : i32
        %add3A_535 = vector.broadcast %add3A_534 : i32 to vector<16xi32>
        %add3A_536 = arith.addi %mul3A_533, %add3A_535 : vector<16xi32>
        %jit3A = arith.constant 0 : i32
        %broadcast_in_dim3A = vector.broadcast %jit3A : i32 to vector<16xi32>
        %select_n3A = arith.select %ge3A_528, %add3A_536, %broadcast_in_dim3A : vector<16xi1>, vector<16xi32>
        %add3A_537 = arith.constant 0 : i32
        %add3A_538 = vector.broadcast %add3A_537 : i32 to vector<16xi32>
        %add3A_539 = arith.addi %shift_right_logical3A_4, %add3A_538 : vector<16xi32>
        %mul3A_540 = arith.constant 128 : i32
        %mul3A_541 = arith.muli %scan3A_510, %mul3A_540 : i32
        %add3A_542 = arith.constant 0 : i32
        %add3A_543 = arith.addi %mul3A_541, %add3A_542 : i32
        %lt3A = arith.constant 0 : i32
        %lt3A_544 = vector.broadcast %lt3A : i32 to vector<16xi32>
        %lt3A_545 = arith.cmpi slt, %add3A_539, %lt3A_544 : vector<16xi32>
        %add3A_546 = arith.constant 16 : i32
        %add3A_547 = vector.broadcast %add3A_546 : i32 to vector<16xi32>
        %add3A_548 = arith.addi %add3A_539, %add3A_547 : vector<16xi32>
        %select_n3A_549 = arith.select %lt3A_545, %add3A_548, %add3A_539 : vector<16xi1>, vector<16xi32>
        %broadcast_in_dim3A_550 = vector.shape_cast %select_n3A_549 : vector<16xi32> to vector<16x1xi32>
        %gather3A = vector.shape_cast %broadcast_in_dim3A_550 : vector<16x1xi32> to vector<16xi32>
        %gather3A_551 = tpu.dynamic_gather %add3A_526[%gather3A] in [0] : vector<16xi32>, vector<16xi32> -> vector<16xi32>
        %add3A_552 = arith.addi %gather3A_551, %mul3A_10 : vector<16xi32>
        %swap3A = arith.index_cast %add3A_543 : i32 to index
        %swap3A_553 = tpu.vector_load %arg7[%swap3A] {strides = array<i32>} : memref<2048xi32, #tpu.memory_space<vmem>>, vector<16xi32>,
        %swap3A_554 = vector.shape_cast %swap3A_553 : vector<16xi32> to vector<16xi32>
        %swap3A_555 = vector.shape_cast %add3A_552 : vector<16xi32> to vector<16xi32>
        tpu.vector_store %arg7[%swap3A], %swap3A_555 {strides = array<i32>} : memref<2048xi32, #tpu.memory_space<vmem>>, vector<16xi32>,
        %lt3A_556 = arith.constant 0 : i32
        %lt3A_557 = vector.broadcast %lt3A_556 : i32 to vector<16xi32>
        %lt3A_558 = arith.cmpi slt, %add3A_539, %lt3A_557 : vector<16xi32>
        %add3A_559 = arith.constant 16 : i32
        %add3A_560 = vector.broadcast %add3A_559 : i32 to vector<16xi32>
        %add3A_561 = arith.addi %add3A_539, %add3A_560 : vector<16xi32>
        %select_n3A_562 = arith.select %lt3A_558, %add3A_561, %add3A_539 : vector<16xi1>, vector<16xi32>
        %broadcast_in_dim3A_563 = vector.shape_cast %select_n3A_562 : vector<16xi32> to vector<16x1xi32>
        %gather3A_564 = vector.shape_cast %broadcast_in_dim3A_563 : vector<16x1xi32> to vector<16xi32>
        %gather3A_565 = tpu.dynamic_gather %select_n3A[%gather3A_564] in [0] : vector<16xi32>, vector<16xi32> -> vector<16xi32>
        %add3A_566 = arith.addi %gather3A_565, %and3A_2 : vector<16xi32>
        %swap3A_567 = arith.index_cast %add3A_543 : i32 to index
        %swap3A_568 = tpu.vector_load %arg8[%swap3A_567] {strides = array<i32>} : memref<2048xi32, #tpu.memory_space<vmem>>, vector<16xi32>,
        %swap3A_569 = vector.shape_cast %swap3A_568 : vector<16xi32> to vector<16xi32>
        %swap3A_570 = vector.shape_cast %add3A_566 : vector<16xi32> to vector<16xi32>
        tpu.vector_store %arg8[%swap3A_567], %swap3A_570 {strides = array<i32>} : memref<2048xi32, #tpu.memory_space<vmem>>, vector<16xi32>,
        %add3A_571 = arith.constant 2 : i32
        %add3A_572 = vector.broadcast %add3A_571 : i32 to vector<16xi32>
        %add3A_573 = arith.addi %shift_right_logical3A_4, %add3A_572 : vector<16xi32>
        %mul3A_574 = arith.constant 128 : i32
        %mul3A_575 = arith.muli %scan3A_510, %mul3A_574 : i32
        %add3A_576 = arith.constant 16 : i32
        %add3A_577 = arith.addi %mul3A_575, %add3A_576 : i32
        %lt3A_578 = arith.constant 0 : i32
        %lt3A_579 = vector.broadcast %lt3A_578 : i32 to vector<16xi32>
        %lt3A_580 = arith.cmpi slt, %add3A_573, %lt3A_579 : vector<16xi32>
        %add3A_581 = arith.constant 16 : i32
        %add3A_582 = vector.broadcast %add3A_581 : i32 to vector<16xi32>
        %add3A_583 = arith.addi %add3A_573, %add3A_582 : vector<16xi32>
        %select_n3A_584 = arith.select %lt3A_580, %add3A_583, %add3A_573 : vector<16xi1>, vector<16xi32>
        %broadcast_in_dim3A_585 = vector.shape_cast %select_n3A_584 : vector<16xi32> to vector<16x1xi32>
        %gather3A_586 = vector.shape_cast %broadcast_in_dim3A_585 : vector<16x1xi32> to vector<16xi32>
        %gather3A_587 = tpu.dynamic_gather %add3A_526[%gather3A_586] in [0] : vector<16xi32>, vector<16xi32> -> vector<16xi32>
        %add3A_588 = arith.addi %gather3A_587, %mul3A_10 : vector<16xi32>
        %swap3A_589 = arith.index_cast %add3A_577 : i32 to index
        %swap3A_590 = tpu.vector_load %arg7[%swap3A_589] {strides = array<i32>} : memref<2048xi32, #tpu.memory_space<vmem>>, vector<16xi32>,
        %swap3A_591 = vector.shape_cast %swap3A_590 : vector<16xi32> to vector<16xi32>
        %swap3A_592 = vector.shape_cast %add3A_588 : vector<16xi32> to vector<16xi32>
        tpu.vector_store %arg7[%swap3A_589], %swap3A_592 {strides = array<i32>} : memref<2048xi32, #tpu.memory_space<vmem>>, vector<16xi32>,
        %lt3A_593 = arith.constant 0 : i32
        %lt3A_594 = vector.broadcast %lt3A_593 : i32 to vector<16xi32>
        %lt3A_595 = arith.cmpi slt, %add3A_573, %lt3A_594 : vector<16xi32>
        %add3A_596 = arith.constant 16 : i32
        %add3A_597 = vector.broadcast %add3A_596 : i32 to vector<16xi32>
        %add3A_598 = arith.addi %add3A_573, %add3A_597 : vector<16xi32>
        %select_n3A_599 = arith.select %lt3A_595, %add3A_598, %add3A_573 : vector<16xi1>, vector<16xi32>
        %broadcast_in_dim3A_600 = vector.shape_cast %select_n3A_599 : vector<16xi32> to vector<16x1xi32>
        %gather3A_601 = vector.shape_cast %broadcast_in_dim3A_600 : vector<16x1xi32> to vector<16xi32>
        %gather3A_602 = tpu.dynamic_gather %select_n3A[%gather3A_601] in [0] : vector<16xi32>, vector<16xi32> -> vector<16xi32>
        %add3A_603 = arith.addi %gather3A_602, %and3A_2 : vector<16xi32>
        %swap3A_604 = arith.index_cast %add3A_577 : i32 to index
        %swap3A_605 = tpu.vector_load %arg8[%swap3A_604] {strides = array<i32>} : memref<2048xi32, #tpu.memory_space<vmem>>, vector<16xi32>,
        %swap3A_606 = vector.shape_cast %swap3A_605 : vector<16xi32> to vector<16xi32>
        %swap3A_607 = vector.shape_cast %add3A_603 : vector<16xi32> to vector<16xi32>
        tpu.vector_store %arg8[%swap3A_604], %swap3A_607 {strides = array<i32>} : memref<2048xi32, #tpu.memory_space<vmem>>, vector<16xi32>,
        %add3A_608 = arith.constant 4 : i32
        %add3A_609 = vector.broadcast %add3A_608 : i32 to vector<16xi32>
        %add3A_610 = arith.addi %shift_right_logical3A_4, %add3A_609 : vector<16xi32>
        %mul3A_611 = arith.constant 128 : i32
        %mul3A_612 = arith.muli %scan3A_510, %mul3A_611 : i32
        %add3A_613 = arith.constant 32 : i32
        %add3A_614 = arith.addi %mul3A_612, %add3A_613 : i32
        %lt3A_615 = arith.constant 0 : i32
        %lt3A_616 = vector.broadcast %lt3A_615 : i32 to vector<16xi32>
        %lt3A_617 = arith.cmpi slt, %add3A_610, %lt3A_616 : vector<16xi32>
        %add3A_618 = arith.constant 16 : i32
        %add3A_619 = vector.broadcast %add3A_618 : i32 to vector<16xi32>
        %add3A_620 = arith.addi %add3A_610, %add3A_619 : vector<16xi32>
        %select_n3A_621 = arith.select %lt3A_617, %add3A_620, %add3A_610 : vector<16xi1>, vector<16xi32>
        %broadcast_in_dim3A_622 = vector.shape_cast %select_n3A_621 : vector<16xi32> to vector<16x1xi32>
        %gather3A_623 = vector.shape_cast %broadcast_in_dim3A_622 : vector<16x1xi32> to vector<16xi32>
        %gather3A_624 = tpu.dynamic_gather %add3A_526[%gather3A_623] in [0] : vector<16xi32>, vector<16xi32> -> vector<16xi32>
        %add3A_625 = arith.addi %gather3A_624, %mul3A_10 : vector<16xi32>
        %swap3A_626 = arith.index_cast %add3A_614 : i32 to index
        %swap3A_627 = tpu.vector_load %arg7[%swap3A_626] {strides = array<i32>} : memref<2048xi32, #tpu.memory_space<vmem>>, vector<16xi32>,
        %swap3A_628 = vector.shape_cast %swap3A_627 : vector<16xi32> to vector<16xi32>
        %swap3A_629 = vector.shape_cast %add3A_625 : vector<16xi32> to vector<16xi32>
        tpu.vector_store %arg7[%swap3A_626], %swap3A_629 {strides = array<i32>} : memref<2048xi32, #tpu.memory_space<vmem>>, vector<16xi32>,
        %lt3A_630 = arith.constant 0 : i32
        %lt3A_631 = vector.broadcast %lt3A_630 : i32 to vector<16xi32>
        %lt3A_632 = arith.cmpi slt, %add3A_610, %lt3A_631 : vector<16xi32>
        %add3A_633 = arith.constant 16 : i32
        %add3A_634 = vector.broadcast %add3A_633 : i32 to vector<16xi32>
        %add3A_635 = arith.addi %add3A_610, %add3A_634 : vector<16xi32>
        %select_n3A_636 = arith.select %lt3A_632, %add3A_635, %add3A_610 : vector<16xi1>, vector<16xi32>
        %broadcast_in_dim3A_637 = vector.shape_cast %select_n3A_636 : vector<16xi32> to vector<16x1xi32>
        %gather3A_638 = vector.shape_cast %broadcast_in_dim3A_637 : vector<16x1xi32> to vector<16xi32>
        %gather3A_639 = tpu.dynamic_gather %select_n3A[%gather3A_638] in [0] : vector<16xi32>, vector<16xi32> -> vector<16xi32>
        %add3A_640 = arith.addi %gather3A_639, %and3A_2 : vector<16xi32>
        %swap3A_641 = arith.index_cast %add3A_614 : i32 to index
        %swap3A_642 = tpu.vector_load %arg8[%swap3A_641] {strides = array<i32>} : memref<2048xi32, #tpu.memory_space<vmem>>, vector<16xi32>,
        %swap3A_643 = vector.shape_cast %swap3A_642 : vector<16xi32> to vector<16xi32>
        %swap3A_644 = vector.shape_cast %add3A_640 : vector<16xi32> to vector<16xi32>
        tpu.vector_store %arg8[%swap3A_641], %swap3A_644 {strides = array<i32>} : memref<2048xi32, #tpu.memory_space<vmem>>, vector<16xi32>,
        %add3A_645 = arith.constant 6 : i32
        %add3A_646 = vector.broadcast %add3A_645 : i32 to vector<16xi32>
        %add3A_647 = arith.addi %shift_right_logical3A_4, %add3A_646 : vector<16xi32>
        %mul3A_648 = arith.constant 128 : i32
        %mul3A_649 = arith.muli %scan3A_510, %mul3A_648 : i32
        %add3A_650 = arith.constant 48 : i32
        %add3A_651 = arith.addi %mul3A_649, %add3A_650 : i32
        %lt3A_652 = arith.constant 0 : i32
        %lt3A_653 = vector.broadcast %lt3A_652 : i32 to vector<16xi32>
        %lt3A_654 = arith.cmpi slt, %add3A_647, %lt3A_653 : vector<16xi32>
        %add3A_655 = arith.constant 16 : i32
        %add3A_656 = vector.broadcast %add3A_655 : i32 to vector<16xi32>
        %add3A_657 = arith.addi %add3A_647, %add3A_656 : vector<16xi32>
        %select_n3A_658 = arith.select %lt3A_654, %add3A_657, %add3A_647 : vector<16xi1>, vector<16xi32>
        %broadcast_in_dim3A_659 = vector.shape_cast %select_n3A_658 : vector<16xi32> to vector<16x1xi32>
        %gather3A_660 = vector.shape_cast %broadcast_in_dim3A_659 : vector<16x1xi32> to vector<16xi32>
        %gather3A_661 = tpu.dynamic_gather %add3A_526[%gather3A_660] in [0] : vector<16xi32>, vector<16xi32> -> vector<16xi32>
        %add3A_662 = arith.addi %gather3A_661, %mul3A_10 : vector<16xi32>
        %swap3A_663 = arith.index_cast %add3A_651 : i32 to index
        %swap3A_664 = tpu.vector_load %arg7[%swap3A_663] {strides = array<i32>} : memref<2048xi32, #tpu.memory_space<vmem>>, vector<16xi32>,
        %swap3A_665 = vector.shape_cast %swap3A_664 : vector<16xi32> to vector<16xi32>
        %swap3A_666 = vector.shape_cast %add3A_662 : vector<16xi32> to vector<16xi32>
        tpu.vector_store %arg7[%swap3A_663], %swap3A_666 {strides = array<i32>} : memref<2048xi32, #tpu.memory_space<vmem>>, vector<16xi32>,
        %lt3A_667 = arith.constant 0 : i32
        %lt3A_668 = vector.broadcast %lt3A_667 : i32 to vector<16xi32>
        %lt3A_669 = arith.cmpi slt, %add3A_647, %lt3A_668 : vector<16xi32>
        %add3A_670 = arith.constant 16 : i32
        %add3A_671 = vector.broadcast %add3A_670 : i32 to vector<16xi32>
        %add3A_672 = arith.addi %add3A_647, %add3A_671 : vector<16xi32>
        %select_n3A_673 = arith.select %lt3A_669, %add3A_672, %add3A_647 : vector<16xi1>, vector<16xi32>
        %broadcast_in_dim3A_674 = vector.shape_cast %select_n3A_673 : vector<16xi32> to vector<16x1xi32>
        %gather3A_675 = vector.shape_cast %broadcast_in_dim3A_674 : vector<16x1xi32> to vector<16xi32>
        %gather3A_676 = tpu.dynamic_gather %select_n3A[%gather3A_675] in [0] : vector<16xi32>, vector<16xi32> -> vector<16xi32>
        %add3A_677 = arith.addi %gather3A_676, %and3A_2 : vector<16xi32>
        %swap3A_678 = arith.index_cast %add3A_651 : i32 to index
        %swap3A_679 = tpu.vector_load %arg8[%swap3A_678] {strides = array<i32>} : memref<2048xi32, #tpu.memory_space<vmem>>, vector<16xi32>,
        %swap3A_680 = vector.shape_cast %swap3A_679 : vector<16xi32> to vector<16xi32>
        %swap3A_681 = vector.shape_cast %add3A_677 : vector<16xi32> to vector<16xi32>
        tpu.vector_store %arg8[%swap3A_678], %swap3A_681 {strides = array<i32>} : memref<2048xi32, #tpu.memory_space<vmem>>, vector<16xi32>,
        %add3A_682 = arith.constant 8 : i32
        %add3A_683 = vector.broadcast %add3A_682 : i32 to vector<16xi32>
        %add3A_684 = arith.addi %shift_right_logical3A_4, %add3A_683 : vector<16xi32>
        %mul3A_685 = arith.constant 128 : i32
        %mul3A_686 = arith.muli %scan3A_510, %mul3A_685 : i32
        %add3A_687 = arith.constant 64 : i32
        %add3A_688 = arith.addi %mul3A_686, %add3A_687 : i32
        %lt3A_689 = arith.constant 0 : i32
        %lt3A_690 = vector.broadcast %lt3A_689 : i32 to vector<16xi32>
        %lt3A_691 = arith.cmpi slt, %add3A_684, %lt3A_690 : vector<16xi32>
        %add3A_692 = arith.constant 16 : i32
        %add3A_693 = vector.broadcast %add3A_692 : i32 to vector<16xi32>
        %add3A_694 = arith.addi %add3A_684, %add3A_693 : vector<16xi32>
        %select_n3A_695 = arith.select %lt3A_691, %add3A_694, %add3A_684 : vector<16xi1>, vector<16xi32>
        %broadcast_in_dim3A_696 = vector.shape_cast %select_n3A_695 : vector<16xi32> to vector<16x1xi32>
        %gather3A_697 = vector.shape_cast %broadcast_in_dim3A_696 : vector<16x1xi32> to vector<16xi32>
        %gather3A_698 = tpu.dynamic_gather %add3A_526[%gather3A_697] in [0] : vector<16xi32>, vector<16xi32> -> vector<16xi32>
        %add3A_699 = arith.addi %gather3A_698, %mul3A_10 : vector<16xi32>
        %swap3A_700 = arith.index_cast %add3A_688 : i32 to index
        %swap3A_701 = tpu.vector_load %arg7[%swap3A_700] {strides = array<i32>} : memref<2048xi32, #tpu.memory_space<vmem>>, vector<16xi32>,
        %swap3A_702 = vector.shape_cast %swap3A_701 : vector<16xi32> to vector<16xi32>
        %swap3A_703 = vector.shape_cast %add3A_699 : vector<16xi32> to vector<16xi32>
        tpu.vector_store %arg7[%swap3A_700], %swap3A_703 {strides = array<i32>} : memref<2048xi32, #tpu.memory_space<vmem>>, vector<16xi32>,
        %lt3A_704 = arith.constant 0 : i32
        %lt3A_705 = vector.broadcast %lt3A_704 : i32 to vector<16xi32>
        %lt3A_706 = arith.cmpi slt, %add3A_684, %lt3A_705 : vector<16xi32>
        %add3A_707 = arith.constant 16 : i32
        %add3A_708 = vector.broadcast %add3A_707 : i32 to vector<16xi32>
        %add3A_709 = arith.addi %add3A_684, %add3A_708 : vector<16xi32>
        %select_n3A_710 = arith.select %lt3A_706, %add3A_709, %add3A_684 : vector<16xi1>, vector<16xi32>
        %broadcast_in_dim3A_711 = vector.shape_cast %select_n3A_710 : vector<16xi32> to vector<16x1xi32>
        %gather3A_712 = vector.shape_cast %broadcast_in_dim3A_711 : vector<16x1xi32> to vector<16xi32>
        %gather3A_713 = tpu.dynamic_gather %select_n3A[%gather3A_712] in [0] : vector<16xi32>, vector<16xi32> -> vector<16xi32>
        %add3A_714 = arith.addi %gather3A_713, %and3A_2 : vector<16xi32>
        %swap3A_715 = arith.index_cast %add3A_688 : i32 to index
        %swap3A_716 = tpu.vector_load %arg8[%swap3A_715] {strides = array<i32>} : memref<2048xi32, #tpu.memory_space<vmem>>, vector<16xi32>,
        %swap3A_717 = vector.shape_cast %swap3A_716 : vector<16xi32> to vector<16xi32>
        %swap3A_718 = vector.shape_cast %add3A_714 : vector<16xi32> to vector<16xi32>
        tpu.vector_store %arg8[%swap3A_715], %swap3A_718 {strides = array<i32>} : memref<2048xi32, #tpu.memory_space<vmem>>, vector<16xi32>,
        %add3A_719 = arith.constant 10 : i32
        %add3A_720 = vector.broadcast %add3A_719 : i32 to vector<16xi32>
        %add3A_721 = arith.addi %shift_right_logical3A_4, %add3A_720 : vector<16xi32>
        %mul3A_722 = arith.constant 128 : i32
        %mul3A_723 = arith.muli %scan3A_510, %mul3A_722 : i32
        %add3A_724 = arith.constant 80 : i32
        %add3A_725 = arith.addi %mul3A_723, %add3A_724 : i32
        %lt3A_726 = arith.constant 0 : i32
        %lt3A_727 = vector.broadcast %lt3A_726 : i32 to vector<16xi32>
        %lt3A_728 = arith.cmpi slt, %add3A_721, %lt3A_727 : vector<16xi32>
        %add3A_729 = arith.constant 16 : i32
        %add3A_730 = vector.broadcast %add3A_729 : i32 to vector<16xi32>
        %add3A_731 = arith.addi %add3A_721, %add3A_730 : vector<16xi32>
        %select_n3A_732 = arith.select %lt3A_728, %add3A_731, %add3A_721 : vector<16xi1>, vector<16xi32>
        %broadcast_in_dim3A_733 = vector.shape_cast %select_n3A_732 : vector<16xi32> to vector<16x1xi32>
        %gather3A_734 = vector.shape_cast %broadcast_in_dim3A_733 : vector<16x1xi32> to vector<16xi32>
        %gather3A_735 = tpu.dynamic_gather %add3A_526[%gather3A_734] in [0] : vector<16xi32>, vector<16xi32> -> vector<16xi32>
        %add3A_736 = arith.addi %gather3A_735, %mul3A_10 : vector<16xi32>
        %swap3A_737 = arith.index_cast %add3A_725 : i32 to index
        %swap3A_738 = tpu.vector_load %arg7[%swap3A_737] {strides = array<i32>} : memref<2048xi32, #tpu.memory_space<vmem>>, vector<16xi32>,
        %swap3A_739 = vector.shape_cast %swap3A_738 : vector<16xi32> to vector<16xi32>
        %swap3A_740 = vector.shape_cast %add3A_736 : vector<16xi32> to vector<16xi32>
        tpu.vector_store %arg7[%swap3A_737], %swap3A_740 {strides = array<i32>} : memref<2048xi32, #tpu.memory_space<vmem>>, vector<16xi32>,
        %lt3A_741 = arith.constant 0 : i32
        %lt3A_742 = vector.broadcast %lt3A_741 : i32 to vector<16xi32>
        %lt3A_743 = arith.cmpi slt, %add3A_721, %lt3A_742 : vector<16xi32>
        %add3A_744 = arith.constant 16 : i32
        %add3A_745 = vector.broadcast %add3A_744 : i32 to vector<16xi32>
        %add3A_746 = arith.addi %add3A_721, %add3A_745 : vector<16xi32>
        %select_n3A_747 = arith.select %lt3A_743, %add3A_746, %add3A_721 : vector<16xi1>, vector<16xi32>
        %broadcast_in_dim3A_748 = vector.shape_cast %select_n3A_747 : vector<16xi32> to vector<16x1xi32>
        %gather3A_749 = vector.shape_cast %broadcast_in_dim3A_748 : vector<16x1xi32> to vector<16xi32>
        %gather3A_750 = tpu.dynamic_gather %select_n3A[%gather3A_749] in [0] : vector<16xi32>, vector<16xi32> -> vector<16xi32>
        %add3A_751 = arith.addi %gather3A_750, %and3A_2 : vector<16xi32>
        %swap3A_752 = arith.index_cast %add3A_725 : i32 to index
        %swap3A_753 = tpu.vector_load %arg8[%swap3A_752] {strides = array<i32>} : memref<2048xi32, #tpu.memory_space<vmem>>, vector<16xi32>,
        %swap3A_754 = vector.shape_cast %swap3A_753 : vector<16xi32> to vector<16xi32>
        %swap3A_755 = vector.shape_cast %add3A_751 : vector<16xi32> to vector<16xi32>
        tpu.vector_store %arg8[%swap3A_752], %swap3A_755 {strides = array<i32>} : memref<2048xi32, #tpu.memory_space<vmem>>, vector<16xi32>,
        %add3A_756 = arith.constant 12 : i32
        %add3A_757 = vector.broadcast %add3A_756 : i32 to vector<16xi32>
        %add3A_758 = arith.addi %shift_right_logical3A_4, %add3A_757 : vector<16xi32>
        %mul3A_759 = arith.constant 128 : i32
        %mul3A_760 = arith.muli %scan3A_510, %mul3A_759 : i32
        %add3A_761 = arith.constant 96 : i32
        %add3A_762 = arith.addi %mul3A_760, %add3A_761 : i32
        %lt3A_763 = arith.constant 0 : i32
        %lt3A_764 = vector.broadcast %lt3A_763 : i32 to vector<16xi32>
        %lt3A_765 = arith.cmpi slt, %add3A_758, %lt3A_764 : vector<16xi32>
        %add3A_766 = arith.constant 16 : i32
        %add3A_767 = vector.broadcast %add3A_766 : i32 to vector<16xi32>
        %add3A_768 = arith.addi %add3A_758, %add3A_767 : vector<16xi32>
        %select_n3A_769 = arith.select %lt3A_765, %add3A_768, %add3A_758 : vector<16xi1>, vector<16xi32>
        %broadcast_in_dim3A_770 = vector.shape_cast %select_n3A_769 : vector<16xi32> to vector<16x1xi32>
        %gather3A_771 = vector.shape_cast %broadcast_in_dim3A_770 : vector<16x1xi32> to vector<16xi32>
        %gather3A_772 = tpu.dynamic_gather %add3A_526[%gather3A_771] in [0] : vector<16xi32>, vector<16xi32> -> vector<16xi32>
        %add3A_773 = arith.addi %gather3A_772, %mul3A_10 : vector<16xi32>
        %swap3A_774 = arith.index_cast %add3A_762 : i32 to index
        %swap3A_775 = tpu.vector_load %arg7[%swap3A_774] {strides = array<i32>} : memref<2048xi32, #tpu.memory_space<vmem>>, vector<16xi32>,
        %swap3A_776 = vector.shape_cast %swap3A_775 : vector<16xi32> to vector<16xi32>
        %swap3A_777 = vector.shape_cast %add3A_773 : vector<16xi32> to vector<16xi32>
        tpu.vector_store %arg7[%swap3A_774], %swap3A_777 {strides = array<i32>} : memref<2048xi32, #tpu.memory_space<vmem>>, vector<16xi32>,
        %lt3A_778 = arith.constant 0 : i32
        %lt3A_779 = vector.broadcast %lt3A_778 : i32 to vector<16xi32>
        %lt3A_780 = arith.cmpi slt, %add3A_758, %lt3A_779 : vector<16xi32>
        %add3A_781 = arith.constant 16 : i32
        %add3A_782 = vector.broadcast %add3A_781 : i32 to vector<16xi32>
        %add3A_783 = arith.addi %add3A_758, %add3A_782 : vector<16xi32>
        %select_n3A_784 = arith.select %lt3A_780, %add3A_783, %add3A_758 : vector<16xi1>, vector<16xi32>
        %broadcast_in_dim3A_785 = vector.shape_cast %select_n3A_784 : vector<16xi32> to vector<16x1xi32>
        %gather3A_786 = vector.shape_cast %broadcast_in_dim3A_785 : vector<16x1xi32> to vector<16xi32>
        %gather3A_787 = tpu.dynamic_gather %select_n3A[%gather3A_786] in [0] : vector<16xi32>, vector<16xi32> -> vector<16xi32>
        %add3A_788 = arith.addi %gather3A_787, %and3A_2 : vector<16xi32>
        %swap3A_789 = arith.index_cast %add3A_762 : i32 to index
        %swap3A_790 = tpu.vector_load %arg8[%swap3A_789] {strides = array<i32>} : memref<2048xi32, #tpu.memory_space<vmem>>, vector<16xi32>,
        %swap3A_791 = vector.shape_cast %swap3A_790 : vector<16xi32> to vector<16xi32>
        %swap3A_792 = vector.shape_cast %add3A_788 : vector<16xi32> to vector<16xi32>
        tpu.vector_store %arg8[%swap3A_789], %swap3A_792 {strides = array<i32>} : memref<2048xi32, #tpu.memory_space<vmem>>, vector<16xi32>,
        %add3A_793 = arith.constant 14 : i32
        %add3A_794 = vector.broadcast %add3A_793 : i32 to vector<16xi32>
        %add3A_795 = arith.addi %shift_right_logical3A_4, %add3A_794 : vector<16xi32>
        %mul3A_796 = arith.constant 128 : i32
        %mul3A_797 = arith.muli %scan3A_510, %mul3A_796 : i32
        %add3A_798 = arith.constant 112 : i32
        %add3A_799 = arith.addi %mul3A_797, %add3A_798 : i32
        %lt3A_800 = arith.constant 0 : i32
        %lt3A_801 = vector.broadcast %lt3A_800 : i32 to vector<16xi32>
        %lt3A_802 = arith.cmpi slt, %add3A_795, %lt3A_801 : vector<16xi32>
        %add3A_803 = arith.constant 16 : i32
        %add3A_804 = vector.broadcast %add3A_803 : i32 to vector<16xi32>
        %add3A_805 = arith.addi %add3A_795, %add3A_804 : vector<16xi32>
        %select_n3A_806 = arith.select %lt3A_802, %add3A_805, %add3A_795 : vector<16xi1>, vector<16xi32>
        %broadcast_in_dim3A_807 = vector.shape_cast %select_n3A_806 : vector<16xi32> to vector<16x1xi32>
        %gather3A_808 = vector.shape_cast %broadcast_in_dim3A_807 : vector<16x1xi32> to vector<16xi32>
        %gather3A_809 = tpu.dynamic_gather %add3A_526[%gather3A_808] in [0] : vector<16xi32>, vector<16xi32> -> vector<16xi32>
        %add3A_810 = arith.addi %gather3A_809, %mul3A_10 : vector<16xi32>
        %swap3A_811 = arith.index_cast %add3A_799 : i32 to index
        %swap3A_812 = tpu.vector_load %arg7[%swap3A_811] {strides = array<i32>} : memref<2048xi32, #tpu.memory_space<vmem>>, vector<16xi32>,
        %swap3A_813 = vector.shape_cast %swap3A_812 : vector<16xi32> to vector<16xi32>
        %swap3A_814 = vector.shape_cast %add3A_810 : vector<16xi32> to vector<16xi32>
        tpu.vector_store %arg7[%swap3A_811], %swap3A_814 {strides = array<i32>} : memref<2048xi32, #tpu.memory_space<vmem>>, vector<16xi32>,
        %lt3A_815 = arith.constant 0 : i32
        %lt3A_816 = vector.broadcast %lt3A_815 : i32 to vector<16xi32>
        %lt3A_817 = arith.cmpi slt, %add3A_795, %lt3A_816 : vector<16xi32>
        %add3A_818 = arith.constant 16 : i32
        %add3A_819 = vector.broadcast %add3A_818 : i32 to vector<16xi32>
        %add3A_820 = arith.addi %add3A_795, %add3A_819 : vector<16xi32>
        %select_n3A_821 = arith.select %lt3A_817, %add3A_820, %add3A_795 : vector<16xi1>, vector<16xi32>
        %broadcast_in_dim3A_822 = vector.shape_cast %select_n3A_821 : vector<16xi32> to vector<16x1xi32>
        %gather3A_823 = vector.shape_cast %broadcast_in_dim3A_822 : vector<16x1xi32> to vector<16xi32>
        %gather3A_824 = tpu.dynamic_gather %select_n3A[%gather3A_823] in [0] : vector<16xi32>, vector<16xi32> -> vector<16xi32>
        %add3A_825 = arith.addi %gather3A_824, %and3A_2 : vector<16xi32>
        %swap3A_826 = arith.index_cast %add3A_799 : i32 to index
        %swap3A_827 = tpu.vector_load %arg8[%swap3A_826] {strides = array<i32>} : memref<2048xi32, #tpu.memory_space<vmem>>, vector<16xi32>,
        %swap3A_828 = vector.shape_cast %swap3A_827 : vector<16xi32> to vector<16xi32>
        %swap3A_829 = vector.shape_cast %add3A_825 : vector<16xi32> to vector<16xi32>
        tpu.vector_store %arg8[%swap3A_826], %swap3A_829 {strides = array<i32>} : memref<2048xi32, #tpu.memory_space<vmem>>, vector<16xi32>,
        %mul3A_830 = arith.constant 128 : i32
        %mul3A_831 = arith.muli %scan3A_510, %mul3A_830 : i32
        %mul3A_832 = arith.constant 128 : i32
        %mul3A_833 = arith.muli %scan3A_510, %mul3A_832 : i32
        %dma_start3A_834 = tpu.memref_slice %arg9[%mul3A_833] : memref<2048xi32, #tpu.memory_space<vmem>> -> memref<128xi32, #tpu.memory_space<vmem>>
        %dma_start3A_835 = tpu.memref_slice %arg7[%mul3A_831] : memref<2048xi32, #tpu.memory_space<vmem>> -> memref<128xi32, #tpu.memory_space<vmem>>
        %dma_start3A_836 = arith.constant 0 : i32
        %dma_start3A_837 = tpu.memref_slice %arg3[%dma_start3A_836] : memref<7999488xi32, #tpu.memory_space<hbm>> -> memref<7999488xi32, #tpu.memory_space<hbm>>
        tpu.enqueue_indirect_dma source(%dma_start3A_837 : memref<7999488xi32, #tpu.memory_space<hbm>>) target(%dma_start3A_834 : memref<128xi32, #tpu.memory_space<vmem>>) offsets(%dma_start3A_835 : memref<128xi32, #tpu.memory_space<vmem>>) semaphore(%arg13 : memref<!tpu.dma_semaphore, #tpu.memory_space<semaphore_mem>>)
      }
      %scan3A_206 = arith.constant 16 : i32
      %convert_element_type3A_207 = arith.extui %gt3A_195 : i1 to i32
      %cond3A_208 = arith.constant 0 : i32
      %cond3A_209 = arith.cmpi ne, %convert_element_type3A_207, %cond3A_208 : i32
      scf.if %cond3A_209 {
        %mul3A_510 = arith.constant 8 : i32
        %mul3A_511 = arith.muli %add3A_200, %mul3A_510 : i32
        %dma_wait3A_512 = arith.constant 0 : i32
        %dma_wait3A_513 = tpu.memref_slice %arg5[%mul3A_511, %dma_wait3A_512] : memref<1638400x16xf32, #tpu.memory_space<hbm>> -> memref<2048x16xf32, #tpu.memory_space<hbm>>
        %dma_wait3A_514 = arith.constant 0 : i32
        %dma_wait3A_515 = tpu.memref_slice %arg5[%mul3A_511, %dma_wait3A_514] : memref<1638400x16xf32, #tpu.memory_space<hbm>> -> memref<2048x16xf32, #tpu.memory_space<hbm>>
        tpu.wait_dma2 semaphore(%arg15 : memref<!tpu.dma_semaphore, #tpu.memory_space<semaphore_mem>>) src(%arg10 : memref<2048x16xf32, #tpu.memory_space<vmem>>) dst(%dma_wait3A_515 : memref<2048x16xf32, #tpu.memory_space<hbm>>)
      } else {
      }
      %scan3A_210 = arith.constant 0 : i32
      %scan3A_211 = arith.constant 0 : i32
      %scan3A_212 = arith.constant 16 : i32
      %scan3A_213 = arith.addi %scan3A_211, %scan3A_212 : i32
      %scan3A_214 = arith.constant 1 : i32
      scf.for %scan3A_510 = %scan3A_211 to %scan3A_213 step %scan3A_214  : i32 {
        %mul3A_511 = arith.constant 128 : i32
        %mul3A_512 = arith.muli %scan3A_510, %mul3A_511 : i32
        %mul3A_513 = arith.constant 128 : i32
        %mul3A_514 = arith.muli %scan3A_510, %mul3A_513 : i32
        %dma_wait3A_515 = tpu.memref_slice %arg9[%mul3A_514] : memref<2048xi32, #tpu.memory_space<vmem>> -> memref<128xi32, #tpu.memory_space<vmem>>
        %dma_wait3A_516 = tpu.memref_slice %arg7[%mul3A_512] : memref<2048xi32, #tpu.memory_space<vmem>> -> memref<128xi32, #tpu.memory_space<vmem>>
        %dma_wait3A_517 = arith.constant 0 : i32
        %dma_wait3A_518 = tpu.memref_slice %arg3[%dma_wait3A_517] : memref<7999488xi32, #tpu.memory_space<hbm>> -> memref<7999488xi32, #tpu.memory_space<hbm>>
        tpu.wait_indirect_dma semaphore(%arg13 : memref<!tpu.dma_semaphore, #tpu.memory_space<semaphore_mem>>) src(%dma_wait3A_518 : memref<7999488xi32, #tpu.memory_space<hbm>>) dst(%dma_wait3A_515 : memref<128xi32, #tpu.memory_space<vmem>>)
        %mul3A_519 = arith.constant 128 : i32
        %mul3A_520 = arith.muli %scan3A_510, %mul3A_519 : i32
        %add3A_521 = arith.constant 0 : i32
        %add3A_522 = arith.addi %mul3A_520, %add3A_521 : i32
        %get3A = arith.index_cast %add3A_522 : i32 to index
        %get3A_523 = tpu.vector_load %arg9[%get3A] {strides = array<i32>} : memref<2048xi32, #tpu.memory_space<vmem>>, vector<16xi32>,
        %get3A_524 = vector.shape_cast %get3A_523 : vector<16xi32> to vector<16xi32>
        %add3A_525 = arith.addi %get3A_524, %mul3A_7 : vector<16xi32>
        %get3A_526 = arith.index_cast %add3A_522 : i32 to index
        %get3A_527 = tpu.vector_load %arg8[%get3A_526] {strides = array<i32>} : memref<2048xi32, #tpu.memory_space<vmem>>, vector<16xi32>,
        %get3A_528 = vector.shape_cast %get3A_527 : vector<16xi32> to vector<16xi32>
        %max3A = arith.maxsi %add3A_525, %get3A_528 : vector<16xi32>
        %swap3A = arith.index_cast %add3A_522 : i32 to index
        %swap3A_529 = tpu.vector_load %arg7[%swap3A] {strides = array<i32>} : memref<2048xi32, #tpu.memory_space<vmem>>, vector<16xi32>,
        %swap3A_530 = vector.shape_cast %swap3A_529 : vector<16xi32> to vector<16xi32>
        %swap3A_531 = vector.shape_cast %max3A : vector<16xi32> to vector<16xi32>
        tpu.vector_store %arg7[%swap3A], %swap3A_531 {strides = array<i32>} : memref<2048xi32, #tpu.memory_space<vmem>>, vector<16xi32>,
        %mul3A_532 = arith.constant 128 : i32
        %mul3A_533 = arith.muli %scan3A_510, %mul3A_532 : i32
        %add3A_534 = arith.constant 16 : i32
        %add3A_535 = arith.addi %mul3A_533, %add3A_534 : i32
        %get3A_536 = arith.index_cast %add3A_535 : i32 to index
        %get3A_537 = tpu.vector_load %arg9[%get3A_536] {strides = array<i32>} : memref<2048xi32, #tpu.memory_space<vmem>>, vector<16xi32>,
        %get3A_538 = vector.shape_cast %get3A_537 : vector<16xi32> to vector<16xi32>
        %add3A_539 = arith.addi %get3A_538, %mul3A_7 : vector<16xi32>
        %get3A_540 = arith.index_cast %add3A_535 : i32 to index
        %get3A_541 = tpu.vector_load %arg8[%get3A_540] {strides = array<i32>} : memref<2048xi32, #tpu.memory_space<vmem>>, vector<16xi32>,
        %get3A_542 = vector.shape_cast %get3A_541 : vector<16xi32> to vector<16xi32>
        %max3A_543 = arith.maxsi %add3A_539, %get3A_542 : vector<16xi32>
        %swap3A_544 = arith.index_cast %add3A_535 : i32 to index
        %swap3A_545 = tpu.vector_load %arg7[%swap3A_544] {strides = array<i32>} : memref<2048xi32, #tpu.memory_space<vmem>>, vector<16xi32>,
        %swap3A_546 = vector.shape_cast %swap3A_545 : vector<16xi32> to vector<16xi32>
        %swap3A_547 = vector.shape_cast %max3A_543 : vector<16xi32> to vector<16xi32>
        tpu.vector_store %arg7[%swap3A_544], %swap3A_547 {strides = array<i32>} : memref<2048xi32, #tpu.memory_space<vmem>>, vector<16xi32>,
        %mul3A_548 = arith.constant 128 : i32
        %mul3A_549 = arith.muli %scan3A_510, %mul3A_548 : i32
        %add3A_550 = arith.constant 32 : i32
        %add3A_551 = arith.addi %mul3A_549, %add3A_550 : i32
        %get3A_552 = arith.index_cast %add3A_551 : i32 to index
        %get3A_553 = tpu.vector_load %arg9[%get3A_552] {strides = array<i32>} : memref<2048xi32, #tpu.memory_space<vmem>>, vector<16xi32>,
        %get3A_554 = vector.shape_cast %get3A_553 : vector<16xi32> to vector<16xi32>
        %add3A_555 = arith.addi %get3A_554, %mul3A_7 : vector<16xi32>
        %get3A_556 = arith.index_cast %add3A_551 : i32 to index
        %get3A_557 = tpu.vector_load %arg8[%get3A_556] {strides = array<i32>} : memref<2048xi32, #tpu.memory_space<vmem>>, vector<16xi32>,
        %get3A_558 = vector.shape_cast %get3A_557 : vector<16xi32> to vector<16xi32>
        %max3A_559 = arith.maxsi %add3A_555, %get3A_558 : vector<16xi32>
        %swap3A_560 = arith.index_cast %add3A_551 : i32 to index
        %swap3A_561 = tpu.vector_load %arg7[%swap3A_560] {strides = array<i32>} : memref<2048xi32, #tpu.memory_space<vmem>>, vector<16xi32>,
        %swap3A_562 = vector.shape_cast %swap3A_561 : vector<16xi32> to vector<16xi32>
        %swap3A_563 = vector.shape_cast %max3A_559 : vector<16xi32> to vector<16xi32>
        tpu.vector_store %arg7[%swap3A_560], %swap3A_563 {strides = array<i32>} : memref<2048xi32, #tpu.memory_space<vmem>>, vector<16xi32>,
        %mul3A_564 = arith.constant 128 : i32
        %mul3A_565 = arith.muli %scan3A_510, %mul3A_564 : i32
        %add3A_566 = arith.constant 48 : i32
        %add3A_567 = arith.addi %mul3A_565, %add3A_566 : i32
        %get3A_568 = arith.index_cast %add3A_567 : i32 to index
        %get3A_569 = tpu.vector_load %arg9[%get3A_568] {strides = array<i32>} : memref<2048xi32, #tpu.memory_space<vmem>>, vector<16xi32>,
        %get3A_570 = vector.shape_cast %get3A_569 : vector<16xi32> to vector<16xi32>
        %add3A_571 = arith.addi %get3A_570, %mul3A_7 : vector<16xi32>
        %get3A_572 = arith.index_cast %add3A_567 : i32 to index
        %get3A_573 = tpu.vector_load %arg8[%get3A_572] {strides = array<i32>} : memref<2048xi32, #tpu.memory_space<vmem>>, vector<16xi32>,
        %get3A_574 = vector.shape_cast %get3A_573 : vector<16xi32> to vector<16xi32>
        %max3A_575 = arith.maxsi %add3A_571, %get3A_574 : vector<16xi32>
        %swap3A_576 = arith.index_cast %add3A_567 : i32 to index
        %swap3A_577 = tpu.vector_load %arg7[%swap3A_576] {strides = array<i32>} : memref<2048xi32, #tpu.memory_space<vmem>>, vector<16xi32>,
        %swap3A_578 = vector.shape_cast %swap3A_577 : vector<16xi32> to vector<16xi32>
        %swap3A_579 = vector.shape_cast %max3A_575 : vector<16xi32> to vector<16xi32>
        tpu.vector_store %arg7[%swap3A_576], %swap3A_579 {strides = array<i32>} : memref<2048xi32, #tpu.memory_space<vmem>>, vector<16xi32>,
        %mul3A_580 = arith.constant 128 : i32
        %mul3A_581 = arith.muli %scan3A_510, %mul3A_580 : i32
        %add3A_582 = arith.constant 64 : i32
        %add3A_583 = arith.addi %mul3A_581, %add3A_582 : i32
        %get3A_584 = arith.index_cast %add3A_583 : i32 to index
        %get3A_585 = tpu.vector_load %arg9[%get3A_584] {strides = array<i32>} : memref<2048xi32, #tpu.memory_space<vmem>>, vector<16xi32>,
        %get3A_586 = vector.shape_cast %get3A_585 : vector<16xi32> to vector<16xi32>
        %add3A_587 = arith.addi %get3A_586, %mul3A_7 : vector<16xi32>
        %get3A_588 = arith.index_cast %add3A_583 : i32 to index
        %get3A_589 = tpu.vector_load %arg8[%get3A_588] {strides = array<i32>} : memref<2048xi32, #tpu.memory_space<vmem>>, vector<16xi32>,
        %get3A_590 = vector.shape_cast %get3A_589 : vector<16xi32> to vector<16xi32>
        %max3A_591 = arith.maxsi %add3A_587, %get3A_590 : vector<16xi32>
        %swap3A_592 = arith.index_cast %add3A_583 : i32 to index
        %swap3A_593 = tpu.vector_load %arg7[%swap3A_592] {strides = array<i32>} : memref<2048xi32, #tpu.memory_space<vmem>>, vector<16xi32>,
        %swap3A_594 = vector.shape_cast %swap3A_593 : vector<16xi32> to vector<16xi32>
        %swap3A_595 = vector.shape_cast %max3A_591 : vector<16xi32> to vector<16xi32>
        tpu.vector_store %arg7[%swap3A_592], %swap3A_595 {strides = array<i32>} : memref<2048xi32, #tpu.memory_space<vmem>>, vector<16xi32>,
        %mul3A_596 = arith.constant 128 : i32
        %mul3A_597 = arith.muli %scan3A_510, %mul3A_596 : i32
        %add3A_598 = arith.constant 80 : i32
        %add3A_599 = arith.addi %mul3A_597, %add3A_598 : i32
        %get3A_600 = arith.index_cast %add3A_599 : i32 to index
        %get3A_601 = tpu.vector_load %arg9[%get3A_600] {strides = array<i32>} : memref<2048xi32, #tpu.memory_space<vmem>>, vector<16xi32>,
        %get3A_602 = vector.shape_cast %get3A_601 : vector<16xi32> to vector<16xi32>
        %add3A_603 = arith.addi %get3A_602, %mul3A_7 : vector<16xi32>
        %get3A_604 = arith.index_cast %add3A_599 : i32 to index
        %get3A_605 = tpu.vector_load %arg8[%get3A_604] {strides = array<i32>} : memref<2048xi32, #tpu.memory_space<vmem>>, vector<16xi32>,
        %get3A_606 = vector.shape_cast %get3A_605 : vector<16xi32> to vector<16xi32>
        %max3A_607 = arith.maxsi %add3A_603, %get3A_606 : vector<16xi32>
        %swap3A_608 = arith.index_cast %add3A_599 : i32 to index
        %swap3A_609 = tpu.vector_load %arg7[%swap3A_608] {strides = array<i32>} : memref<2048xi32, #tpu.memory_space<vmem>>, vector<16xi32>,
        %swap3A_610 = vector.shape_cast %swap3A_609 : vector<16xi32> to vector<16xi32>
        %swap3A_611 = vector.shape_cast %max3A_607 : vector<16xi32> to vector<16xi32>
        tpu.vector_store %arg7[%swap3A_608], %swap3A_611 {strides = array<i32>} : memref<2048xi32, #tpu.memory_space<vmem>>, vector<16xi32>,
        %mul3A_612 = arith.constant 128 : i32
        %mul3A_613 = arith.muli %scan3A_510, %mul3A_612 : i32
        %add3A_614 = arith.constant 96 : i32
        %add3A_615 = arith.addi %mul3A_613, %add3A_614 : i32
        %get3A_616 = arith.index_cast %add3A_615 : i32 to index
        %get3A_617 = tpu.vector_load %arg9[%get3A_616] {strides = array<i32>} : memref<2048xi32, #tpu.memory_space<vmem>>, vector<16xi32>,
        %get3A_618 = vector.shape_cast %get3A_617 : vector<16xi32> to vector<16xi32>
        %add3A_619 = arith.addi %get3A_618, %mul3A_7 : vector<16xi32>
        %get3A_620 = arith.index_cast %add3A_615 : i32 to index
        %get3A_621 = tpu.vector_load %arg8[%get3A_620] {strides = array<i32>} : memref<2048xi32, #tpu.memory_space<vmem>>, vector<16xi32>,
        %get3A_622 = vector.shape_cast %get3A_621 : vector<16xi32> to vector<16xi32>
        %max3A_623 = arith.maxsi %add3A_619, %get3A_622 : vector<16xi32>
        %swap3A_624 = arith.index_cast %add3A_615 : i32 to index
        %swap3A_625 = tpu.vector_load %arg7[%swap3A_624] {strides = array<i32>} : memref<2048xi32, #tpu.memory_space<vmem>>, vector<16xi32>,
        %swap3A_626 = vector.shape_cast %swap3A_625 : vector<16xi32> to vector<16xi32>
        %swap3A_627 = vector.shape_cast %max3A_623 : vector<16xi32> to vector<16xi32>
        tpu.vector_store %arg7[%swap3A_624], %swap3A_627 {strides = array<i32>} : memref<2048xi32, #tpu.memory_space<vmem>>, vector<16xi32>,
        %mul3A_628 = arith.constant 128 : i32
        %mul3A_629 = arith.muli %scan3A_510, %mul3A_628 : i32
        %add3A_630 = arith.constant 112 : i32
        %add3A_631 = arith.addi %mul3A_629, %add3A_630 : i32
        %get3A_632 = arith.index_cast %add3A_631 : i32 to index
        %get3A_633 = tpu.vector_load %arg9[%get3A_632] {strides = array<i32>} : memref<2048xi32, #tpu.memory_space<vmem>>, vector<16xi32>,
        %get3A_634 = vector.shape_cast %get3A_633 : vector<16xi32> to vector<16xi32>
        %add3A_635 = arith.addi %get3A_634, %mul3A_7 : vector<16xi32>
        %get3A_636 = arith.index_cast %add3A_631 : i32 to index
        %get3A_637 = tpu.vector_load %arg8[%get3A_636] {strides = array<i32>} : memref<2048xi32, #tpu.memory_space<vmem>>, vector<16xi32>,
        %get3A_638 = vector.shape_cast %get3A_637 : vector<16xi32> to vector<16xi32>
        %max3A_639 = arith.maxsi %add3A_635, %get3A_638 : vector<16xi32>
        %swap3A_640 = arith.index_cast %add3A_631 : i32 to index
        %swap3A_641 = tpu.vector_load %arg7[%swap3A_640] {strides = array<i32>} : memref<2048xi32, #tpu.memory_space<vmem>>, vector<16xi32>,
        %swap3A_642 = vector.shape_cast %swap3A_641 : vector<16xi32> to vector<16xi32>
        %swap3A_643 = vector.shape_cast %max3A_639 : vector<16xi32> to vector<16xi32>
        tpu.vector_store %arg7[%swap3A_640], %swap3A_643 {strides = array<i32>} : memref<2048xi32, #tpu.memory_space<vmem>>, vector<16xi32>,
        %mul3A_644 = arith.constant 128 : i32
        %mul3A_645 = arith.muli %scan3A_510, %mul3A_644 : i32
        %mul3A_646 = arith.constant 128 : i32
        %mul3A_647 = arith.muli %scan3A_510, %mul3A_646 : i32
        %dma_start3A_648 = arith.constant 0 : i32
        %dma_start3A_649 = tpu.memref_slice %arg10[%mul3A_647, %dma_start3A_648] : memref<2048x16xf32, #tpu.memory_space<vmem>> -> memref<128x16xf32, #tpu.memory_space<vmem>>
        %dma_start3A_650 = tpu.memref_slice %arg7[%mul3A_645] : memref<2048xi32, #tpu.memory_space<vmem>> -> memref<128xi32, #tpu.memory_space<vmem>>
        %dma_start3A_651 = arith.constant 0 : i32
        %dma_start3A_652 = arith.constant 0 : i32
        %dma_start3A_653 = tpu.memref_slice %arg12[%dma_start3A_651, %dma_start3A_652] : memref<2568x16xf32, #tpu.memory_space<vmem_shared>> -> memref<2568x16xf32, #tpu.memory_space<vmem_shared>>
        tpu.enqueue_indirect_dma source(%dma_start3A_653 : memref<2568x16xf32, #tpu.memory_space<vmem_shared>>) target(%dma_start3A_649 : memref<128x16xf32, #tpu.memory_space<vmem>>) offsets(%dma_start3A_650 : memref<128xi32, #tpu.memory_space<vmem>>) semaphore(%arg14 : memref<!tpu.dma_semaphore, #tpu.memory_space<semaphore_mem>>)
      }
      %scan3A_215 = arith.constant 16 : i32
      %dma_wait3A_216 = arith.constant 0 : i32
      %dma_wait3A_217 = arith.constant 0 : i32
      %dma_wait3A_218 = tpu.memref_slice %arg10[%dma_wait3A_216, %dma_wait3A_217] : memref<2048x16xf32, #tpu.memory_space<vmem>> -> memref<128x16xf32, #tpu.memory_space<vmem>>
      %dma_wait3A_219 = arith.constant 0 : i32
      %dma_wait3A_220 = tpu.memref_slice %arg7[%dma_wait3A_219] : memref<2048xi32, #tpu.memory_space<vmem>> -> memref<128xi32, #tpu.memory_space<vmem>>
      %dma_wait3A_221 = arith.constant 0 : i32
      %dma_wait3A_222 = arith.constant 0 : i32
      %dma_wait3A_223 = tpu.memref_slice %arg12[%dma_wait3A_221, %dma_wait3A_222] : memref<2568x16xf32, #tpu.memory_space<vmem_shared>> -> memref<2568x16xf32, #tpu.memory_space<vmem_shared>>
      tpu.wait_indirect_dma semaphore(%arg14 : memref<!tpu.dma_semaphore, #tpu.memory_space<semaphore_mem>>) src(%dma_wait3A_223 : memref<2568x16xf32, #tpu.memory_space<vmem_shared>>) dst(%dma_wait3A_218 : memref<128x16xf32, #tpu.memory_space<vmem>>)
      %dma_wait3A_224 = arith.constant 128 : i32
      %dma_wait3A_225 = arith.constant 0 : i32
      %dma_wait3A_226 = tpu.memref_slice %arg10[%dma_wait3A_224, %dma_wait3A_225] : memref<2048x16xf32, #tpu.memory_space<vmem>> -> memref<128x16xf32, #tpu.memory_space<vmem>>
      %dma_wait3A_227 = arith.constant 128 : i32
      %dma_wait3A_228 = tpu.memref_slice %arg7[%dma_wait3A_227] : memref<2048xi32, #tpu.memory_space<vmem>> -> memref<128xi32, #tpu.memory_space<vmem>>
      %dma_wait3A_229 = arith.constant 0 : i32
      %dma_wait3A_230 = arith.constant 0 : i32
      %dma_wait3A_231 = tpu.memref_slice %arg12[%dma_wait3A_229, %dma_wait3A_230] : memref<2568x16xf32, #tpu.memory_space<vmem_shared>> -> memref<2568x16xf32, #tpu.memory_space<vmem_shared>>
      tpu.wait_indirect_dma semaphore(%arg14 : memref<!tpu.dma_semaphore, #tpu.memory_space<semaphore_mem>>) src(%dma_wait3A_231 : memref<2568x16xf32, #tpu.memory_space<vmem_shared>>) dst(%dma_wait3A_226 : memref<128x16xf32, #tpu.memory_space<vmem>>)
      %dma_wait3A_232 = arith.constant 256 : i32
      %dma_wait3A_233 = arith.constant 0 : i32
      %dma_wait3A_234 = tpu.memref_slice %arg10[%dma_wait3A_232, %dma_wait3A_233] : memref<2048x16xf32, #tpu.memory_space<vmem>> -> memref<128x16xf32, #tpu.memory_space<vmem>>
      %dma_wait3A_235 = arith.constant 256 : i32
      %dma_wait3A_236 = tpu.memref_slice %arg7[%dma_wait3A_235] : memref<2048xi32, #tpu.memory_space<vmem>> -> memref<128xi32, #tpu.memory_space<vmem>>
      %dma_wait3A_237 = arith.constant 0 : i32
      %dma_wait3A_238 = arith.constant 0 : i32
      %dma_wait3A_239 = tpu.memref_slice %arg12[%dma_wait3A_237, %dma_wait3A_238] : memref<2568x16xf32, #tpu.memory_space<vmem_shared>> -> memref<2568x16xf32, #tpu.memory_space<vmem_shared>>
      tpu.wait_indirect_dma semaphore(%arg14 : memref<!tpu.dma_semaphore, #tpu.memory_space<semaphore_mem>>) src(%dma_wait3A_239 : memref<2568x16xf32, #tpu.memory_space<vmem_shared>>) dst(%dma_wait3A_234 : memref<128x16xf32, #tpu.memory_space<vmem>>)
      %dma_wait3A_240 = arith.constant 384 : i32
      %dma_wait3A_241 = arith.constant 0 : i32
      %dma_wait3A_242 = tpu.memref_slice %arg10[%dma_wait3A_240, %dma_wait3A_241] : memref<2048x16xf32, #tpu.memory_space<vmem>> -> memref<128x16xf32, #tpu.memory_space<vmem>>
      %dma_wait3A_243 = arith.constant 384 : i32
      %dma_wait3A_244 = tpu.memref_slice %arg7[%dma_wait3A_243] : memref<2048xi32, #tpu.memory_space<vmem>> -> memref<128xi32, #tpu.memory_space<vmem>>
      %dma_wait3A_245 = arith.constant 0 : i32
      %dma_wait3A_246 = arith.constant 0 : i32
      %dma_wait3A_247 = tpu.memref_slice %arg12[%dma_wait3A_245, %dma_wait3A_246] : memref<2568x16xf32, #tpu.memory_space<vmem_shared>> -> memref<2568x16xf32, #tpu.memory_space<vmem_shared>>
      tpu.wait_indirect_dma semaphore(%arg14 : memref<!tpu.dma_semaphore, #tpu.memory_space<semaphore_mem>>) src(%dma_wait3A_247 : memref<2568x16xf32, #tpu.memory_space<vmem_shared>>) dst(%dma_wait3A_242 : memref<128x16xf32, #tpu.memory_space<vmem>>)
      %dma_wait3A_248 = arith.constant 512 : i32
      %dma_wait3A_249 = arith.constant 0 : i32
      %dma_wait3A_250 = tpu.memref_slice %arg10[%dma_wait3A_248, %dma_wait3A_249] : memref<2048x16xf32, #tpu.memory_space<vmem>> -> memref<128x16xf32, #tpu.memory_space<vmem>>
      %dma_wait3A_251 = arith.constant 512 : i32
      %dma_wait3A_252 = tpu.memref_slice %arg7[%dma_wait3A_251] : memref<2048xi32, #tpu.memory_space<vmem>> -> memref<128xi32, #tpu.memory_space<vmem>>
      %dma_wait3A_253 = arith.constant 0 : i32
      %dma_wait3A_254 = arith.constant 0 : i32
      %dma_wait3A_255 = tpu.memref_slice %arg12[%dma_wait3A_253, %dma_wait3A_254] : memref<2568x16xf32, #tpu.memory_space<vmem_shared>> -> memref<2568x16xf32, #tpu.memory_space<vmem_shared>>
      tpu.wait_indirect_dma semaphore(%arg14 : memref<!tpu.dma_semaphore, #tpu.memory_space<semaphore_mem>>) src(%dma_wait3A_255 : memref<2568x16xf32, #tpu.memory_space<vmem_shared>>) dst(%dma_wait3A_250 : memref<128x16xf32, #tpu.memory_space<vmem>>)
      %dma_wait3A_256 = arith.constant 640 : i32
      %dma_wait3A_257 = arith.constant 0 : i32
      %dma_wait3A_258 = tpu.memref_slice %arg10[%dma_wait3A_256, %dma_wait3A_257] : memref<2048x16xf32, #tpu.memory_space<vmem>> -> memref<128x16xf32, #tpu.memory_space<vmem>>
      %dma_wait3A_259 = arith.constant 640 : i32
      %dma_wait3A_260 = tpu.memref_slice %arg7[%dma_wait3A_259] : memref<2048xi32, #tpu.memory_space<vmem>> -> memref<128xi32, #tpu.memory_space<vmem>>
      %dma_wait3A_261 = arith.constant 0 : i32
      %dma_wait3A_262 = arith.constant 0 : i32
      %dma_wait3A_263 = tpu.memref_slice %arg12[%dma_wait3A_261, %dma_wait3A_262] : memref<2568x16xf32, #tpu.memory_space<vmem_shared>> -> memref<2568x16xf32, #tpu.memory_space<vmem_shared>>
      tpu.wait_indirect_dma semaphore(%arg14 : memref<!tpu.dma_semaphore, #tpu.memory_space<semaphore_mem>>) src(%dma_wait3A_263 : memref<2568x16xf32, #tpu.memory_space<vmem_shared>>) dst(%dma_wait3A_258 : memref<128x16xf32, #tpu.memory_space<vmem>>)
      %dma_wait3A_264 = arith.constant 768 : i32
      %dma_wait3A_265 = arith.constant 0 : i32
      %dma_wait3A_266 = tpu.memref_slice %arg10[%dma_wait3A_264, %dma_wait3A_265] : memref<2048x16xf32, #tpu.memory_space<vmem>> -> memref<128x16xf32, #tpu.memory_space<vmem>>
      %dma_wait3A_267 = arith.constant 768 : i32
      %dma_wait3A_268 = tpu.memref_slice %arg7[%dma_wait3A_267] : memref<2048xi32, #tpu.memory_space<vmem>> -> memref<128xi32, #tpu.memory_space<vmem>>
      %dma_wait3A_269 = arith.constant 0 : i32
      %dma_wait3A_270 = arith.constant 0 : i32
      %dma_wait3A_271 = tpu.memref_slice %arg12[%dma_wait3A_269, %dma_wait3A_270] : memref<2568x16xf32, #tpu.memory_space<vmem_shared>> -> memref<2568x16xf32, #tpu.memory_space<vmem_shared>>
      tpu.wait_indirect_dma semaphore(%arg14 : memref<!tpu.dma_semaphore, #tpu.memory_space<semaphore_mem>>) src(%dma_wait3A_271 : memref<2568x16xf32, #tpu.memory_space<vmem_shared>>) dst(%dma_wait3A_266 : memref<128x16xf32, #tpu.memory_space<vmem>>)
      %dma_wait3A_272 = arith.constant 896 : i32
      %dma_wait3A_273 = arith.constant 0 : i32
      %dma_wait3A_274 = tpu.memref_slice %arg10[%dma_wait3A_272, %dma_wait3A_273] : memref<2048x16xf32, #tpu.memory_space<vmem>> -> memref<128x16xf32, #tpu.memory_space<vmem>>
      %dma_wait3A_275 = arith.constant 896 : i32
      %dma_wait3A_276 = tpu.memref_slice %arg7[%dma_wait3A_275] : memref<2048xi32, #tpu.memory_space<vmem>> -> memref<128xi32, #tpu.memory_space<vmem>>
      %dma_wait3A_277 = arith.constant 0 : i32
      %dma_wait3A_278 = arith.constant 0 : i32
      %dma_wait3A_279 = tpu.memref_slice %arg12[%dma_wait3A_277, %dma_wait3A_278] : memref<2568x16xf32, #tpu.memory_space<vmem_shared>> -> memref<2568x16xf32, #tpu.memory_space<vmem_shared>>
      tpu.wait_indirect_dma semaphore(%arg14 : memref<!tpu.dma_semaphore, #tpu.memory_space<semaphore_mem>>) src(%dma_wait3A_279 : memref<2568x16xf32, #tpu.memory_space<vmem_shared>>) dst(%dma_wait3A_274 : memref<128x16xf32, #tpu.memory_space<vmem>>)
      %dma_wait3A_280 = arith.constant 1024 : i32
      %dma_wait3A_281 = arith.constant 0 : i32
      %dma_wait3A_282 = tpu.memref_slice %arg10[%dma_wait3A_280, %dma_wait3A_281] : memref<2048x16xf32, #tpu.memory_space<vmem>> -> memref<128x16xf32, #tpu.memory_space<vmem>>
      %dma_wait3A_283 = arith.constant 1024 : i32
      %dma_wait3A_284 = tpu.memref_slice %arg7[%dma_wait3A_283] : memref<2048xi32, #tpu.memory_space<vmem>> -> memref<128xi32, #tpu.memory_space<vmem>>
      %dma_wait3A_285 = arith.constant 0 : i32
      %dma_wait3A_286 = arith.constant 0 : i32
      %dma_wait3A_287 = tpu.memref_slice %arg12[%dma_wait3A_285, %dma_wait3A_286] : memref<2568x16xf32, #tpu.memory_space<vmem_shared>> -> memref<2568x16xf32, #tpu.memory_space<vmem_shared>>
      tpu.wait_indirect_dma semaphore(%arg14 : memref<!tpu.dma_semaphore, #tpu.memory_space<semaphore_mem>>) src(%dma_wait3A_287 : memref<2568x16xf32, #tpu.memory_space<vmem_shared>>) dst(%dma_wait3A_282 : memref<128x16xf32, #tpu.memory_space<vmem>>)
      %dma_wait3A_288 = arith.constant 1152 : i32
      %dma_wait3A_289 = arith.constant 0 : i32
      %dma_wait3A_290 = tpu.memref_slice %arg10[%dma_wait3A_288, %dma_wait3A_289] : memref<2048x16xf32, #tpu.memory_space<vmem>> -> memref<128x16xf32, #tpu.memory_space<vmem>>
      %dma_wait3A_291 = arith.constant 1152 : i32
      %dma_wait3A_292 = tpu.memref_slice %arg7[%dma_wait3A_291] : memref<2048xi32, #tpu.memory_space<vmem>> -> memref<128xi32, #tpu.memory_space<vmem>>
      %dma_wait3A_293 = arith.constant 0 : i32
      %dma_wait3A_294 = arith.constant 0 : i32
      %dma_wait3A_295 = tpu.memref_slice %arg12[%dma_wait3A_293, %dma_wait3A_294] : memref<2568x16xf32, #tpu.memory_space<vmem_shared>> -> memref<2568x16xf32, #tpu.memory_space<vmem_shared>>
      tpu.wait_indirect_dma semaphore(%arg14 : memref<!tpu.dma_semaphore, #tpu.memory_space<semaphore_mem>>) src(%dma_wait3A_295 : memref<2568x16xf32, #tpu.memory_space<vmem_shared>>) dst(%dma_wait3A_290 : memref<128x16xf32, #tpu.memory_space<vmem>>)
      %dma_wait3A_296 = arith.constant 1280 : i32
      %dma_wait3A_297 = arith.constant 0 : i32
      %dma_wait3A_298 = tpu.memref_slice %arg10[%dma_wait3A_296, %dma_wait3A_297] : memref<2048x16xf32, #tpu.memory_space<vmem>> -> memref<128x16xf32, #tpu.memory_space<vmem>>
      %dma_wait3A_299 = arith.constant 1280 : i32
      %dma_wait3A_300 = tpu.memref_slice %arg7[%dma_wait3A_299] : memref<2048xi32, #tpu.memory_space<vmem>> -> memref<128xi32, #tpu.memory_space<vmem>>
      %dma_wait3A_301 = arith.constant 0 : i32
      %dma_wait3A_302 = arith.constant 0 : i32
      %dma_wait3A_303 = tpu.memref_slice %arg12[%dma_wait3A_301, %dma_wait3A_302] : memref<2568x16xf32, #tpu.memory_space<vmem_shared>> -> memref<2568x16xf32, #tpu.memory_space<vmem_shared>>
      tpu.wait_indirect_dma semaphore(%arg14 : memref<!tpu.dma_semaphore, #tpu.memory_space<semaphore_mem>>) src(%dma_wait3A_303 : memref<2568x16xf32, #tpu.memory_space<vmem_shared>>) dst(%dma_wait3A_298 : memref<128x16xf32, #tpu.memory_space<vmem>>)
      %dma_wait3A_304 = arith.constant 1408 : i32
      %dma_wait3A_305 = arith.constant 0 : i32
      %dma_wait3A_306 = tpu.memref_slice %arg10[%dma_wait3A_304, %dma_wait3A_305] : memref<2048x16xf32, #tpu.memory_space<vmem>> -> memref<128x16xf32, #tpu.memory_space<vmem>>
      %dma_wait3A_307 = arith.constant 1408 : i32
      %dma_wait3A_308 = tpu.memref_slice %arg7[%dma_wait3A_307] : memref<2048xi32, #tpu.memory_space<vmem>> -> memref<128xi32, #tpu.memory_space<vmem>>
      %dma_wait3A_309 = arith.constant 0 : i32
      %dma_wait3A_310 = arith.constant 0 : i32
      %dma_wait3A_311 = tpu.memref_slice %arg12[%dma_wait3A_309, %dma_wait3A_310] : memref<2568x16xf32, #tpu.memory_space<vmem_shared>> -> memref<2568x16xf32, #tpu.memory_space<vmem_shared>>
      tpu.wait_indirect_dma semaphore(%arg14 : memref<!tpu.dma_semaphore, #tpu.memory_space<semaphore_mem>>) src(%dma_wait3A_311 : memref<2568x16xf32, #tpu.memory_space<vmem_shared>>) dst(%dma_wait3A_306 : memref<128x16xf32, #tpu.memory_space<vmem>>)
      %dma_wait3A_312 = arith.constant 1536 : i32
      %dma_wait3A_313 = arith.constant 0 : i32
      %dma_wait3A_314 = tpu.memref_slice %arg10[%dma_wait3A_312, %dma_wait3A_313] : memref<2048x16xf32, #tpu.memory_space<vmem>> -> memref<128x16xf32, #tpu.memory_space<vmem>>
      %dma_wait3A_315 = arith.constant 1536 : i32
      %dma_wait3A_316 = tpu.memref_slice %arg7[%dma_wait3A_315] : memref<2048xi32, #tpu.memory_space<vmem>> -> memref<128xi32, #tpu.memory_space<vmem>>
      %dma_wait3A_317 = arith.constant 0 : i32
      %dma_wait3A_318 = arith.constant 0 : i32
      %dma_wait3A_319 = tpu.memref_slice %arg12[%dma_wait3A_317, %dma_wait3A_318] : memref<2568x16xf32, #tpu.memory_space<vmem_shared>> -> memref<2568x16xf32, #tpu.memory_space<vmem_shared>>
      tpu.wait_indirect_dma semaphore(%arg14 : memref<!tpu.dma_semaphore, #tpu.memory_space<semaphore_mem>>) src(%dma_wait3A_319 : memref<2568x16xf32, #tpu.memory_space<vmem_shared>>) dst(%dma_wait3A_314 : memref<128x16xf32, #tpu.memory_space<vmem>>)
      %dma_wait3A_320 = arith.constant 1664 : i32
      %dma_wait3A_321 = arith.constant 0 : i32
      %dma_wait3A_322 = tpu.memref_slice %arg10[%dma_wait3A_320, %dma_wait3A_321] : memref<2048x16xf32, #tpu.memory_space<vmem>> -> memref<128x16xf32, #tpu.memory_space<vmem>>
      %dma_wait3A_323 = arith.constant 1664 : i32
      %dma_wait3A_324 = tpu.memref_slice %arg7[%dma_wait3A_323] : memref<2048xi32, #tpu.memory_space<vmem>> -> memref<128xi32, #tpu.memory_space<vmem>>
      %dma_wait3A_325 = arith.constant 0 : i32
      %dma_wait3A_326 = arith.constant 0 : i32
      %dma_wait3A_327 = tpu.memref_slice %arg12[%dma_wait3A_325, %dma_wait3A_326] : memref<2568x16xf32, #tpu.memory_space<vmem_shared>> -> memref<2568x16xf32, #tpu.memory_space<vmem_shared>>
      tpu.wait_indirect_dma semaphore(%arg14 : memref<!tpu.dma_semaphore, #tpu.memory_space<semaphore_mem>>) src(%dma_wait3A_327 : memref<2568x16xf32, #tpu.memory_space<vmem_shared>>) dst(%dma_wait3A_322 : memref<128x16xf32, #tpu.memory_space<vmem>>)
      %dma_wait3A_328 = arith.constant 1792 : i32
      %dma_wait3A_329 = arith.constant 0 : i32
      %dma_wait3A_330 = tpu.memref_slice %arg10[%dma_wait3A_328, %dma_wait3A_329] : memref<2048x16xf32, #tpu.memory_space<vmem>> -> memref<128x16xf32, #tpu.memory_space<vmem>>
      %dma_wait3A_331 = arith.constant 1792 : i32
      %dma_wait3A_332 = tpu.memref_slice %arg7[%dma_wait3A_331] : memref<2048xi32, #tpu.memory_space<vmem>> -> memref<128xi32, #tpu.memory_space<vmem>>
      %dma_wait3A_333 = arith.constant 0 : i32
      %dma_wait3A_334 = arith.constant 0 : i32
      %dma_wait3A_335 = tpu.memref_slice %arg12[%dma_wait3A_333, %dma_wait3A_334] : memref<2568x16xf32, #tpu.memory_space<vmem_shared>> -> memref<2568x16xf32, #tpu.memory_space<vmem_shared>>
      tpu.wait_indirect_dma semaphore(%arg14 : memref<!tpu.dma_semaphore, #tpu.memory_space<semaphore_mem>>) src(%dma_wait3A_335 : memref<2568x16xf32, #tpu.memory_space<vmem_shared>>) dst(%dma_wait3A_330 : memref<128x16xf32, #tpu.memory_space<vmem>>)
      %dma_wait3A_336 = arith.constant 1920 : i32
      %dma_wait3A_337 = arith.constant 0 : i32
      %dma_wait3A_338 = tpu.memref_slice %arg10[%dma_wait3A_336, %dma_wait3A_337] : memref<2048x16xf32, #tpu.memory_space<vmem>> -> memref<128x16xf32, #tpu.memory_space<vmem>>
      %dma_wait3A_339 = arith.constant 1920 : i32
      %dma_wait3A_340 = tpu.memref_slice %arg7[%dma_wait3A_339] : memref<2048xi32, #tpu.memory_space<vmem>> -> memref<128xi32, #tpu.memory_space<vmem>>
      %dma_wait3A_341 = arith.constant 0 : i32
      %dma_wait3A_342 = arith.constant 0 : i32
      %dma_wait3A_343 = tpu.memref_slice %arg12[%dma_wait3A_341, %dma_wait3A_342] : memref<2568x16xf32, #tpu.memory_space<vmem_shared>> -> memref<2568x16xf32, #tpu.memory_space<vmem_shared>>
      tpu.wait_indirect_dma semaphore(%arg14 : memref<!tpu.dma_semaphore, #tpu.memory_space<semaphore_mem>>) src(%dma_wait3A_343 : memref<2568x16xf32, #tpu.memory_space<vmem_shared>>) dst(%dma_wait3A_338 : memref<128x16xf32, #tpu.memory_space<vmem>>)
      %mul3A_344 = arith.constant 8 : i32
      %mul3A_345 = arith.muli %add3A_200, %mul3A_344 : i32
      %dma_start3A_346 = arith.constant 0 : i32
      %dma_start3A_347 = tpu.memref_slice %arg5[%mul3A_345, %dma_start3A_346] : memref<1638400x16xf32, #tpu.memory_space<hbm>> -> memref<2048x16xf32, #tpu.memory_space<hbm>>
      %dma_start3A_348 = arith.constant 0 : i32
      %dma_start3A_349 = tpu.memref_slice %arg5[%mul3A_345, %dma_start3A_348] : memref<1638400x16xf32, #tpu.memory_space<hbm>> -> memref<2048x16xf32, #tpu.memory_space<hbm>>
      tpu.enqueue_dma source(%arg10 : memref<2048x16xf32, #tpu.memory_space<vmem>>) target(%dma_start3A_349 : memref<2048x16xf32, #tpu.memory_space<hbm>>) target_semaphore(%arg15 : memref<!tpu.dma_semaphore, #tpu.memory_space<semaphore_mem>>)
      %mul3A_350 = arith.constant 2 : i32
      %mul3A_351 = arith.muli %mul3A_350, %scan3A_192 : i32
      %add3A_352 = arith.constant 1 : i32
      %add3A_353 = arith.addi %mul3A_351, %add3A_352 : i32
      %gt3A_354 = arith.constant 0 : i32
      %gt3A_355 = arith.cmpi sgt, %scan3A_192, %gt3A_354 : i32
      %mul3A_356 = arith.constant 6400 : i32
      %mul3A_357 = arith.muli %add3A, %mul3A_356 : i32
      %mul3A_358 = arith.constant 256 : i32
      %mul3A_359 = arith.muli %add3A_353, %mul3A_358 : i32
      %add3A_360 = arith.addi %mul3A_357, %mul3A_359 : i32
      "tpu.region"() ({
        %run_scoped3A = tpu.sem_alloc : memref<!tpu.dma_semaphore, #tpu.memory_space<semaphore_mem>>
        %dma_start3A_510 = tpu.memref_slice %arg2[%add3A_360] : memref<204800xi32, #tpu.memory_space<hbm>> -> memref<256xi32, #tpu.memory_space<hbm>>
        %dma_start3A_511 = tpu.memref_slice %arg2[%add3A_360] : memref<204800xi32, #tpu.memory_space<hbm>> -> memref<256xi32, #tpu.memory_space<hbm>>
        tpu.enqueue_dma source(%dma_start3A_511 : memref<256xi32, #tpu.memory_space<hbm>>) target(%arg6 : memref<256xi32, #tpu.memory_space<vmem>>) target_semaphore(%run_scoped3A : memref<!tpu.dma_semaphore, #tpu.memory_space<semaphore_mem>>)
        %dma_wait3A_512 = tpu.memref_slice %arg2[%add3A_360] : memref<204800xi32, #tpu.memory_space<hbm>> -> memref<256xi32, #tpu.memory_space<hbm>>
        %dma_wait3A_513 = tpu.memref_slice %arg2[%add3A_360] : memref<204800xi32, #tpu.memory_space<hbm>> -> memref<256xi32, #tpu.memory_space<hbm>>
        tpu.wait_dma2 semaphore(%run_scoped3A : memref<!tpu.dma_semaphore, #tpu.memory_space<semaphore_mem>>) src(%dma_wait3A_513 : memref<256xi32, #tpu.memory_space<hbm>>) dst(%arg6 : memref<256xi32, #tpu.memory_space<vmem>>)
        tpu.yield
      }) : () -> ()
      %scan3A_361 = arith.constant 0 : i32
      %scan3A_362 = arith.constant 0 : i32
      %scan3A_363 = arith.constant 16 : i32
      %scan3A_364 = arith.addi %scan3A_362, %scan3A_363 : i32
      %scan3A_365 = arith.constant 1 : i32
      scf.for %scan3A_510 = %scan3A_362 to %scan3A_364 step %scan3A_365  : i32 {
        %mul3A_511 = arith.constant 16 : i32
        %mul3A_512 = arith.muli %scan3A_510, %mul3A_511 : i32
        %get3A = arith.index_cast %mul3A_512 : i32 to index
        %get3A_513 = tpu.vector_load %arg6[%get3A] {strides = array<i32>} : memref<256xi32, #tpu.memory_space<vmem>>, vector<16xi32>,
        %get3A_514 = vector.shape_cast %get3A_513 : vector<16xi32> to vector<16xi32>
        %min3A = arith.constant 999935 : i32
        %min3A_515 = vector.broadcast %min3A : i32 to vector<16xi32>
        %min3A_516 = arith.minsi %get3A_514, %min3A_515 : vector<16xi32>
        %shift_right_logical3A_517 = arith.constant 7 : i32
        %shift_right_logical3A_518 = vector.broadcast %shift_right_logical3A_517 : i32 to vector<16xi32>
        %shift_right_logical3A_519 = arith.shrui %min3A_516, %shift_right_logical3A_518 : vector<16xi32>
        %mul3A_520 = arith.constant 1024 : i32
        %mul3A_521 = vector.broadcast %mul3A_520 : i32 to vector<16xi32>
        %mul3A_522 = arith.muli %shift_right_logical3A_519, %mul3A_521 : vector<16xi32>
        %and3A_523 = arith.constant 127 : i32
        %and3A_524 = vector.broadcast %and3A_523 : i32 to vector<16xi32>
        %and3A_525 = arith.andi %min3A_516, %and3A_524 : vector<16xi32>
        %add3A_526 = arith.addi %mul3A_522, %and3A_525 : vector<16xi32>
        %ge3A = arith.constant 999936 : i32
        %ge3A_527 = vector.broadcast %ge3A : i32 to vector<16xi32>
        %ge3A_528 = arith.cmpi sge, %get3A_514, %ge3A_527 : vector<16xi32>
        %sub3A = arith.constant 999936 : i32
        %sub3A_529 = vector.broadcast %sub3A : i32 to vector<16xi32>
        %sub3A_530 = arith.subi %get3A_514, %sub3A_529 : vector<16xi32>
        %mul3A_531 = arith.constant 8 : i32
        %mul3A_532 = vector.broadcast %mul3A_531 : i32 to vector<16xi32>
        %mul3A_533 = arith.muli %sub3A_530, %mul3A_532 : vector<16xi32>
        %add3A_534 = arith.constant 2048 : i32
        %add3A_535 = vector.broadcast %add3A_534 : i32 to vector<16xi32>
        %add3A_536 = arith.addi %mul3A_533, %add3A_535 : vector<16xi32>
        %jit3A = arith.constant 0 : i32
        %broadcast_in_dim3A = vector.broadcast %jit3A : i32 to vector<16xi32>
        %select_n3A = arith.select %ge3A_528, %add3A_536, %broadcast_in_dim3A : vector<16xi1>, vector<16xi32>
        %add3A_537 = arith.constant 0 : i32
        %add3A_538 = vector.broadcast %add3A_537 : i32 to vector<16xi32>
        %add3A_539 = arith.addi %shift_right_logical3A_4, %add3A_538 : vector<16xi32>
        %mul3A_540 = arith.constant 128 : i32
        %mul3A_541 = arith.muli %scan3A_510, %mul3A_540 : i32
        %add3A_542 = arith.constant 0 : i32
        %add3A_543 = arith.addi %mul3A_541, %add3A_542 : i32
        %lt3A = arith.constant 0 : i32
        %lt3A_544 = vector.broadcast %lt3A : i32 to vector<16xi32>
        %lt3A_545 = arith.cmpi slt, %add3A_539, %lt3A_544 : vector<16xi32>
        %add3A_546 = arith.constant 16 : i32
        %add3A_547 = vector.broadcast %add3A_546 : i32 to vector<16xi32>
        %add3A_548 = arith.addi %add3A_539, %add3A_547 : vector<16xi32>
        %select_n3A_549 = arith.select %lt3A_545, %add3A_548, %add3A_539 : vector<16xi1>, vector<16xi32>
        %broadcast_in_dim3A_550 = vector.shape_cast %select_n3A_549 : vector<16xi32> to vector<16x1xi32>
        %gather3A = vector.shape_cast %broadcast_in_dim3A_550 : vector<16x1xi32> to vector<16xi32>
        %gather3A_551 = tpu.dynamic_gather %add3A_526[%gather3A] in [0] : vector<16xi32>, vector<16xi32> -> vector<16xi32>
        %add3A_552 = arith.addi %gather3A_551, %mul3A_10 : vector<16xi32>
        %swap3A = arith.index_cast %add3A_543 : i32 to index
        %swap3A_553 = tpu.vector_load %arg7[%swap3A] {strides = array<i32>} : memref<2048xi32, #tpu.memory_space<vmem>>, vector<16xi32>,
        %swap3A_554 = vector.shape_cast %swap3A_553 : vector<16xi32> to vector<16xi32>
        %swap3A_555 = vector.shape_cast %add3A_552 : vector<16xi32> to vector<16xi32>
        tpu.vector_store %arg7[%swap3A], %swap3A_555 {strides = array<i32>} : memref<2048xi32, #tpu.memory_space<vmem>>, vector<16xi32>,
        %lt3A_556 = arith.constant 0 : i32
        %lt3A_557 = vector.broadcast %lt3A_556 : i32 to vector<16xi32>
        %lt3A_558 = arith.cmpi slt, %add3A_539, %lt3A_557 : vector<16xi32>
        %add3A_559 = arith.constant 16 : i32
        %add3A_560 = vector.broadcast %add3A_559 : i32 to vector<16xi32>
        %add3A_561 = arith.addi %add3A_539, %add3A_560 : vector<16xi32>
        %select_n3A_562 = arith.select %lt3A_558, %add3A_561, %add3A_539 : vector<16xi1>, vector<16xi32>
        %broadcast_in_dim3A_563 = vector.shape_cast %select_n3A_562 : vector<16xi32> to vector<16x1xi32>
        %gather3A_564 = vector.shape_cast %broadcast_in_dim3A_563 : vector<16x1xi32> to vector<16xi32>
        %gather3A_565 = tpu.dynamic_gather %select_n3A[%gather3A_564] in [0] : vector<16xi32>, vector<16xi32> -> vector<16xi32>
        %add3A_566 = arith.addi %gather3A_565, %and3A_2 : vector<16xi32>
        %swap3A_567 = arith.index_cast %add3A_543 : i32 to index
        %swap3A_568 = tpu.vector_load %arg8[%swap3A_567] {strides = array<i32>} : memref<2048xi32, #tpu.memory_space<vmem>>, vector<16xi32>,
        %swap3A_569 = vector.shape_cast %swap3A_568 : vector<16xi32> to vector<16xi32>
        %swap3A_570 = vector.shape_cast %add3A_566 : vector<16xi32> to vector<16xi32>
        tpu.vector_store %arg8[%swap3A_567], %swap3A_570 {strides = array<i32>} : memref<2048xi32, #tpu.memory_space<vmem>>, vector<16xi32>,
        %add3A_571 = arith.constant 2 : i32
        %add3A_572 = vector.broadcast %add3A_571 : i32 to vector<16xi32>
        %add3A_573 = arith.addi %shift_right_logical3A_4, %add3A_572 : vector<16xi32>
        %mul3A_574 = arith.constant 128 : i32
        %mul3A_575 = arith.muli %scan3A_510, %mul3A_574 : i32
        %add3A_576 = arith.constant 16 : i32
        %add3A_577 = arith.addi %mul3A_575, %add3A_576 : i32
        %lt3A_578 = arith.constant 0 : i32
        %lt3A_579 = vector.broadcast %lt3A_578 : i32 to vector<16xi32>
        %lt3A_580 = arith.cmpi slt, %add3A_573, %lt3A_579 : vector<16xi32>
        %add3A_581 = arith.constant 16 : i32
        %add3A_582 = vector.broadcast %add3A_581 : i32 to vector<16xi32>
        %add3A_583 = arith.addi %add3A_573, %add3A_582 : vector<16xi32>
        %select_n3A_584 = arith.select %lt3A_580, %add3A_583, %add3A_573 : vector<16xi1>, vector<16xi32>
        %broadcast_in_dim3A_585 = vector.shape_cast %select_n3A_584 : vector<16xi32> to vector<16x1xi32>
        %gather3A_586 = vector.shape_cast %broadcast_in_dim3A_585 : vector<16x1xi32> to vector<16xi32>
        %gather3A_587 = tpu.dynamic_gather %add3A_526[%gather3A_586] in [0] : vector<16xi32>, vector<16xi32> -> vector<16xi32>
        %add3A_588 = arith.addi %gather3A_587, %mul3A_10 : vector<16xi32>
        %swap3A_589 = arith.index_cast %add3A_577 : i32 to index
        %swap3A_590 = tpu.vector_load %arg7[%swap3A_589] {strides = array<i32>} : memref<2048xi32, #tpu.memory_space<vmem>>, vector<16xi32>,
        %swap3A_591 = vector.shape_cast %swap3A_590 : vector<16xi32> to vector<16xi32>
        %swap3A_592 = vector.shape_cast %add3A_588 : vector<16xi32> to vector<16xi32>
        tpu.vector_store %arg7[%swap3A_589], %swap3A_592 {strides = array<i32>} : memref<2048xi32, #tpu.memory_space<vmem>>, vector<16xi32>,
        %lt3A_593 = arith.constant 0 : i32
        %lt3A_594 = vector.broadcast %lt3A_593 : i32 to vector<16xi32>
        %lt3A_595 = arith.cmpi slt, %add3A_573, %lt3A_594 : vector<16xi32>
        %add3A_596 = arith.constant 16 : i32
        %add3A_597 = vector.broadcast %add3A_596 : i32 to vector<16xi32>
        %add3A_598 = arith.addi %add3A_573, %add3A_597 : vector<16xi32>
        %select_n3A_599 = arith.select %lt3A_595, %add3A_598, %add3A_573 : vector<16xi1>, vector<16xi32>
        %broadcast_in_dim3A_600 = vector.shape_cast %select_n3A_599 : vector<16xi32> to vector<16x1xi32>
        %gather3A_601 = vector.shape_cast %broadcast_in_dim3A_600 : vector<16x1xi32> to vector<16xi32>
        %gather3A_602 = tpu.dynamic_gather %select_n3A[%gather3A_601] in [0] : vector<16xi32>, vector<16xi32> -> vector<16xi32>
        %add3A_603 = arith.addi %gather3A_602, %and3A_2 : vector<16xi32>
        %swap3A_604 = arith.index_cast %add3A_577 : i32 to index
        %swap3A_605 = tpu.vector_load %arg8[%swap3A_604] {strides = array<i32>} : memref<2048xi32, #tpu.memory_space<vmem>>, vector<16xi32>,
        %swap3A_606 = vector.shape_cast %swap3A_605 : vector<16xi32> to vector<16xi32>
        %swap3A_607 = vector.shape_cast %add3A_603 : vector<16xi32> to vector<16xi32>
        tpu.vector_store %arg8[%swap3A_604], %swap3A_607 {strides = array<i32>} : memref<2048xi32, #tpu.memory_space<vmem>>, vector<16xi32>,
        %add3A_608 = arith.constant 4 : i32
        %add3A_609 = vector.broadcast %add3A_608 : i32 to vector<16xi32>
        %add3A_610 = arith.addi %shift_right_logical3A_4, %add3A_609 : vector<16xi32>
        %mul3A_611 = arith.constant 128 : i32
        %mul3A_612 = arith.muli %scan3A_510, %mul3A_611 : i32
        %add3A_613 = arith.constant 32 : i32
        %add3A_614 = arith.addi %mul3A_612, %add3A_613 : i32
        %lt3A_615 = arith.constant 0 : i32
        %lt3A_616 = vector.broadcast %lt3A_615 : i32 to vector<16xi32>
        %lt3A_617 = arith.cmpi slt, %add3A_610, %lt3A_616 : vector<16xi32>
        %add3A_618 = arith.constant 16 : i32
        %add3A_619 = vector.broadcast %add3A_618 : i32 to vector<16xi32>
        %add3A_620 = arith.addi %add3A_610, %add3A_619 : vector<16xi32>
        %select_n3A_621 = arith.select %lt3A_617, %add3A_620, %add3A_610 : vector<16xi1>, vector<16xi32>
        %broadcast_in_dim3A_622 = vector.shape_cast %select_n3A_621 : vector<16xi32> to vector<16x1xi32>
        %gather3A_623 = vector.shape_cast %broadcast_in_dim3A_622 : vector<16x1xi32> to vector<16xi32>
        %gather3A_624 = tpu.dynamic_gather %add3A_526[%gather3A_623] in [0] : vector<16xi32>, vector<16xi32> -> vector<16xi32>
        %add3A_625 = arith.addi %gather3A_624, %mul3A_10 : vector<16xi32>
        %swap3A_626 = arith.index_cast %add3A_614 : i32 to index
        %swap3A_627 = tpu.vector_load %arg7[%swap3A_626] {strides = array<i32>} : memref<2048xi32, #tpu.memory_space<vmem>>, vector<16xi32>,
        %swap3A_628 = vector.shape_cast %swap3A_627 : vector<16xi32> to vector<16xi32>
        %swap3A_629 = vector.shape_cast %add3A_625 : vector<16xi32> to vector<16xi32>
        tpu.vector_store %arg7[%swap3A_626], %swap3A_629 {strides = array<i32>} : memref<2048xi32, #tpu.memory_space<vmem>>, vector<16xi32>,
        %lt3A_630 = arith.constant 0 : i32
        %lt3A_631 = vector.broadcast %lt3A_630 : i32 to vector<16xi32>
        %lt3A_632 = arith.cmpi slt, %add3A_610, %lt3A_631 : vector<16xi32>
        %add3A_633 = arith.constant 16 : i32
        %add3A_634 = vector.broadcast %add3A_633 : i32 to vector<16xi32>
        %add3A_635 = arith.addi %add3A_610, %add3A_634 : vector<16xi32>
        %select_n3A_636 = arith.select %lt3A_632, %add3A_635, %add3A_610 : vector<16xi1>, vector<16xi32>
        %broadcast_in_dim3A_637 = vector.shape_cast %select_n3A_636 : vector<16xi32> to vector<16x1xi32>
        %gather3A_638 = vector.shape_cast %broadcast_in_dim3A_637 : vector<16x1xi32> to vector<16xi32>
        %gather3A_639 = tpu.dynamic_gather %select_n3A[%gather3A_638] in [0] : vector<16xi32>, vector<16xi32> -> vector<16xi32>
        %add3A_640 = arith.addi %gather3A_639, %and3A_2 : vector<16xi32>
        %swap3A_641 = arith.index_cast %add3A_614 : i32 to index
        %swap3A_642 = tpu.vector_load %arg8[%swap3A_641] {strides = array<i32>} : memref<2048xi32, #tpu.memory_space<vmem>>, vector<16xi32>,
        %swap3A_643 = vector.shape_cast %swap3A_642 : vector<16xi32> to vector<16xi32>
        %swap3A_644 = vector.shape_cast %add3A_640 : vector<16xi32> to vector<16xi32>
        tpu.vector_store %arg8[%swap3A_641], %swap3A_644 {strides = array<i32>} : memref<2048xi32, #tpu.memory_space<vmem>>, vector<16xi32>,
        %add3A_645 = arith.constant 6 : i32
        %add3A_646 = vector.broadcast %add3A_645 : i32 to vector<16xi32>
        %add3A_647 = arith.addi %shift_right_logical3A_4, %add3A_646 : vector<16xi32>
        %mul3A_648 = arith.constant 128 : i32
        %mul3A_649 = arith.muli %scan3A_510, %mul3A_648 : i32
        %add3A_650 = arith.constant 48 : i32
        %add3A_651 = arith.addi %mul3A_649, %add3A_650 : i32
        %lt3A_652 = arith.constant 0 : i32
        %lt3A_653 = vector.broadcast %lt3A_652 : i32 to vector<16xi32>
        %lt3A_654 = arith.cmpi slt, %add3A_647, %lt3A_653 : vector<16xi32>
        %add3A_655 = arith.constant 16 : i32
        %add3A_656 = vector.broadcast %add3A_655 : i32 to vector<16xi32>
        %add3A_657 = arith.addi %add3A_647, %add3A_656 : vector<16xi32>
        %select_n3A_658 = arith.select %lt3A_654, %add3A_657, %add3A_647 : vector<16xi1>, vector<16xi32>
        %broadcast_in_dim3A_659 = vector.shape_cast %select_n3A_658 : vector<16xi32> to vector<16x1xi32>
        %gather3A_660 = vector.shape_cast %broadcast_in_dim3A_659 : vector<16x1xi32> to vector<16xi32>
        %gather3A_661 = tpu.dynamic_gather %add3A_526[%gather3A_660] in [0] : vector<16xi32>, vector<16xi32> -> vector<16xi32>
        %add3A_662 = arith.addi %gather3A_661, %mul3A_10 : vector<16xi32>
        %swap3A_663 = arith.index_cast %add3A_651 : i32 to index
        %swap3A_664 = tpu.vector_load %arg7[%swap3A_663] {strides = array<i32>} : memref<2048xi32, #tpu.memory_space<vmem>>, vector<16xi32>,
        %swap3A_665 = vector.shape_cast %swap3A_664 : vector<16xi32> to vector<16xi32>
        %swap3A_666 = vector.shape_cast %add3A_662 : vector<16xi32> to vector<16xi32>
        tpu.vector_store %arg7[%swap3A_663], %swap3A_666 {strides = array<i32>} : memref<2048xi32, #tpu.memory_space<vmem>>, vector<16xi32>,
        %lt3A_667 = arith.constant 0 : i32
        %lt3A_668 = vector.broadcast %lt3A_667 : i32 to vector<16xi32>
        %lt3A_669 = arith.cmpi slt, %add3A_647, %lt3A_668 : vector<16xi32>
        %add3A_670 = arith.constant 16 : i32
        %add3A_671 = vector.broadcast %add3A_670 : i32 to vector<16xi32>
        %add3A_672 = arith.addi %add3A_647, %add3A_671 : vector<16xi32>
        %select_n3A_673 = arith.select %lt3A_669, %add3A_672, %add3A_647 : vector<16xi1>, vector<16xi32>
        %broadcast_in_dim3A_674 = vector.shape_cast %select_n3A_673 : vector<16xi32> to vector<16x1xi32>
        %gather3A_675 = vector.shape_cast %broadcast_in_dim3A_674 : vector<16x1xi32> to vector<16xi32>
        %gather3A_676 = tpu.dynamic_gather %select_n3A[%gather3A_675] in [0] : vector<16xi32>, vector<16xi32> -> vector<16xi32>
        %add3A_677 = arith.addi %gather3A_676, %and3A_2 : vector<16xi32>
        %swap3A_678 = arith.index_cast %add3A_651 : i32 to index
        %swap3A_679 = tpu.vector_load %arg8[%swap3A_678] {strides = array<i32>} : memref<2048xi32, #tpu.memory_space<vmem>>, vector<16xi32>,
        %swap3A_680 = vector.shape_cast %swap3A_679 : vector<16xi32> to vector<16xi32>
        %swap3A_681 = vector.shape_cast %add3A_677 : vector<16xi32> to vector<16xi32>
        tpu.vector_store %arg8[%swap3A_678], %swap3A_681 {strides = array<i32>} : memref<2048xi32, #tpu.memory_space<vmem>>, vector<16xi32>,
        %add3A_682 = arith.constant 8 : i32
        %add3A_683 = vector.broadcast %add3A_682 : i32 to vector<16xi32>
        %add3A_684 = arith.addi %shift_right_logical3A_4, %add3A_683 : vector<16xi32>
        %mul3A_685 = arith.constant 128 : i32
        %mul3A_686 = arith.muli %scan3A_510, %mul3A_685 : i32
        %add3A_687 = arith.constant 64 : i32
        %add3A_688 = arith.addi %mul3A_686, %add3A_687 : i32
        %lt3A_689 = arith.constant 0 : i32
        %lt3A_690 = vector.broadcast %lt3A_689 : i32 to vector<16xi32>
        %lt3A_691 = arith.cmpi slt, %add3A_684, %lt3A_690 : vector<16xi32>
        %add3A_692 = arith.constant 16 : i32
        %add3A_693 = vector.broadcast %add3A_692 : i32 to vector<16xi32>
        %add3A_694 = arith.addi %add3A_684, %add3A_693 : vector<16xi32>
        %select_n3A_695 = arith.select %lt3A_691, %add3A_694, %add3A_684 : vector<16xi1>, vector<16xi32>
        %broadcast_in_dim3A_696 = vector.shape_cast %select_n3A_695 : vector<16xi32> to vector<16x1xi32>
        %gather3A_697 = vector.shape_cast %broadcast_in_dim3A_696 : vector<16x1xi32> to vector<16xi32>
        %gather3A_698 = tpu.dynamic_gather %add3A_526[%gather3A_697] in [0] : vector<16xi32>, vector<16xi32> -> vector<16xi32>
        %add3A_699 = arith.addi %gather3A_698, %mul3A_10 : vector<16xi32>
        %swap3A_700 = arith.index_cast %add3A_688 : i32 to index
        %swap3A_701 = tpu.vector_load %arg7[%swap3A_700] {strides = array<i32>} : memref<2048xi32, #tpu.memory_space<vmem>>, vector<16xi32>,
        %swap3A_702 = vector.shape_cast %swap3A_701 : vector<16xi32> to vector<16xi32>
        %swap3A_703 = vector.shape_cast %add3A_699 : vector<16xi32> to vector<16xi32>
        tpu.vector_store %arg7[%swap3A_700], %swap3A_703 {strides = array<i32>} : memref<2048xi32, #tpu.memory_space<vmem>>, vector<16xi32>,
        %lt3A_704 = arith.constant 0 : i32
        %lt3A_705 = vector.broadcast %lt3A_704 : i32 to vector<16xi32>
        %lt3A_706 = arith.cmpi slt, %add3A_684, %lt3A_705 : vector<16xi32>
        %add3A_707 = arith.constant 16 : i32
        %add3A_708 = vector.broadcast %add3A_707 : i32 to vector<16xi32>
        %add3A_709 = arith.addi %add3A_684, %add3A_708 : vector<16xi32>
        %select_n3A_710 = arith.select %lt3A_706, %add3A_709, %add3A_684 : vector<16xi1>, vector<16xi32>
        %broadcast_in_dim3A_711 = vector.shape_cast %select_n3A_710 : vector<16xi32> to vector<16x1xi32>
        %gather3A_712 = vector.shape_cast %broadcast_in_dim3A_711 : vector<16x1xi32> to vector<16xi32>
        %gather3A_713 = tpu.dynamic_gather %select_n3A[%gather3A_712] in [0] : vector<16xi32>, vector<16xi32> -> vector<16xi32>
        %add3A_714 = arith.addi %gather3A_713, %and3A_2 : vector<16xi32>
        %swap3A_715 = arith.index_cast %add3A_688 : i32 to index
        %swap3A_716 = tpu.vector_load %arg8[%swap3A_715] {strides = array<i32>} : memref<2048xi32, #tpu.memory_space<vmem>>, vector<16xi32>,
        %swap3A_717 = vector.shape_cast %swap3A_716 : vector<16xi32> to vector<16xi32>
        %swap3A_718 = vector.shape_cast %add3A_714 : vector<16xi32> to vector<16xi32>
        tpu.vector_store %arg8[%swap3A_715], %swap3A_718 {strides = array<i32>} : memref<2048xi32, #tpu.memory_space<vmem>>, vector<16xi32>,
        %add3A_719 = arith.constant 10 : i32
        %add3A_720 = vector.broadcast %add3A_719 : i32 to vector<16xi32>
        %add3A_721 = arith.addi %shift_right_logical3A_4, %add3A_720 : vector<16xi32>
        %mul3A_722 = arith.constant 128 : i32
        %mul3A_723 = arith.muli %scan3A_510, %mul3A_722 : i32
        %add3A_724 = arith.constant 80 : i32
        %add3A_725 = arith.addi %mul3A_723, %add3A_724 : i32
        %lt3A_726 = arith.constant 0 : i32
        %lt3A_727 = vector.broadcast %lt3A_726 : i32 to vector<16xi32>
        %lt3A_728 = arith.cmpi slt, %add3A_721, %lt3A_727 : vector<16xi32>
        %add3A_729 = arith.constant 16 : i32
        %add3A_730 = vector.broadcast %add3A_729 : i32 to vector<16xi32>
        %add3A_731 = arith.addi %add3A_721, %add3A_730 : vector<16xi32>
        %select_n3A_732 = arith.select %lt3A_728, %add3A_731, %add3A_721 : vector<16xi1>, vector<16xi32>
        %broadcast_in_dim3A_733 = vector.shape_cast %select_n3A_732 : vector<16xi32> to vector<16x1xi32>
        %gather3A_734 = vector.shape_cast %broadcast_in_dim3A_733 : vector<16x1xi32> to vector<16xi32>
        %gather3A_735 = tpu.dynamic_gather %add3A_526[%gather3A_734] in [0] : vector<16xi32>, vector<16xi32> -> vector<16xi32>
        %add3A_736 = arith.addi %gather3A_735, %mul3A_10 : vector<16xi32>
        %swap3A_737 = arith.index_cast %add3A_725 : i32 to index
        %swap3A_738 = tpu.vector_load %arg7[%swap3A_737] {strides = array<i32>} : memref<2048xi32, #tpu.memory_space<vmem>>, vector<16xi32>,
        %swap3A_739 = vector.shape_cast %swap3A_738 : vector<16xi32> to vector<16xi32>
        %swap3A_740 = vector.shape_cast %add3A_736 : vector<16xi32> to vector<16xi32>
        tpu.vector_store %arg7[%swap3A_737], %swap3A_740 {strides = array<i32>} : memref<2048xi32, #tpu.memory_space<vmem>>, vector<16xi32>,
        %lt3A_741 = arith.constant 0 : i32
        %lt3A_742 = vector.broadcast %lt3A_741 : i32 to vector<16xi32>
        %lt3A_743 = arith.cmpi slt, %add3A_721, %lt3A_742 : vector<16xi32>
        %add3A_744 = arith.constant 16 : i32
        %add3A_745 = vector.broadcast %add3A_744 : i32 to vector<16xi32>
        %add3A_746 = arith.addi %add3A_721, %add3A_745 : vector<16xi32>
        %select_n3A_747 = arith.select %lt3A_743, %add3A_746, %add3A_721 : vector<16xi1>, vector<16xi32>
        %broadcast_in_dim3A_748 = vector.shape_cast %select_n3A_747 : vector<16xi32> to vector<16x1xi32>
        %gather3A_749 = vector.shape_cast %broadcast_in_dim3A_748 : vector<16x1xi32> to vector<16xi32>
        %gather3A_750 = tpu.dynamic_gather %select_n3A[%gather3A_749] in [0] : vector<16xi32>, vector<16xi32> -> vector<16xi32>
        %add3A_751 = arith.addi %gather3A_750, %and3A_2 : vector<16xi32>
        %swap3A_752 = arith.index_cast %add3A_725 : i32 to index
        %swap3A_753 = tpu.vector_load %arg8[%swap3A_752] {strides = array<i32>} : memref<2048xi32, #tpu.memory_space<vmem>>, vector<16xi32>,
        %swap3A_754 = vector.shape_cast %swap3A_753 : vector<16xi32> to vector<16xi32>
        %swap3A_755 = vector.shape_cast %add3A_751 : vector<16xi32> to vector<16xi32>
        tpu.vector_store %arg8[%swap3A_752], %swap3A_755 {strides = array<i32>} : memref<2048xi32, #tpu.memory_space<vmem>>, vector<16xi32>,
        %add3A_756 = arith.constant 12 : i32
        %add3A_757 = vector.broadcast %add3A_756 : i32 to vector<16xi32>
        %add3A_758 = arith.addi %shift_right_logical3A_4, %add3A_757 : vector<16xi32>
        %mul3A_759 = arith.constant 128 : i32
        %mul3A_760 = arith.muli %scan3A_510, %mul3A_759 : i32
        %add3A_761 = arith.constant 96 : i32
        %add3A_762 = arith.addi %mul3A_760, %add3A_761 : i32
        %lt3A_763 = arith.constant 0 : i32
        %lt3A_764 = vector.broadcast %lt3A_763 : i32 to vector<16xi32>
        %lt3A_765 = arith.cmpi slt, %add3A_758, %lt3A_764 : vector<16xi32>
        %add3A_766 = arith.constant 16 : i32
        %add3A_767 = vector.broadcast %add3A_766 : i32 to vector<16xi32>
        %add3A_768 = arith.addi %add3A_758, %add3A_767 : vector<16xi32>
        %select_n3A_769 = arith.select %lt3A_765, %add3A_768, %add3A_758 : vector<16xi1>, vector<16xi32>
        %broadcast_in_dim3A_770 = vector.shape_cast %select_n3A_769 : vector<16xi32> to vector<16x1xi32>
        %gather3A_771 = vector.shape_cast %broadcast_in_dim3A_770 : vector<16x1xi32> to vector<16xi32>
        %gather3A_772 = tpu.dynamic_gather %add3A_526[%gather3A_771] in [0] : vector<16xi32>, vector<16xi32> -> vector<16xi32>
        %add3A_773 = arith.addi %gather3A_772, %mul3A_10 : vector<16xi32>
        %swap3A_774 = arith.index_cast %add3A_762 : i32 to index
        %swap3A_775 = tpu.vector_load %arg7[%swap3A_774] {strides = array<i32>} : memref<2048xi32, #tpu.memory_space<vmem>>, vector<16xi32>,
        %swap3A_776 = vector.shape_cast %swap3A_775 : vector<16xi32> to vector<16xi32>
        %swap3A_777 = vector.shape_cast %add3A_773 : vector<16xi32> to vector<16xi32>
        tpu.vector_store %arg7[%swap3A_774], %swap3A_777 {strides = array<i32>} : memref<2048xi32, #tpu.memory_space<vmem>>, vector<16xi32>,
        %lt3A_778 = arith.constant 0 : i32
        %lt3A_779 = vector.broadcast %lt3A_778 : i32 to vector<16xi32>
        %lt3A_780 = arith.cmpi slt, %add3A_758, %lt3A_779 : vector<16xi32>
        %add3A_781 = arith.constant 16 : i32
        %add3A_782 = vector.broadcast %add3A_781 : i32 to vector<16xi32>
        %add3A_783 = arith.addi %add3A_758, %add3A_782 : vector<16xi32>
        %select_n3A_784 = arith.select %lt3A_780, %add3A_783, %add3A_758 : vector<16xi1>, vector<16xi32>
        %broadcast_in_dim3A_785 = vector.shape_cast %select_n3A_784 : vector<16xi32> to vector<16x1xi32>
        %gather3A_786 = vector.shape_cast %broadcast_in_dim3A_785 : vector<16x1xi32> to vector<16xi32>
        %gather3A_787 = tpu.dynamic_gather %select_n3A[%gather3A_786] in [0] : vector<16xi32>, vector<16xi32> -> vector<16xi32>
        %add3A_788 = arith.addi %gather3A_787, %and3A_2 : vector<16xi32>
        %swap3A_789 = arith.index_cast %add3A_762 : i32 to index
        %swap3A_790 = tpu.vector_load %arg8[%swap3A_789] {strides = array<i32>} : memref<2048xi32, #tpu.memory_space<vmem>>, vector<16xi32>,
        %swap3A_791 = vector.shape_cast %swap3A_790 : vector<16xi32> to vector<16xi32>
        %swap3A_792 = vector.shape_cast %add3A_788 : vector<16xi32> to vector<16xi32>
        tpu.vector_store %arg8[%swap3A_789], %swap3A_792 {strides = array<i32>} : memref<2048xi32, #tpu.memory_space<vmem>>, vector<16xi32>,
        %add3A_793 = arith.constant 14 : i32
        %add3A_794 = vector.broadcast %add3A_793 : i32 to vector<16xi32>
        %add3A_795 = arith.addi %shift_right_logical3A_4, %add3A_794 : vector<16xi32>
        %mul3A_796 = arith.constant 128 : i32
        %mul3A_797 = arith.muli %scan3A_510, %mul3A_796 : i32
        %add3A_798 = arith.constant 112 : i32
        %add3A_799 = arith.addi %mul3A_797, %add3A_798 : i32
        %lt3A_800 = arith.constant 0 : i32
        %lt3A_801 = vector.broadcast %lt3A_800 : i32 to vector<16xi32>
        %lt3A_802 = arith.cmpi slt, %add3A_795, %lt3A_801 : vector<16xi32>
        %add3A_803 = arith.constant 16 : i32
        %add3A_804 = vector.broadcast %add3A_803 : i32 to vector<16xi32>
        %add3A_805 = arith.addi %add3A_795, %add3A_804 : vector<16xi32>
        %select_n3A_806 = arith.select %lt3A_802, %add3A_805, %add3A_795 : vector<16xi1>, vector<16xi32>
        %broadcast_in_dim3A_807 = vector.shape_cast %select_n3A_806 : vector<16xi32> to vector<16x1xi32>
        %gather3A_808 = vector.shape_cast %broadcast_in_dim3A_807 : vector<16x1xi32> to vector<16xi32>
        %gather3A_809 = tpu.dynamic_gather %add3A_526[%gather3A_808] in [0] : vector<16xi32>, vector<16xi32> -> vector<16xi32>
        %add3A_810 = arith.addi %gather3A_809, %mul3A_10 : vector<16xi32>
        %swap3A_811 = arith.index_cast %add3A_799 : i32 to index
        %swap3A_812 = tpu.vector_load %arg7[%swap3A_811] {strides = array<i32>} : memref<2048xi32, #tpu.memory_space<vmem>>, vector<16xi32>,
        %swap3A_813 = vector.shape_cast %swap3A_812 : vector<16xi32> to vector<16xi32>
        %swap3A_814 = vector.shape_cast %add3A_810 : vector<16xi32> to vector<16xi32>
        tpu.vector_store %arg7[%swap3A_811], %swap3A_814 {strides = array<i32>} : memref<2048xi32, #tpu.memory_space<vmem>>, vector<16xi32>,
        %lt3A_815 = arith.constant 0 : i32
        %lt3A_816 = vector.broadcast %lt3A_815 : i32 to vector<16xi32>
        %lt3A_817 = arith.cmpi slt, %add3A_795, %lt3A_816 : vector<16xi32>
        %add3A_818 = arith.constant 16 : i32
        %add3A_819 = vector.broadcast %add3A_818 : i32 to vector<16xi32>
        %add3A_820 = arith.addi %add3A_795, %add3A_819 : vector<16xi32>
        %select_n3A_821 = arith.select %lt3A_817, %add3A_820, %add3A_795 : vector<16xi1>, vector<16xi32>
        %broadcast_in_dim3A_822 = vector.shape_cast %select_n3A_821 : vector<16xi32> to vector<16x1xi32>
        %gather3A_823 = vector.shape_cast %broadcast_in_dim3A_822 : vector<16x1xi32> to vector<16xi32>
        %gather3A_824 = tpu.dynamic_gather %select_n3A[%gather3A_823] in [0] : vector<16xi32>, vector<16xi32> -> vector<16xi32>
        %add3A_825 = arith.addi %gather3A_824, %and3A_2 : vector<16xi32>
        %swap3A_826 = arith.index_cast %add3A_799 : i32 to index
        %swap3A_827 = tpu.vector_load %arg8[%swap3A_826] {strides = array<i32>} : memref<2048xi32, #tpu.memory_space<vmem>>, vector<16xi32>,
        %swap3A_828 = vector.shape_cast %swap3A_827 : vector<16xi32> to vector<16xi32>
        %swap3A_829 = vector.shape_cast %add3A_825 : vector<16xi32> to vector<16xi32>
        tpu.vector_store %arg8[%swap3A_826], %swap3A_829 {strides = array<i32>} : memref<2048xi32, #tpu.memory_space<vmem>>, vector<16xi32>,
        %mul3A_830 = arith.constant 128 : i32
        %mul3A_831 = arith.muli %scan3A_510, %mul3A_830 : i32
        %mul3A_832 = arith.constant 128 : i32
        %mul3A_833 = arith.muli %scan3A_510, %mul3A_832 : i32
        %dma_start3A_834 = tpu.memref_slice %arg9[%mul3A_833] : memref<2048xi32, #tpu.memory_space<vmem>> -> memref<128xi32, #tpu.memory_space<vmem>>
        %dma_start3A_835 = tpu.memref_slice %arg7[%mul3A_831] : memref<2048xi32, #tpu.memory_space<vmem>> -> memref<128xi32, #tpu.memory_space<vmem>>
        %dma_start3A_836 = arith.constant 0 : i32
        %dma_start3A_837 = tpu.memref_slice %arg3[%dma_start3A_836] : memref<7999488xi32, #tpu.memory_space<hbm>> -> memref<7999488xi32, #tpu.memory_space<hbm>>
        tpu.enqueue_indirect_dma source(%dma_start3A_837 : memref<7999488xi32, #tpu.memory_space<hbm>>) target(%dma_start3A_834 : memref<128xi32, #tpu.memory_space<vmem>>) offsets(%dma_start3A_835 : memref<128xi32, #tpu.memory_space<vmem>>) semaphore(%arg13 : memref<!tpu.dma_semaphore, #tpu.memory_space<semaphore_mem>>)
      }
      %scan3A_366 = arith.constant 16 : i32
      %convert_element_type3A_367 = arith.extui %gt3A_355 : i1 to i32
      %cond3A_368 = arith.constant 0 : i32
      %cond3A_369 = arith.cmpi ne, %convert_element_type3A_367, %cond3A_368 : i32
      scf.if %cond3A_369 {
        %mul3A_510 = arith.constant 8 : i32
        %mul3A_511 = arith.muli %add3A_360, %mul3A_510 : i32
        %dma_wait3A_512 = arith.constant 0 : i32
        %dma_wait3A_513 = tpu.memref_slice %arg5[%mul3A_511, %dma_wait3A_512] : memref<1638400x16xf32, #tpu.memory_space<hbm>> -> memref<2048x16xf32, #tpu.memory_space<hbm>>
        %dma_wait3A_514 = arith.constant 0 : i32
        %dma_wait3A_515 = tpu.memref_slice %arg5[%mul3A_511, %dma_wait3A_514] : memref<1638400x16xf32, #tpu.memory_space<hbm>> -> memref<2048x16xf32, #tpu.memory_space<hbm>>
        tpu.wait_dma2 semaphore(%arg16 : memref<!tpu.dma_semaphore, #tpu.memory_space<semaphore_mem>>) src(%arg11 : memref<2048x16xf32, #tpu.memory_space<vmem>>) dst(%dma_wait3A_515 : memref<2048x16xf32, #tpu.memory_space<hbm>>)
      } else {
      }
      %scan3A_370 = arith.constant 0 : i32
      %scan3A_371 = arith.constant 0 : i32
      %scan3A_372 = arith.constant 16 : i32
      %scan3A_373 = arith.addi %scan3A_371, %scan3A_372 : i32
      %scan3A_374 = arith.constant 1 : i32
      scf.for %scan3A_510 = %scan3A_371 to %scan3A_373 step %scan3A_374  : i32 {
        %mul3A_511 = arith.constant 128 : i32
        %mul3A_512 = arith.muli %scan3A_510, %mul3A_511 : i32
        %mul3A_513 = arith.constant 128 : i32
        %mul3A_514 = arith.muli %scan3A_510, %mul3A_513 : i32
        %dma_wait3A_515 = tpu.memref_slice %arg9[%mul3A_514] : memref<2048xi32, #tpu.memory_space<vmem>> -> memref<128xi32, #tpu.memory_space<vmem>>
        %dma_wait3A_516 = tpu.memref_slice %arg7[%mul3A_512] : memref<2048xi32, #tpu.memory_space<vmem>> -> memref<128xi32, #tpu.memory_space<vmem>>
        %dma_wait3A_517 = arith.constant 0 : i32
        %dma_wait3A_518 = tpu.memref_slice %arg3[%dma_wait3A_517] : memref<7999488xi32, #tpu.memory_space<hbm>> -> memref<7999488xi32, #tpu.memory_space<hbm>>
        tpu.wait_indirect_dma semaphore(%arg13 : memref<!tpu.dma_semaphore, #tpu.memory_space<semaphore_mem>>) src(%dma_wait3A_518 : memref<7999488xi32, #tpu.memory_space<hbm>>) dst(%dma_wait3A_515 : memref<128xi32, #tpu.memory_space<vmem>>)
        %mul3A_519 = arith.constant 128 : i32
        %mul3A_520 = arith.muli %scan3A_510, %mul3A_519 : i32
        %add3A_521 = arith.constant 0 : i32
        %add3A_522 = arith.addi %mul3A_520, %add3A_521 : i32
        %get3A = arith.index_cast %add3A_522 : i32 to index
        %get3A_523 = tpu.vector_load %arg9[%get3A] {strides = array<i32>} : memref<2048xi32, #tpu.memory_space<vmem>>, vector<16xi32>,
        %get3A_524 = vector.shape_cast %get3A_523 : vector<16xi32> to vector<16xi32>
        %add3A_525 = arith.addi %get3A_524, %mul3A_7 : vector<16xi32>
        %get3A_526 = arith.index_cast %add3A_522 : i32 to index
        %get3A_527 = tpu.vector_load %arg8[%get3A_526] {strides = array<i32>} : memref<2048xi32, #tpu.memory_space<vmem>>, vector<16xi32>,
        %get3A_528 = vector.shape_cast %get3A_527 : vector<16xi32> to vector<16xi32>
        %max3A = arith.maxsi %add3A_525, %get3A_528 : vector<16xi32>
        %swap3A = arith.index_cast %add3A_522 : i32 to index
        %swap3A_529 = tpu.vector_load %arg7[%swap3A] {strides = array<i32>} : memref<2048xi32, #tpu.memory_space<vmem>>, vector<16xi32>,
        %swap3A_530 = vector.shape_cast %swap3A_529 : vector<16xi32> to vector<16xi32>
        %swap3A_531 = vector.shape_cast %max3A : vector<16xi32> to vector<16xi32>
        tpu.vector_store %arg7[%swap3A], %swap3A_531 {strides = array<i32>} : memref<2048xi32, #tpu.memory_space<vmem>>, vector<16xi32>,
        %mul3A_532 = arith.constant 128 : i32
        %mul3A_533 = arith.muli %scan3A_510, %mul3A_532 : i32
        %add3A_534 = arith.constant 16 : i32
        %add3A_535 = arith.addi %mul3A_533, %add3A_534 : i32
        %get3A_536 = arith.index_cast %add3A_535 : i32 to index
        %get3A_537 = tpu.vector_load %arg9[%get3A_536] {strides = array<i32>} : memref<2048xi32, #tpu.memory_space<vmem>>, vector<16xi32>,
        %get3A_538 = vector.shape_cast %get3A_537 : vector<16xi32> to vector<16xi32>
        %add3A_539 = arith.addi %get3A_538, %mul3A_7 : vector<16xi32>
        %get3A_540 = arith.index_cast %add3A_535 : i32 to index
        %get3A_541 = tpu.vector_load %arg8[%get3A_540] {strides = array<i32>} : memref<2048xi32, #tpu.memory_space<vmem>>, vector<16xi32>,
        %get3A_542 = vector.shape_cast %get3A_541 : vector<16xi32> to vector<16xi32>
        %max3A_543 = arith.maxsi %add3A_539, %get3A_542 : vector<16xi32>
        %swap3A_544 = arith.index_cast %add3A_535 : i32 to index
        %swap3A_545 = tpu.vector_load %arg7[%swap3A_544] {strides = array<i32>} : memref<2048xi32, #tpu.memory_space<vmem>>, vector<16xi32>,
        %swap3A_546 = vector.shape_cast %swap3A_545 : vector<16xi32> to vector<16xi32>
        %swap3A_547 = vector.shape_cast %max3A_543 : vector<16xi32> to vector<16xi32>
        tpu.vector_store %arg7[%swap3A_544], %swap3A_547 {strides = array<i32>} : memref<2048xi32, #tpu.memory_space<vmem>>, vector<16xi32>,
        %mul3A_548 = arith.constant 128 : i32
        %mul3A_549 = arith.muli %scan3A_510, %mul3A_548 : i32
        %add3A_550 = arith.constant 32 : i32
        %add3A_551 = arith.addi %mul3A_549, %add3A_550 : i32
        %get3A_552 = arith.index_cast %add3A_551 : i32 to index
        %get3A_553 = tpu.vector_load %arg9[%get3A_552] {strides = array<i32>} : memref<2048xi32, #tpu.memory_space<vmem>>, vector<16xi32>,
        %get3A_554 = vector.shape_cast %get3A_553 : vector<16xi32> to vector<16xi32>
        %add3A_555 = arith.addi %get3A_554, %mul3A_7 : vector<16xi32>
        %get3A_556 = arith.index_cast %add3A_551 : i32 to index
        %get3A_557 = tpu.vector_load %arg8[%get3A_556] {strides = array<i32>} : memref<2048xi32, #tpu.memory_space<vmem>>, vector<16xi32>,
        %get3A_558 = vector.shape_cast %get3A_557 : vector<16xi32> to vector<16xi32>
        %max3A_559 = arith.maxsi %add3A_555, %get3A_558 : vector<16xi32>
        %swap3A_560 = arith.index_cast %add3A_551 : i32 to index
        %swap3A_561 = tpu.vector_load %arg7[%swap3A_560] {strides = array<i32>} : memref<2048xi32, #tpu.memory_space<vmem>>, vector<16xi32>,
        %swap3A_562 = vector.shape_cast %swap3A_561 : vector<16xi32> to vector<16xi32>
        %swap3A_563 = vector.shape_cast %max3A_559 : vector<16xi32> to vector<16xi32>
        tpu.vector_store %arg7[%swap3A_560], %swap3A_563 {strides = array<i32>} : memref<2048xi32, #tpu.memory_space<vmem>>, vector<16xi32>,
        %mul3A_564 = arith.constant 128 : i32
        %mul3A_565 = arith.muli %scan3A_510, %mul3A_564 : i32
        %add3A_566 = arith.constant 48 : i32
        %add3A_567 = arith.addi %mul3A_565, %add3A_566 : i32
        %get3A_568 = arith.index_cast %add3A_567 : i32 to index
        %get3A_569 = tpu.vector_load %arg9[%get3A_568] {strides = array<i32>} : memref<2048xi32, #tpu.memory_space<vmem>>, vector<16xi32>,
        %get3A_570 = vector.shape_cast %get3A_569 : vector<16xi32> to vector<16xi32>
        %add3A_571 = arith.addi %get3A_570, %mul3A_7 : vector<16xi32>
        %get3A_572 = arith.index_cast %add3A_567 : i32 to index
        %get3A_573 = tpu.vector_load %arg8[%get3A_572] {strides = array<i32>} : memref<2048xi32, #tpu.memory_space<vmem>>, vector<16xi32>,
        %get3A_574 = vector.shape_cast %get3A_573 : vector<16xi32> to vector<16xi32>
        %max3A_575 = arith.maxsi %add3A_571, %get3A_574 : vector<16xi32>
        %swap3A_576 = arith.index_cast %add3A_567 : i32 to index
        %swap3A_577 = tpu.vector_load %arg7[%swap3A_576] {strides = array<i32>} : memref<2048xi32, #tpu.memory_space<vmem>>, vector<16xi32>,
        %swap3A_578 = vector.shape_cast %swap3A_577 : vector<16xi32> to vector<16xi32>
        %swap3A_579 = vector.shape_cast %max3A_575 : vector<16xi32> to vector<16xi32>
        tpu.vector_store %arg7[%swap3A_576], %swap3A_579 {strides = array<i32>} : memref<2048xi32, #tpu.memory_space<vmem>>, vector<16xi32>,
        %mul3A_580 = arith.constant 128 : i32
        %mul3A_581 = arith.muli %scan3A_510, %mul3A_580 : i32
        %add3A_582 = arith.constant 64 : i32
        %add3A_583 = arith.addi %mul3A_581, %add3A_582 : i32
        %get3A_584 = arith.index_cast %add3A_583 : i32 to index
        %get3A_585 = tpu.vector_load %arg9[%get3A_584] {strides = array<i32>} : memref<2048xi32, #tpu.memory_space<vmem>>, vector<16xi32>,
        %get3A_586 = vector.shape_cast %get3A_585 : vector<16xi32> to vector<16xi32>
        %add3A_587 = arith.addi %get3A_586, %mul3A_7 : vector<16xi32>
        %get3A_588 = arith.index_cast %add3A_583 : i32 to index
        %get3A_589 = tpu.vector_load %arg8[%get3A_588] {strides = array<i32>} : memref<2048xi32, #tpu.memory_space<vmem>>, vector<16xi32>,
        %get3A_590 = vector.shape_cast %get3A_589 : vector<16xi32> to vector<16xi32>
        %max3A_591 = arith.maxsi %add3A_587, %get3A_590 : vector<16xi32>
        %swap3A_592 = arith.index_cast %add3A_583 : i32 to index
        %swap3A_593 = tpu.vector_load %arg7[%swap3A_592] {strides = array<i32>} : memref<2048xi32, #tpu.memory_space<vmem>>, vector<16xi32>,
        %swap3A_594 = vector.shape_cast %swap3A_593 : vector<16xi32> to vector<16xi32>
        %swap3A_595 = vector.shape_cast %max3A_591 : vector<16xi32> to vector<16xi32>
        tpu.vector_store %arg7[%swap3A_592], %swap3A_595 {strides = array<i32>} : memref<2048xi32, #tpu.memory_space<vmem>>, vector<16xi32>,
        %mul3A_596 = arith.constant 128 : i32
        %mul3A_597 = arith.muli %scan3A_510, %mul3A_596 : i32
        %add3A_598 = arith.constant 80 : i32
        %add3A_599 = arith.addi %mul3A_597, %add3A_598 : i32
        %get3A_600 = arith.index_cast %add3A_599 : i32 to index
        %get3A_601 = tpu.vector_load %arg9[%get3A_600] {strides = array<i32>} : memref<2048xi32, #tpu.memory_space<vmem>>, vector<16xi32>,
        %get3A_602 = vector.shape_cast %get3A_601 : vector<16xi32> to vector<16xi32>
        %add3A_603 = arith.addi %get3A_602, %mul3A_7 : vector<16xi32>
        %get3A_604 = arith.index_cast %add3A_599 : i32 to index
        %get3A_605 = tpu.vector_load %arg8[%get3A_604] {strides = array<i32>} : memref<2048xi32, #tpu.memory_space<vmem>>, vector<16xi32>,
        %get3A_606 = vector.shape_cast %get3A_605 : vector<16xi32> to vector<16xi32>
        %max3A_607 = arith.maxsi %add3A_603, %get3A_606 : vector<16xi32>
        %swap3A_608 = arith.index_cast %add3A_599 : i32 to index
        %swap3A_609 = tpu.vector_load %arg7[%swap3A_608] {strides = array<i32>} : memref<2048xi32, #tpu.memory_space<vmem>>, vector<16xi32>,
        %swap3A_610 = vector.shape_cast %swap3A_609 : vector<16xi32> to vector<16xi32>
        %swap3A_611 = vector.shape_cast %max3A_607 : vector<16xi32> to vector<16xi32>
        tpu.vector_store %arg7[%swap3A_608], %swap3A_611 {strides = array<i32>} : memref<2048xi32, #tpu.memory_space<vmem>>, vector<16xi32>,
        %mul3A_612 = arith.constant 128 : i32
        %mul3A_613 = arith.muli %scan3A_510, %mul3A_612 : i32
        %add3A_614 = arith.constant 96 : i32
        %add3A_615 = arith.addi %mul3A_613, %add3A_614 : i32
        %get3A_616 = arith.index_cast %add3A_615 : i32 to index
        %get3A_617 = tpu.vector_load %arg9[%get3A_616] {strides = array<i32>} : memref<2048xi32, #tpu.memory_space<vmem>>, vector<16xi32>,
        %get3A_618 = vector.shape_cast %get3A_617 : vector<16xi32> to vector<16xi32>
        %add3A_619 = arith.addi %get3A_618, %mul3A_7 : vector<16xi32>
        %get3A_620 = arith.index_cast %add3A_615 : i32 to index
        %get3A_621 = tpu.vector_load %arg8[%get3A_620] {strides = array<i32>} : memref<2048xi32, #tpu.memory_space<vmem>>, vector<16xi32>,
        %get3A_622 = vector.shape_cast %get3A_621 : vector<16xi32> to vector<16xi32>
        %max3A_623 = arith.maxsi %add3A_619, %get3A_622 : vector<16xi32>
        %swap3A_624 = arith.index_cast %add3A_615 : i32 to index
        %swap3A_625 = tpu.vector_load %arg7[%swap3A_624] {strides = array<i32>} : memref<2048xi32, #tpu.memory_space<vmem>>, vector<16xi32>,
        %swap3A_626 = vector.shape_cast %swap3A_625 : vector<16xi32> to vector<16xi32>
        %swap3A_627 = vector.shape_cast %max3A_623 : vector<16xi32> to vector<16xi32>
        tpu.vector_store %arg7[%swap3A_624], %swap3A_627 {strides = array<i32>} : memref<2048xi32, #tpu.memory_space<vmem>>, vector<16xi32>,
        %mul3A_628 = arith.constant 128 : i32
        %mul3A_629 = arith.muli %scan3A_510, %mul3A_628 : i32
        %add3A_630 = arith.constant 112 : i32
        %add3A_631 = arith.addi %mul3A_629, %add3A_630 : i32
        %get3A_632 = arith.index_cast %add3A_631 : i32 to index
        %get3A_633 = tpu.vector_load %arg9[%get3A_632] {strides = array<i32>} : memref<2048xi32, #tpu.memory_space<vmem>>, vector<16xi32>,
        %get3A_634 = vector.shape_cast %get3A_633 : vector<16xi32> to vector<16xi32>
        %add3A_635 = arith.addi %get3A_634, %mul3A_7 : vector<16xi32>
        %get3A_636 = arith.index_cast %add3A_631 : i32 to index
        %get3A_637 = tpu.vector_load %arg8[%get3A_636] {strides = array<i32>} : memref<2048xi32, #tpu.memory_space<vmem>>, vector<16xi32>,
        %get3A_638 = vector.shape_cast %get3A_637 : vector<16xi32> to vector<16xi32>
        %max3A_639 = arith.maxsi %add3A_635, %get3A_638 : vector<16xi32>
        %swap3A_640 = arith.index_cast %add3A_631 : i32 to index
        %swap3A_641 = tpu.vector_load %arg7[%swap3A_640] {strides = array<i32>} : memref<2048xi32, #tpu.memory_space<vmem>>, vector<16xi32>,
        %swap3A_642 = vector.shape_cast %swap3A_641 : vector<16xi32> to vector<16xi32>
        %swap3A_643 = vector.shape_cast %max3A_639 : vector<16xi32> to vector<16xi32>
        tpu.vector_store %arg7[%swap3A_640], %swap3A_643 {strides = array<i32>} : memref<2048xi32, #tpu.memory_space<vmem>>, vector<16xi32>,
        %mul3A_644 = arith.constant 128 : i32
        %mul3A_645 = arith.muli %scan3A_510, %mul3A_644 : i32
        %mul3A_646 = arith.constant 128 : i32
        %mul3A_647 = arith.muli %scan3A_510, %mul3A_646 : i32
        %dma_start3A_648 = arith.constant 0 : i32
        %dma_start3A_649 = tpu.memref_slice %arg11[%mul3A_647, %dma_start3A_648] : memref<2048x16xf32, #tpu.memory_space<vmem>> -> memref<128x16xf32, #tpu.memory_space<vmem>>
        %dma_start3A_650 = tpu.memref_slice %arg7[%mul3A_645] : memref<2048xi32, #tpu.memory_space<vmem>> -> memref<128xi32, #tpu.memory_space<vmem>>
        %dma_start3A_651 = arith.constant 0 : i32
        %dma_start3A_652 = arith.constant 0 : i32
        %dma_start3A_653 = tpu.memref_slice %arg12[%dma_start3A_651, %dma_start3A_652] : memref<2568x16xf32, #tpu.memory_space<vmem_shared>> -> memref<2568x16xf32, #tpu.memory_space<vmem_shared>>
        tpu.enqueue_indirect_dma source(%dma_start3A_653 : memref<2568x16xf32, #tpu.memory_space<vmem_shared>>) target(%dma_start3A_649 : memref<128x16xf32, #tpu.memory_space<vmem>>) offsets(%dma_start3A_650 : memref<128xi32, #tpu.memory_space<vmem>>) semaphore(%arg14 : memref<!tpu.dma_semaphore, #tpu.memory_space<semaphore_mem>>)
      }
      %scan3A_375 = arith.constant 16 : i32
      %dma_wait3A_376 = arith.constant 0 : i32
      %dma_wait3A_377 = arith.constant 0 : i32
      %dma_wait3A_378 = tpu.memref_slice %arg11[%dma_wait3A_376, %dma_wait3A_377] : memref<2048x16xf32, #tpu.memory_space<vmem>> -> memref<128x16xf32, #tpu.memory_space<vmem>>
      %dma_wait3A_379 = arith.constant 0 : i32
      %dma_wait3A_380 = tpu.memref_slice %arg7[%dma_wait3A_379] : memref<2048xi32, #tpu.memory_space<vmem>> -> memref<128xi32, #tpu.memory_space<vmem>>
      %dma_wait3A_381 = arith.constant 0 : i32
      %dma_wait3A_382 = arith.constant 0 : i32
      %dma_wait3A_383 = tpu.memref_slice %arg12[%dma_wait3A_381, %dma_wait3A_382] : memref<2568x16xf32, #tpu.memory_space<vmem_shared>> -> memref<2568x16xf32, #tpu.memory_space<vmem_shared>>
      tpu.wait_indirect_dma semaphore(%arg14 : memref<!tpu.dma_semaphore, #tpu.memory_space<semaphore_mem>>) src(%dma_wait3A_383 : memref<2568x16xf32, #tpu.memory_space<vmem_shared>>) dst(%dma_wait3A_378 : memref<128x16xf32, #tpu.memory_space<vmem>>)
      %dma_wait3A_384 = arith.constant 128 : i32
      %dma_wait3A_385 = arith.constant 0 : i32
      %dma_wait3A_386 = tpu.memref_slice %arg11[%dma_wait3A_384, %dma_wait3A_385] : memref<2048x16xf32, #tpu.memory_space<vmem>> -> memref<128x16xf32, #tpu.memory_space<vmem>>
      %dma_wait3A_387 = arith.constant 128 : i32
      %dma_wait3A_388 = tpu.memref_slice %arg7[%dma_wait3A_387] : memref<2048xi32, #tpu.memory_space<vmem>> -> memref<128xi32, #tpu.memory_space<vmem>>
      %dma_wait3A_389 = arith.constant 0 : i32
      %dma_wait3A_390 = arith.constant 0 : i32
      %dma_wait3A_391 = tpu.memref_slice %arg12[%dma_wait3A_389, %dma_wait3A_390] : memref<2568x16xf32, #tpu.memory_space<vmem_shared>> -> memref<2568x16xf32, #tpu.memory_space<vmem_shared>>
      tpu.wait_indirect_dma semaphore(%arg14 : memref<!tpu.dma_semaphore, #tpu.memory_space<semaphore_mem>>) src(%dma_wait3A_391 : memref<2568x16xf32, #tpu.memory_space<vmem_shared>>) dst(%dma_wait3A_386 : memref<128x16xf32, #tpu.memory_space<vmem>>)
      %dma_wait3A_392 = arith.constant 256 : i32
      %dma_wait3A_393 = arith.constant 0 : i32
      %dma_wait3A_394 = tpu.memref_slice %arg11[%dma_wait3A_392, %dma_wait3A_393] : memref<2048x16xf32, #tpu.memory_space<vmem>> -> memref<128x16xf32, #tpu.memory_space<vmem>>
      %dma_wait3A_395 = arith.constant 256 : i32
      %dma_wait3A_396 = tpu.memref_slice %arg7[%dma_wait3A_395] : memref<2048xi32, #tpu.memory_space<vmem>> -> memref<128xi32, #tpu.memory_space<vmem>>
      %dma_wait3A_397 = arith.constant 0 : i32
      %dma_wait3A_398 = arith.constant 0 : i32
      %dma_wait3A_399 = tpu.memref_slice %arg12[%dma_wait3A_397, %dma_wait3A_398] : memref<2568x16xf32, #tpu.memory_space<vmem_shared>> -> memref<2568x16xf32, #tpu.memory_space<vmem_shared>>
      tpu.wait_indirect_dma semaphore(%arg14 : memref<!tpu.dma_semaphore, #tpu.memory_space<semaphore_mem>>) src(%dma_wait3A_399 : memref<2568x16xf32, #tpu.memory_space<vmem_shared>>) dst(%dma_wait3A_394 : memref<128x16xf32, #tpu.memory_space<vmem>>)
      %dma_wait3A_400 = arith.constant 384 : i32
      %dma_wait3A_401 = arith.constant 0 : i32
      %dma_wait3A_402 = tpu.memref_slice %arg11[%dma_wait3A_400, %dma_wait3A_401] : memref<2048x16xf32, #tpu.memory_space<vmem>> -> memref<128x16xf32, #tpu.memory_space<vmem>>
      %dma_wait3A_403 = arith.constant 384 : i32
      %dma_wait3A_404 = tpu.memref_slice %arg7[%dma_wait3A_403] : memref<2048xi32, #tpu.memory_space<vmem>> -> memref<128xi32, #tpu.memory_space<vmem>>
      %dma_wait3A_405 = arith.constant 0 : i32
      %dma_wait3A_406 = arith.constant 0 : i32
      %dma_wait3A_407 = tpu.memref_slice %arg12[%dma_wait3A_405, %dma_wait3A_406] : memref<2568x16xf32, #tpu.memory_space<vmem_shared>> -> memref<2568x16xf32, #tpu.memory_space<vmem_shared>>
      tpu.wait_indirect_dma semaphore(%arg14 : memref<!tpu.dma_semaphore, #tpu.memory_space<semaphore_mem>>) src(%dma_wait3A_407 : memref<2568x16xf32, #tpu.memory_space<vmem_shared>>) dst(%dma_wait3A_402 : memref<128x16xf32, #tpu.memory_space<vmem>>)
      %dma_wait3A_408 = arith.constant 512 : i32
      %dma_wait3A_409 = arith.constant 0 : i32
      %dma_wait3A_410 = tpu.memref_slice %arg11[%dma_wait3A_408, %dma_wait3A_409] : memref<2048x16xf32, #tpu.memory_space<vmem>> -> memref<128x16xf32, #tpu.memory_space<vmem>>
      %dma_wait3A_411 = arith.constant 512 : i32
      %dma_wait3A_412 = tpu.memref_slice %arg7[%dma_wait3A_411] : memref<2048xi32, #tpu.memory_space<vmem>> -> memref<128xi32, #tpu.memory_space<vmem>>
      %dma_wait3A_413 = arith.constant 0 : i32
      %dma_wait3A_414 = arith.constant 0 : i32
      %dma_wait3A_415 = tpu.memref_slice %arg12[%dma_wait3A_413, %dma_wait3A_414] : memref<2568x16xf32, #tpu.memory_space<vmem_shared>> -> memref<2568x16xf32, #tpu.memory_space<vmem_shared>>
      tpu.wait_indirect_dma semaphore(%arg14 : memref<!tpu.dma_semaphore, #tpu.memory_space<semaphore_mem>>) src(%dma_wait3A_415 : memref<2568x16xf32, #tpu.memory_space<vmem_shared>>) dst(%dma_wait3A_410 : memref<128x16xf32, #tpu.memory_space<vmem>>)
      %dma_wait3A_416 = arith.constant 640 : i32
      %dma_wait3A_417 = arith.constant 0 : i32
      %dma_wait3A_418 = tpu.memref_slice %arg11[%dma_wait3A_416, %dma_wait3A_417] : memref<2048x16xf32, #tpu.memory_space<vmem>> -> memref<128x16xf32, #tpu.memory_space<vmem>>
      %dma_wait3A_419 = arith.constant 640 : i32
      %dma_wait3A_420 = tpu.memref_slice %arg7[%dma_wait3A_419] : memref<2048xi32, #tpu.memory_space<vmem>> -> memref<128xi32, #tpu.memory_space<vmem>>
      %dma_wait3A_421 = arith.constant 0 : i32
      %dma_wait3A_422 = arith.constant 0 : i32
      %dma_wait3A_423 = tpu.memref_slice %arg12[%dma_wait3A_421, %dma_wait3A_422] : memref<2568x16xf32, #tpu.memory_space<vmem_shared>> -> memref<2568x16xf32, #tpu.memory_space<vmem_shared>>
      tpu.wait_indirect_dma semaphore(%arg14 : memref<!tpu.dma_semaphore, #tpu.memory_space<semaphore_mem>>) src(%dma_wait3A_423 : memref<2568x16xf32, #tpu.memory_space<vmem_shared>>) dst(%dma_wait3A_418 : memref<128x16xf32, #tpu.memory_space<vmem>>)
      %dma_wait3A_424 = arith.constant 768 : i32
      %dma_wait3A_425 = arith.constant 0 : i32
      %dma_wait3A_426 = tpu.memref_slice %arg11[%dma_wait3A_424, %dma_wait3A_425] : memref<2048x16xf32, #tpu.memory_space<vmem>> -> memref<128x16xf32, #tpu.memory_space<vmem>>
      %dma_wait3A_427 = arith.constant 768 : i32
      %dma_wait3A_428 = tpu.memref_slice %arg7[%dma_wait3A_427] : memref<2048xi32, #tpu.memory_space<vmem>> -> memref<128xi32, #tpu.memory_space<vmem>>
      %dma_wait3A_429 = arith.constant 0 : i32
      %dma_wait3A_430 = arith.constant 0 : i32
      %dma_wait3A_431 = tpu.memref_slice %arg12[%dma_wait3A_429, %dma_wait3A_430] : memref<2568x16xf32, #tpu.memory_space<vmem_shared>> -> memref<2568x16xf32, #tpu.memory_space<vmem_shared>>
      tpu.wait_indirect_dma semaphore(%arg14 : memref<!tpu.dma_semaphore, #tpu.memory_space<semaphore_mem>>) src(%dma_wait3A_431 : memref<2568x16xf32, #tpu.memory_space<vmem_shared>>) dst(%dma_wait3A_426 : memref<128x16xf32, #tpu.memory_space<vmem>>)
      %dma_wait3A_432 = arith.constant 896 : i32
      %dma_wait3A_433 = arith.constant 0 : i32
      %dma_wait3A_434 = tpu.memref_slice %arg11[%dma_wait3A_432, %dma_wait3A_433] : memref<2048x16xf32, #tpu.memory_space<vmem>> -> memref<128x16xf32, #tpu.memory_space<vmem>>
      %dma_wait3A_435 = arith.constant 896 : i32
      %dma_wait3A_436 = tpu.memref_slice %arg7[%dma_wait3A_435] : memref<2048xi32, #tpu.memory_space<vmem>> -> memref<128xi32, #tpu.memory_space<vmem>>
      %dma_wait3A_437 = arith.constant 0 : i32
      %dma_wait3A_438 = arith.constant 0 : i32
      %dma_wait3A_439 = tpu.memref_slice %arg12[%dma_wait3A_437, %dma_wait3A_438] : memref<2568x16xf32, #tpu.memory_space<vmem_shared>> -> memref<2568x16xf32, #tpu.memory_space<vmem_shared>>
      tpu.wait_indirect_dma semaphore(%arg14 : memref<!tpu.dma_semaphore, #tpu.memory_space<semaphore_mem>>) src(%dma_wait3A_439 : memref<2568x16xf32, #tpu.memory_space<vmem_shared>>) dst(%dma_wait3A_434 : memref<128x16xf32, #tpu.memory_space<vmem>>)
      %dma_wait3A_440 = arith.constant 1024 : i32
      %dma_wait3A_441 = arith.constant 0 : i32
      %dma_wait3A_442 = tpu.memref_slice %arg11[%dma_wait3A_440, %dma_wait3A_441] : memref<2048x16xf32, #tpu.memory_space<vmem>> -> memref<128x16xf32, #tpu.memory_space<vmem>>
      %dma_wait3A_443 = arith.constant 1024 : i32
      %dma_wait3A_444 = tpu.memref_slice %arg7[%dma_wait3A_443] : memref<2048xi32, #tpu.memory_space<vmem>> -> memref<128xi32, #tpu.memory_space<vmem>>
      %dma_wait3A_445 = arith.constant 0 : i32
      %dma_wait3A_446 = arith.constant 0 : i32
      %dma_wait3A_447 = tpu.memref_slice %arg12[%dma_wait3A_445, %dma_wait3A_446] : memref<2568x16xf32, #tpu.memory_space<vmem_shared>> -> memref<2568x16xf32, #tpu.memory_space<vmem_shared>>
      tpu.wait_indirect_dma semaphore(%arg14 : memref<!tpu.dma_semaphore, #tpu.memory_space<semaphore_mem>>) src(%dma_wait3A_447 : memref<2568x16xf32, #tpu.memory_space<vmem_shared>>) dst(%dma_wait3A_442 : memref<128x16xf32, #tpu.memory_space<vmem>>)
      %dma_wait3A_448 = arith.constant 1152 : i32
      %dma_wait3A_449 = arith.constant 0 : i32
      %dma_wait3A_450 = tpu.memref_slice %arg11[%dma_wait3A_448, %dma_wait3A_449] : memref<2048x16xf32, #tpu.memory_space<vmem>> -> memref<128x16xf32, #tpu.memory_space<vmem>>
      %dma_wait3A_451 = arith.constant 1152 : i32
      %dma_wait3A_452 = tpu.memref_slice %arg7[%dma_wait3A_451] : memref<2048xi32, #tpu.memory_space<vmem>> -> memref<128xi32, #tpu.memory_space<vmem>>
      %dma_wait3A_453 = arith.constant 0 : i32
      %dma_wait3A_454 = arith.constant 0 : i32
      %dma_wait3A_455 = tpu.memref_slice %arg12[%dma_wait3A_453, %dma_wait3A_454] : memref<2568x16xf32, #tpu.memory_space<vmem_shared>> -> memref<2568x16xf32, #tpu.memory_space<vmem_shared>>
      tpu.wait_indirect_dma semaphore(%arg14 : memref<!tpu.dma_semaphore, #tpu.memory_space<semaphore_mem>>) src(%dma_wait3A_455 : memref<2568x16xf32, #tpu.memory_space<vmem_shared>>) dst(%dma_wait3A_450 : memref<128x16xf32, #tpu.memory_space<vmem>>)
      %dma_wait3A_456 = arith.constant 1280 : i32
      %dma_wait3A_457 = arith.constant 0 : i32
      %dma_wait3A_458 = tpu.memref_slice %arg11[%dma_wait3A_456, %dma_wait3A_457] : memref<2048x16xf32, #tpu.memory_space<vmem>> -> memref<128x16xf32, #tpu.memory_space<vmem>>
      %dma_wait3A_459 = arith.constant 1280 : i32
      %dma_wait3A_460 = tpu.memref_slice %arg7[%dma_wait3A_459] : memref<2048xi32, #tpu.memory_space<vmem>> -> memref<128xi32, #tpu.memory_space<vmem>>
      %dma_wait3A_461 = arith.constant 0 : i32
      %dma_wait3A_462 = arith.constant 0 : i32
      %dma_wait3A_463 = tpu.memref_slice %arg12[%dma_wait3A_461, %dma_wait3A_462] : memref<2568x16xf32, #tpu.memory_space<vmem_shared>> -> memref<2568x16xf32, #tpu.memory_space<vmem_shared>>
      tpu.wait_indirect_dma semaphore(%arg14 : memref<!tpu.dma_semaphore, #tpu.memory_space<semaphore_mem>>) src(%dma_wait3A_463 : memref<2568x16xf32, #tpu.memory_space<vmem_shared>>) dst(%dma_wait3A_458 : memref<128x16xf32, #tpu.memory_space<vmem>>)
      %dma_wait3A_464 = arith.constant 1408 : i32
      %dma_wait3A_465 = arith.constant 0 : i32
      %dma_wait3A_466 = tpu.memref_slice %arg11[%dma_wait3A_464, %dma_wait3A_465] : memref<2048x16xf32, #tpu.memory_space<vmem>> -> memref<128x16xf32, #tpu.memory_space<vmem>>
      %dma_wait3A_467 = arith.constant 1408 : i32
      %dma_wait3A_468 = tpu.memref_slice %arg7[%dma_wait3A_467] : memref<2048xi32, #tpu.memory_space<vmem>> -> memref<128xi32, #tpu.memory_space<vmem>>
      %dma_wait3A_469 = arith.constant 0 : i32
      %dma_wait3A_470 = arith.constant 0 : i32
      %dma_wait3A_471 = tpu.memref_slice %arg12[%dma_wait3A_469, %dma_wait3A_470] : memref<2568x16xf32, #tpu.memory_space<vmem_shared>> -> memref<2568x16xf32, #tpu.memory_space<vmem_shared>>
      tpu.wait_indirect_dma semaphore(%arg14 : memref<!tpu.dma_semaphore, #tpu.memory_space<semaphore_mem>>) src(%dma_wait3A_471 : memref<2568x16xf32, #tpu.memory_space<vmem_shared>>) dst(%dma_wait3A_466 : memref<128x16xf32, #tpu.memory_space<vmem>>)
      %dma_wait3A_472 = arith.constant 1536 : i32
      %dma_wait3A_473 = arith.constant 0 : i32
      %dma_wait3A_474 = tpu.memref_slice %arg11[%dma_wait3A_472, %dma_wait3A_473] : memref<2048x16xf32, #tpu.memory_space<vmem>> -> memref<128x16xf32, #tpu.memory_space<vmem>>
      %dma_wait3A_475 = arith.constant 1536 : i32
      %dma_wait3A_476 = tpu.memref_slice %arg7[%dma_wait3A_475] : memref<2048xi32, #tpu.memory_space<vmem>> -> memref<128xi32, #tpu.memory_space<vmem>>
      %dma_wait3A_477 = arith.constant 0 : i32
      %dma_wait3A_478 = arith.constant 0 : i32
      %dma_wait3A_479 = tpu.memref_slice %arg12[%dma_wait3A_477, %dma_wait3A_478] : memref<2568x16xf32, #tpu.memory_space<vmem_shared>> -> memref<2568x16xf32, #tpu.memory_space<vmem_shared>>
      tpu.wait_indirect_dma semaphore(%arg14 : memref<!tpu.dma_semaphore, #tpu.memory_space<semaphore_mem>>) src(%dma_wait3A_479 : memref<2568x16xf32, #tpu.memory_space<vmem_shared>>) dst(%dma_wait3A_474 : memref<128x16xf32, #tpu.memory_space<vmem>>)
      %dma_wait3A_480 = arith.constant 1664 : i32
      %dma_wait3A_481 = arith.constant 0 : i32
      %dma_wait3A_482 = tpu.memref_slice %arg11[%dma_wait3A_480, %dma_wait3A_481] : memref<2048x16xf32, #tpu.memory_space<vmem>> -> memref<128x16xf32, #tpu.memory_space<vmem>>
      %dma_wait3A_483 = arith.constant 1664 : i32
      %dma_wait3A_484 = tpu.memref_slice %arg7[%dma_wait3A_483] : memref<2048xi32, #tpu.memory_space<vmem>> -> memref<128xi32, #tpu.memory_space<vmem>>
      %dma_wait3A_485 = arith.constant 0 : i32
      %dma_wait3A_486 = arith.constant 0 : i32
      %dma_wait3A_487 = tpu.memref_slice %arg12[%dma_wait3A_485, %dma_wait3A_486] : memref<2568x16xf32, #tpu.memory_space<vmem_shared>> -> memref<2568x16xf32, #tpu.memory_space<vmem_shared>>
      tpu.wait_indirect_dma semaphore(%arg14 : memref<!tpu.dma_semaphore, #tpu.memory_space<semaphore_mem>>) src(%dma_wait3A_487 : memref<2568x16xf32, #tpu.memory_space<vmem_shared>>) dst(%dma_wait3A_482 : memref<128x16xf32, #tpu.memory_space<vmem>>)
      %dma_wait3A_488 = arith.constant 1792 : i32
      %dma_wait3A_489 = arith.constant 0 : i32
      %dma_wait3A_490 = tpu.memref_slice %arg11[%dma_wait3A_488, %dma_wait3A_489] : memref<2048x16xf32, #tpu.memory_space<vmem>> -> memref<128x16xf32, #tpu.memory_space<vmem>>
      %dma_wait3A_491 = arith.constant 1792 : i32
      %dma_wait3A_492 = tpu.memref_slice %arg7[%dma_wait3A_491] : memref<2048xi32, #tpu.memory_space<vmem>> -> memref<128xi32, #tpu.memory_space<vmem>>
      %dma_wait3A_493 = arith.constant 0 : i32
      %dma_wait3A_494 = arith.constant 0 : i32
      %dma_wait3A_495 = tpu.memref_slice %arg12[%dma_wait3A_493, %dma_wait3A_494] : memref<2568x16xf32, #tpu.memory_space<vmem_shared>> -> memref<2568x16xf32, #tpu.memory_space<vmem_shared>>
      tpu.wait_indirect_dma semaphore(%arg14 : memref<!tpu.dma_semaphore, #tpu.memory_space<semaphore_mem>>) src(%dma_wait3A_495 : memref<2568x16xf32, #tpu.memory_space<vmem_shared>>) dst(%dma_wait3A_490 : memref<128x16xf32, #tpu.memory_space<vmem>>)
      %dma_wait3A_496 = arith.constant 1920 : i32
      %dma_wait3A_497 = arith.constant 0 : i32
      %dma_wait3A_498 = tpu.memref_slice %arg11[%dma_wait3A_496, %dma_wait3A_497] : memref<2048x16xf32, #tpu.memory_space<vmem>> -> memref<128x16xf32, #tpu.memory_space<vmem>>
      %dma_wait3A_499 = arith.constant 1920 : i32
      %dma_wait3A_500 = tpu.memref_slice %arg7[%dma_wait3A_499] : memref<2048xi32, #tpu.memory_space<vmem>> -> memref<128xi32, #tpu.memory_space<vmem>>
      %dma_wait3A_501 = arith.constant 0 : i32
      %dma_wait3A_502 = arith.constant 0 : i32
      %dma_wait3A_503 = tpu.memref_slice %arg12[%dma_wait3A_501, %dma_wait3A_502] : memref<2568x16xf32, #tpu.memory_space<vmem_shared>> -> memref<2568x16xf32, #tpu.memory_space<vmem_shared>>
      tpu.wait_indirect_dma semaphore(%arg14 : memref<!tpu.dma_semaphore, #tpu.memory_space<semaphore_mem>>) src(%dma_wait3A_503 : memref<2568x16xf32, #tpu.memory_space<vmem_shared>>) dst(%dma_wait3A_498 : memref<128x16xf32, #tpu.memory_space<vmem>>)
      %mul3A_504 = arith.constant 8 : i32
      %mul3A_505 = arith.muli %add3A_360, %mul3A_504 : i32
      %dma_start3A_506 = arith.constant 0 : i32
      %dma_start3A_507 = tpu.memref_slice %arg5[%mul3A_505, %dma_start3A_506] : memref<1638400x16xf32, #tpu.memory_space<hbm>> -> memref<2048x16xf32, #tpu.memory_space<hbm>>
      %dma_start3A_508 = arith.constant 0 : i32
      %dma_start3A_509 = tpu.memref_slice %arg5[%mul3A_505, %dma_start3A_508] : memref<1638400x16xf32, #tpu.memory_space<hbm>> -> memref<2048x16xf32, #tpu.memory_space<hbm>>
      tpu.enqueue_dma source(%arg11 : memref<2048x16xf32, #tpu.memory_space<vmem>>) target(%dma_start3A_509 : memref<2048x16xf32, #tpu.memory_space<hbm>>) target_semaphore(%arg16 : memref<!tpu.dma_semaphore, #tpu.memory_space<semaphore_mem>>)
    }
    %scan3A_17 = arith.constant 12 : i32
    %mul3A_18 = arith.constant 6400 : i32
    %mul3A_19 = arith.muli %add3A, %mul3A_18 : i32
    %add3A_20 = arith.constant 6144 : i32
    %add3A_21 = arith.addi %mul3A_19, %add3A_20 : i32
    "tpu.region"() ({
      %run_scoped3A = tpu.sem_alloc : memref<!tpu.dma_semaphore, #tpu.memory_space<semaphore_mem>>
      %dma_start3A_192 = tpu.memref_slice %arg2[%add3A_21] : memref<204800xi32, #tpu.memory_space<hbm>> -> memref<256xi32, #tpu.memory_space<hbm>>
      %dma_start3A_193 = tpu.memref_slice %arg2[%add3A_21] : memref<204800xi32, #tpu.memory_space<hbm>> -> memref<256xi32, #tpu.memory_space<hbm>>
      tpu.enqueue_dma source(%dma_start3A_193 : memref<256xi32, #tpu.memory_space<hbm>>) target(%arg6 : memref<256xi32, #tpu.memory_space<vmem>>) target_semaphore(%run_scoped3A : memref<!tpu.dma_semaphore, #tpu.memory_space<semaphore_mem>>)
      %dma_wait3A_194 = tpu.memref_slice %arg2[%add3A_21] : memref<204800xi32, #tpu.memory_space<hbm>> -> memref<256xi32, #tpu.memory_space<hbm>>
      %dma_wait3A_195 = tpu.memref_slice %arg2[%add3A_21] : memref<204800xi32, #tpu.memory_space<hbm>> -> memref<256xi32, #tpu.memory_space<hbm>>
      tpu.wait_dma2 semaphore(%run_scoped3A : memref<!tpu.dma_semaphore, #tpu.memory_space<semaphore_mem>>) src(%dma_wait3A_195 : memref<256xi32, #tpu.memory_space<hbm>>) dst(%arg6 : memref<256xi32, #tpu.memory_space<vmem>>)
      tpu.yield
    }) : () -> ()
    %scan3A_22 = arith.constant 0 : i32
    %scan3A_23 = arith.constant 0 : i32
    %scan3A_24 = arith.constant 16 : i32
    %scan3A_25 = arith.addi %scan3A_23, %scan3A_24 : i32
    %scan3A_26 = arith.constant 1 : i32
    scf.for %scan3A_192 = %scan3A_23 to %scan3A_25 step %scan3A_26  : i32 {
      %mul3A_193 = arith.constant 16 : i32
      %mul3A_194 = arith.muli %scan3A_192, %mul3A_193 : i32
      %get3A = arith.index_cast %mul3A_194 : i32 to index
      %get3A_195 = tpu.vector_load %arg6[%get3A] {strides = array<i32>} : memref<256xi32, #tpu.memory_space<vmem>>, vector<16xi32>,
      %get3A_196 = vector.shape_cast %get3A_195 : vector<16xi32> to vector<16xi32>
      %min3A = arith.constant 999935 : i32
      %min3A_197 = vector.broadcast %min3A : i32 to vector<16xi32>
      %min3A_198 = arith.minsi %get3A_196, %min3A_197 : vector<16xi32>
      %shift_right_logical3A_199 = arith.constant 7 : i32
      %shift_right_logical3A_200 = vector.broadcast %shift_right_logical3A_199 : i32 to vector<16xi32>
      %shift_right_logical3A_201 = arith.shrui %min3A_198, %shift_right_logical3A_200 : vector<16xi32>
      %mul3A_202 = arith.constant 1024 : i32
      %mul3A_203 = vector.broadcast %mul3A_202 : i32 to vector<16xi32>
      %mul3A_204 = arith.muli %shift_right_logical3A_201, %mul3A_203 : vector<16xi32>
      %and3A_205 = arith.constant 127 : i32
      %and3A_206 = vector.broadcast %and3A_205 : i32 to vector<16xi32>
      %and3A_207 = arith.andi %min3A_198, %and3A_206 : vector<16xi32>
      %add3A_208 = arith.addi %mul3A_204, %and3A_207 : vector<16xi32>
      %ge3A = arith.constant 999936 : i32
      %ge3A_209 = vector.broadcast %ge3A : i32 to vector<16xi32>
      %ge3A_210 = arith.cmpi sge, %get3A_196, %ge3A_209 : vector<16xi32>
      %sub3A = arith.constant 999936 : i32
      %sub3A_211 = vector.broadcast %sub3A : i32 to vector<16xi32>
      %sub3A_212 = arith.subi %get3A_196, %sub3A_211 : vector<16xi32>
      %mul3A_213 = arith.constant 8 : i32
      %mul3A_214 = vector.broadcast %mul3A_213 : i32 to vector<16xi32>
      %mul3A_215 = arith.muli %sub3A_212, %mul3A_214 : vector<16xi32>
      %add3A_216 = arith.constant 2048 : i32
      %add3A_217 = vector.broadcast %add3A_216 : i32 to vector<16xi32>
      %add3A_218 = arith.addi %mul3A_215, %add3A_217 : vector<16xi32>
      %jit3A = arith.constant 0 : i32
      %broadcast_in_dim3A = vector.broadcast %jit3A : i32 to vector<16xi32>
      %select_n3A = arith.select %ge3A_210, %add3A_218, %broadcast_in_dim3A : vector<16xi1>, vector<16xi32>
      %add3A_219 = arith.constant 0 : i32
      %add3A_220 = vector.broadcast %add3A_219 : i32 to vector<16xi32>
      %add3A_221 = arith.addi %shift_right_logical3A_4, %add3A_220 : vector<16xi32>
      %mul3A_222 = arith.constant 128 : i32
      %mul3A_223 = arith.muli %scan3A_192, %mul3A_222 : i32
      %add3A_224 = arith.constant 0 : i32
      %add3A_225 = arith.addi %mul3A_223, %add3A_224 : i32
      %lt3A = arith.constant 0 : i32
      %lt3A_226 = vector.broadcast %lt3A : i32 to vector<16xi32>
      %lt3A_227 = arith.cmpi slt, %add3A_221, %lt3A_226 : vector<16xi32>
      %add3A_228 = arith.constant 16 : i32
      %add3A_229 = vector.broadcast %add3A_228 : i32 to vector<16xi32>
      %add3A_230 = arith.addi %add3A_221, %add3A_229 : vector<16xi32>
      %select_n3A_231 = arith.select %lt3A_227, %add3A_230, %add3A_221 : vector<16xi1>, vector<16xi32>
      %broadcast_in_dim3A_232 = vector.shape_cast %select_n3A_231 : vector<16xi32> to vector<16x1xi32>
      %gather3A = vector.shape_cast %broadcast_in_dim3A_232 : vector<16x1xi32> to vector<16xi32>
      %gather3A_233 = tpu.dynamic_gather %add3A_208[%gather3A] in [0] : vector<16xi32>, vector<16xi32> -> vector<16xi32>
      %add3A_234 = arith.addi %gather3A_233, %mul3A_10 : vector<16xi32>
      %swap3A = arith.index_cast %add3A_225 : i32 to index
      %swap3A_235 = tpu.vector_load %arg7[%swap3A] {strides = array<i32>} : memref<2048xi32, #tpu.memory_space<vmem>>, vector<16xi32>,
      %swap3A_236 = vector.shape_cast %swap3A_235 : vector<16xi32> to vector<16xi32>
      %swap3A_237 = vector.shape_cast %add3A_234 : vector<16xi32> to vector<16xi32>
      tpu.vector_store %arg7[%swap3A], %swap3A_237 {strides = array<i32>} : memref<2048xi32, #tpu.memory_space<vmem>>, vector<16xi32>,
      %lt3A_238 = arith.constant 0 : i32
      %lt3A_239 = vector.broadcast %lt3A_238 : i32 to vector<16xi32>
      %lt3A_240 = arith.cmpi slt, %add3A_221, %lt3A_239 : vector<16xi32>
      %add3A_241 = arith.constant 16 : i32
      %add3A_242 = vector.broadcast %add3A_241 : i32 to vector<16xi32>
      %add3A_243 = arith.addi %add3A_221, %add3A_242 : vector<16xi32>
      %select_n3A_244 = arith.select %lt3A_240, %add3A_243, %add3A_221 : vector<16xi1>, vector<16xi32>
      %broadcast_in_dim3A_245 = vector.shape_cast %select_n3A_244 : vector<16xi32> to vector<16x1xi32>
      %gather3A_246 = vector.shape_cast %broadcast_in_dim3A_245 : vector<16x1xi32> to vector<16xi32>
      %gather3A_247 = tpu.dynamic_gather %select_n3A[%gather3A_246] in [0] : vector<16xi32>, vector<16xi32> -> vector<16xi32>
      %add3A_248 = arith.addi %gather3A_247, %and3A_2 : vector<16xi32>
      %swap3A_249 = arith.index_cast %add3A_225 : i32 to index
      %swap3A_250 = tpu.vector_load %arg8[%swap3A_249] {strides = array<i32>} : memref<2048xi32, #tpu.memory_space<vmem>>, vector<16xi32>,
      %swap3A_251 = vector.shape_cast %swap3A_250 : vector<16xi32> to vector<16xi32>
      %swap3A_252 = vector.shape_cast %add3A_248 : vector<16xi32> to vector<16xi32>
      tpu.vector_store %arg8[%swap3A_249], %swap3A_252 {strides = array<i32>} : memref<2048xi32, #tpu.memory_space<vmem>>, vector<16xi32>,
      %add3A_253 = arith.constant 2 : i32
      %add3A_254 = vector.broadcast %add3A_253 : i32 to vector<16xi32>
      %add3A_255 = arith.addi %shift_right_logical3A_4, %add3A_254 : vector<16xi32>
      %mul3A_256 = arith.constant 128 : i32
      %mul3A_257 = arith.muli %scan3A_192, %mul3A_256 : i32
      %add3A_258 = arith.constant 16 : i32
      %add3A_259 = arith.addi %mul3A_257, %add3A_258 : i32
      %lt3A_260 = arith.constant 0 : i32
      %lt3A_261 = vector.broadcast %lt3A_260 : i32 to vector<16xi32>
      %lt3A_262 = arith.cmpi slt, %add3A_255, %lt3A_261 : vector<16xi32>
      %add3A_263 = arith.constant 16 : i32
      %add3A_264 = vector.broadcast %add3A_263 : i32 to vector<16xi32>
      %add3A_265 = arith.addi %add3A_255, %add3A_264 : vector<16xi32>
      %select_n3A_266 = arith.select %lt3A_262, %add3A_265, %add3A_255 : vector<16xi1>, vector<16xi32>
      %broadcast_in_dim3A_267 = vector.shape_cast %select_n3A_266 : vector<16xi32> to vector<16x1xi32>
      %gather3A_268 = vector.shape_cast %broadcast_in_dim3A_267 : vector<16x1xi32> to vector<16xi32>
      %gather3A_269 = tpu.dynamic_gather %add3A_208[%gather3A_268] in [0] : vector<16xi32>, vector<16xi32> -> vector<16xi32>
      %add3A_270 = arith.addi %gather3A_269, %mul3A_10 : vector<16xi32>
      %swap3A_271 = arith.index_cast %add3A_259 : i32 to index
      %swap3A_272 = tpu.vector_load %arg7[%swap3A_271] {strides = array<i32>} : memref<2048xi32, #tpu.memory_space<vmem>>, vector<16xi32>,
      %swap3A_273 = vector.shape_cast %swap3A_272 : vector<16xi32> to vector<16xi32>
      %swap3A_274 = vector.shape_cast %add3A_270 : vector<16xi32> to vector<16xi32>
      tpu.vector_store %arg7[%swap3A_271], %swap3A_274 {strides = array<i32>} : memref<2048xi32, #tpu.memory_space<vmem>>, vector<16xi32>,
      %lt3A_275 = arith.constant 0 : i32
      %lt3A_276 = vector.broadcast %lt3A_275 : i32 to vector<16xi32>
      %lt3A_277 = arith.cmpi slt, %add3A_255, %lt3A_276 : vector<16xi32>
      %add3A_278 = arith.constant 16 : i32
      %add3A_279 = vector.broadcast %add3A_278 : i32 to vector<16xi32>
      %add3A_280 = arith.addi %add3A_255, %add3A_279 : vector<16xi32>
      %select_n3A_281 = arith.select %lt3A_277, %add3A_280, %add3A_255 : vector<16xi1>, vector<16xi32>
      %broadcast_in_dim3A_282 = vector.shape_cast %select_n3A_281 : vector<16xi32> to vector<16x1xi32>
      %gather3A_283 = vector.shape_cast %broadcast_in_dim3A_282 : vector<16x1xi32> to vector<16xi32>
      %gather3A_284 = tpu.dynamic_gather %select_n3A[%gather3A_283] in [0] : vector<16xi32>, vector<16xi32> -> vector<16xi32>
      %add3A_285 = arith.addi %gather3A_284, %and3A_2 : vector<16xi32>
      %swap3A_286 = arith.index_cast %add3A_259 : i32 to index
      %swap3A_287 = tpu.vector_load %arg8[%swap3A_286] {strides = array<i32>} : memref<2048xi32, #tpu.memory_space<vmem>>, vector<16xi32>,
      %swap3A_288 = vector.shape_cast %swap3A_287 : vector<16xi32> to vector<16xi32>
      %swap3A_289 = vector.shape_cast %add3A_285 : vector<16xi32> to vector<16xi32>
      tpu.vector_store %arg8[%swap3A_286], %swap3A_289 {strides = array<i32>} : memref<2048xi32, #tpu.memory_space<vmem>>, vector<16xi32>,
      %add3A_290 = arith.constant 4 : i32
      %add3A_291 = vector.broadcast %add3A_290 : i32 to vector<16xi32>
      %add3A_292 = arith.addi %shift_right_logical3A_4, %add3A_291 : vector<16xi32>
      %mul3A_293 = arith.constant 128 : i32
      %mul3A_294 = arith.muli %scan3A_192, %mul3A_293 : i32
      %add3A_295 = arith.constant 32 : i32
      %add3A_296 = arith.addi %mul3A_294, %add3A_295 : i32
      %lt3A_297 = arith.constant 0 : i32
      %lt3A_298 = vector.broadcast %lt3A_297 : i32 to vector<16xi32>
      %lt3A_299 = arith.cmpi slt, %add3A_292, %lt3A_298 : vector<16xi32>
      %add3A_300 = arith.constant 16 : i32
      %add3A_301 = vector.broadcast %add3A_300 : i32 to vector<16xi32>
      %add3A_302 = arith.addi %add3A_292, %add3A_301 : vector<16xi32>
      %select_n3A_303 = arith.select %lt3A_299, %add3A_302, %add3A_292 : vector<16xi1>, vector<16xi32>
      %broadcast_in_dim3A_304 = vector.shape_cast %select_n3A_303 : vector<16xi32> to vector<16x1xi32>
      %gather3A_305 = vector.shape_cast %broadcast_in_dim3A_304 : vector<16x1xi32> to vector<16xi32>
      %gather3A_306 = tpu.dynamic_gather %add3A_208[%gather3A_305] in [0] : vector<16xi32>, vector<16xi32> -> vector<16xi32>
      %add3A_307 = arith.addi %gather3A_306, %mul3A_10 : vector<16xi32>
      %swap3A_308 = arith.index_cast %add3A_296 : i32 to index
      %swap3A_309 = tpu.vector_load %arg7[%swap3A_308] {strides = array<i32>} : memref<2048xi32, #tpu.memory_space<vmem>>, vector<16xi32>,
      %swap3A_310 = vector.shape_cast %swap3A_309 : vector<16xi32> to vector<16xi32>
      %swap3A_311 = vector.shape_cast %add3A_307 : vector<16xi32> to vector<16xi32>
      tpu.vector_store %arg7[%swap3A_308], %swap3A_311 {strides = array<i32>} : memref<2048xi32, #tpu.memory_space<vmem>>, vector<16xi32>,
      %lt3A_312 = arith.constant 0 : i32
      %lt3A_313 = vector.broadcast %lt3A_312 : i32 to vector<16xi32>
      %lt3A_314 = arith.cmpi slt, %add3A_292, %lt3A_313 : vector<16xi32>
      %add3A_315 = arith.constant 16 : i32
      %add3A_316 = vector.broadcast %add3A_315 : i32 to vector<16xi32>
      %add3A_317 = arith.addi %add3A_292, %add3A_316 : vector<16xi32>
      %select_n3A_318 = arith.select %lt3A_314, %add3A_317, %add3A_292 : vector<16xi1>, vector<16xi32>
      %broadcast_in_dim3A_319 = vector.shape_cast %select_n3A_318 : vector<16xi32> to vector<16x1xi32>
      %gather3A_320 = vector.shape_cast %broadcast_in_dim3A_319 : vector<16x1xi32> to vector<16xi32>
      %gather3A_321 = tpu.dynamic_gather %select_n3A[%gather3A_320] in [0] : vector<16xi32>, vector<16xi32> -> vector<16xi32>
      %add3A_322 = arith.addi %gather3A_321, %and3A_2 : vector<16xi32>
      %swap3A_323 = arith.index_cast %add3A_296 : i32 to index
      %swap3A_324 = tpu.vector_load %arg8[%swap3A_323] {strides = array<i32>} : memref<2048xi32, #tpu.memory_space<vmem>>, vector<16xi32>,
      %swap3A_325 = vector.shape_cast %swap3A_324 : vector<16xi32> to vector<16xi32>
      %swap3A_326 = vector.shape_cast %add3A_322 : vector<16xi32> to vector<16xi32>
      tpu.vector_store %arg8[%swap3A_323], %swap3A_326 {strides = array<i32>} : memref<2048xi32, #tpu.memory_space<vmem>>, vector<16xi32>,
      %add3A_327 = arith.constant 6 : i32
      %add3A_328 = vector.broadcast %add3A_327 : i32 to vector<16xi32>
      %add3A_329 = arith.addi %shift_right_logical3A_4, %add3A_328 : vector<16xi32>
      %mul3A_330 = arith.constant 128 : i32
      %mul3A_331 = arith.muli %scan3A_192, %mul3A_330 : i32
      %add3A_332 = arith.constant 48 : i32
      %add3A_333 = arith.addi %mul3A_331, %add3A_332 : i32
      %lt3A_334 = arith.constant 0 : i32
      %lt3A_335 = vector.broadcast %lt3A_334 : i32 to vector<16xi32>
      %lt3A_336 = arith.cmpi slt, %add3A_329, %lt3A_335 : vector<16xi32>
      %add3A_337 = arith.constant 16 : i32
      %add3A_338 = vector.broadcast %add3A_337 : i32 to vector<16xi32>
      %add3A_339 = arith.addi %add3A_329, %add3A_338 : vector<16xi32>
      %select_n3A_340 = arith.select %lt3A_336, %add3A_339, %add3A_329 : vector<16xi1>, vector<16xi32>
      %broadcast_in_dim3A_341 = vector.shape_cast %select_n3A_340 : vector<16xi32> to vector<16x1xi32>
      %gather3A_342 = vector.shape_cast %broadcast_in_dim3A_341 : vector<16x1xi32> to vector<16xi32>
      %gather3A_343 = tpu.dynamic_gather %add3A_208[%gather3A_342] in [0] : vector<16xi32>, vector<16xi32> -> vector<16xi32>
      %add3A_344 = arith.addi %gather3A_343, %mul3A_10 : vector<16xi32>
      %swap3A_345 = arith.index_cast %add3A_333 : i32 to index
      %swap3A_346 = tpu.vector_load %arg7[%swap3A_345] {strides = array<i32>} : memref<2048xi32, #tpu.memory_space<vmem>>, vector<16xi32>,
      %swap3A_347 = vector.shape_cast %swap3A_346 : vector<16xi32> to vector<16xi32>
      %swap3A_348 = vector.shape_cast %add3A_344 : vector<16xi32> to vector<16xi32>
      tpu.vector_store %arg7[%swap3A_345], %swap3A_348 {strides = array<i32>} : memref<2048xi32, #tpu.memory_space<vmem>>, vector<16xi32>,
      %lt3A_349 = arith.constant 0 : i32
      %lt3A_350 = vector.broadcast %lt3A_349 : i32 to vector<16xi32>
      %lt3A_351 = arith.cmpi slt, %add3A_329, %lt3A_350 : vector<16xi32>
      %add3A_352 = arith.constant 16 : i32
      %add3A_353 = vector.broadcast %add3A_352 : i32 to vector<16xi32>
      %add3A_354 = arith.addi %add3A_329, %add3A_353 : vector<16xi32>
      %select_n3A_355 = arith.select %lt3A_351, %add3A_354, %add3A_329 : vector<16xi1>, vector<16xi32>
      %broadcast_in_dim3A_356 = vector.shape_cast %select_n3A_355 : vector<16xi32> to vector<16x1xi32>
      %gather3A_357 = vector.shape_cast %broadcast_in_dim3A_356 : vector<16x1xi32> to vector<16xi32>
      %gather3A_358 = tpu.dynamic_gather %select_n3A[%gather3A_357] in [0] : vector<16xi32>, vector<16xi32> -> vector<16xi32>
      %add3A_359 = arith.addi %gather3A_358, %and3A_2 : vector<16xi32>
      %swap3A_360 = arith.index_cast %add3A_333 : i32 to index
      %swap3A_361 = tpu.vector_load %arg8[%swap3A_360] {strides = array<i32>} : memref<2048xi32, #tpu.memory_space<vmem>>, vector<16xi32>,
      %swap3A_362 = vector.shape_cast %swap3A_361 : vector<16xi32> to vector<16xi32>
      %swap3A_363 = vector.shape_cast %add3A_359 : vector<16xi32> to vector<16xi32>
      tpu.vector_store %arg8[%swap3A_360], %swap3A_363 {strides = array<i32>} : memref<2048xi32, #tpu.memory_space<vmem>>, vector<16xi32>,
      %add3A_364 = arith.constant 8 : i32
      %add3A_365 = vector.broadcast %add3A_364 : i32 to vector<16xi32>
      %add3A_366 = arith.addi %shift_right_logical3A_4, %add3A_365 : vector<16xi32>
      %mul3A_367 = arith.constant 128 : i32
      %mul3A_368 = arith.muli %scan3A_192, %mul3A_367 : i32
      %add3A_369 = arith.constant 64 : i32
      %add3A_370 = arith.addi %mul3A_368, %add3A_369 : i32
      %lt3A_371 = arith.constant 0 : i32
      %lt3A_372 = vector.broadcast %lt3A_371 : i32 to vector<16xi32>
      %lt3A_373 = arith.cmpi slt, %add3A_366, %lt3A_372 : vector<16xi32>
      %add3A_374 = arith.constant 16 : i32
      %add3A_375 = vector.broadcast %add3A_374 : i32 to vector<16xi32>
      %add3A_376 = arith.addi %add3A_366, %add3A_375 : vector<16xi32>
      %select_n3A_377 = arith.select %lt3A_373, %add3A_376, %add3A_366 : vector<16xi1>, vector<16xi32>
      %broadcast_in_dim3A_378 = vector.shape_cast %select_n3A_377 : vector<16xi32> to vector<16x1xi32>
      %gather3A_379 = vector.shape_cast %broadcast_in_dim3A_378 : vector<16x1xi32> to vector<16xi32>
      %gather3A_380 = tpu.dynamic_gather %add3A_208[%gather3A_379] in [0] : vector<16xi32>, vector<16xi32> -> vector<16xi32>
      %add3A_381 = arith.addi %gather3A_380, %mul3A_10 : vector<16xi32>
      %swap3A_382 = arith.index_cast %add3A_370 : i32 to index
      %swap3A_383 = tpu.vector_load %arg7[%swap3A_382] {strides = array<i32>} : memref<2048xi32, #tpu.memory_space<vmem>>, vector<16xi32>,
      %swap3A_384 = vector.shape_cast %swap3A_383 : vector<16xi32> to vector<16xi32>
      %swap3A_385 = vector.shape_cast %add3A_381 : vector<16xi32> to vector<16xi32>
      tpu.vector_store %arg7[%swap3A_382], %swap3A_385 {strides = array<i32>} : memref<2048xi32, #tpu.memory_space<vmem>>, vector<16xi32>,
      %lt3A_386 = arith.constant 0 : i32
      %lt3A_387 = vector.broadcast %lt3A_386 : i32 to vector<16xi32>
      %lt3A_388 = arith.cmpi slt, %add3A_366, %lt3A_387 : vector<16xi32>
      %add3A_389 = arith.constant 16 : i32
      %add3A_390 = vector.broadcast %add3A_389 : i32 to vector<16xi32>
      %add3A_391 = arith.addi %add3A_366, %add3A_390 : vector<16xi32>
      %select_n3A_392 = arith.select %lt3A_388, %add3A_391, %add3A_366 : vector<16xi1>, vector<16xi32>
      %broadcast_in_dim3A_393 = vector.shape_cast %select_n3A_392 : vector<16xi32> to vector<16x1xi32>
      %gather3A_394 = vector.shape_cast %broadcast_in_dim3A_393 : vector<16x1xi32> to vector<16xi32>
      %gather3A_395 = tpu.dynamic_gather %select_n3A[%gather3A_394] in [0] : vector<16xi32>, vector<16xi32> -> vector<16xi32>
      %add3A_396 = arith.addi %gather3A_395, %and3A_2 : vector<16xi32>
      %swap3A_397 = arith.index_cast %add3A_370 : i32 to index
      %swap3A_398 = tpu.vector_load %arg8[%swap3A_397] {strides = array<i32>} : memref<2048xi32, #tpu.memory_space<vmem>>, vector<16xi32>,
      %swap3A_399 = vector.shape_cast %swap3A_398 : vector<16xi32> to vector<16xi32>
      %swap3A_400 = vector.shape_cast %add3A_396 : vector<16xi32> to vector<16xi32>
      tpu.vector_store %arg8[%swap3A_397], %swap3A_400 {strides = array<i32>} : memref<2048xi32, #tpu.memory_space<vmem>>, vector<16xi32>,
      %add3A_401 = arith.constant 10 : i32
      %add3A_402 = vector.broadcast %add3A_401 : i32 to vector<16xi32>
      %add3A_403 = arith.addi %shift_right_logical3A_4, %add3A_402 : vector<16xi32>
      %mul3A_404 = arith.constant 128 : i32
      %mul3A_405 = arith.muli %scan3A_192, %mul3A_404 : i32
      %add3A_406 = arith.constant 80 : i32
      %add3A_407 = arith.addi %mul3A_405, %add3A_406 : i32
      %lt3A_408 = arith.constant 0 : i32
      %lt3A_409 = vector.broadcast %lt3A_408 : i32 to vector<16xi32>
      %lt3A_410 = arith.cmpi slt, %add3A_403, %lt3A_409 : vector<16xi32>
      %add3A_411 = arith.constant 16 : i32
      %add3A_412 = vector.broadcast %add3A_411 : i32 to vector<16xi32>
      %add3A_413 = arith.addi %add3A_403, %add3A_412 : vector<16xi32>
      %select_n3A_414 = arith.select %lt3A_410, %add3A_413, %add3A_403 : vector<16xi1>, vector<16xi32>
      %broadcast_in_dim3A_415 = vector.shape_cast %select_n3A_414 : vector<16xi32> to vector<16x1xi32>
      %gather3A_416 = vector.shape_cast %broadcast_in_dim3A_415 : vector<16x1xi32> to vector<16xi32>
      %gather3A_417 = tpu.dynamic_gather %add3A_208[%gather3A_416] in [0] : vector<16xi32>, vector<16xi32> -> vector<16xi32>
      %add3A_418 = arith.addi %gather3A_417, %mul3A_10 : vector<16xi32>
      %swap3A_419 = arith.index_cast %add3A_407 : i32 to index
      %swap3A_420 = tpu.vector_load %arg7[%swap3A_419] {strides = array<i32>} : memref<2048xi32, #tpu.memory_space<vmem>>, vector<16xi32>,
      %swap3A_421 = vector.shape_cast %swap3A_420 : vector<16xi32> to vector<16xi32>
      %swap3A_422 = vector.shape_cast %add3A_418 : vector<16xi32> to vector<16xi32>
      tpu.vector_store %arg7[%swap3A_419], %swap3A_422 {strides = array<i32>} : memref<2048xi32, #tpu.memory_space<vmem>>, vector<16xi32>,
      %lt3A_423 = arith.constant 0 : i32
      %lt3A_424 = vector.broadcast %lt3A_423 : i32 to vector<16xi32>
      %lt3A_425 = arith.cmpi slt, %add3A_403, %lt3A_424 : vector<16xi32>
      %add3A_426 = arith.constant 16 : i32
      %add3A_427 = vector.broadcast %add3A_426 : i32 to vector<16xi32>
      %add3A_428 = arith.addi %add3A_403, %add3A_427 : vector<16xi32>
      %select_n3A_429 = arith.select %lt3A_425, %add3A_428, %add3A_403 : vector<16xi1>, vector<16xi32>
      %broadcast_in_dim3A_430 = vector.shape_cast %select_n3A_429 : vector<16xi32> to vector<16x1xi32>
      %gather3A_431 = vector.shape_cast %broadcast_in_dim3A_430 : vector<16x1xi32> to vector<16xi32>
      %gather3A_432 = tpu.dynamic_gather %select_n3A[%gather3A_431] in [0] : vector<16xi32>, vector<16xi32> -> vector<16xi32>
      %add3A_433 = arith.addi %gather3A_432, %and3A_2 : vector<16xi32>
      %swap3A_434 = arith.index_cast %add3A_407 : i32 to index
      %swap3A_435 = tpu.vector_load %arg8[%swap3A_434] {strides = array<i32>} : memref<2048xi32, #tpu.memory_space<vmem>>, vector<16xi32>,
      %swap3A_436 = vector.shape_cast %swap3A_435 : vector<16xi32> to vector<16xi32>
      %swap3A_437 = vector.shape_cast %add3A_433 : vector<16xi32> to vector<16xi32>
      tpu.vector_store %arg8[%swap3A_434], %swap3A_437 {strides = array<i32>} : memref<2048xi32, #tpu.memory_space<vmem>>, vector<16xi32>,
      %add3A_438 = arith.constant 12 : i32
      %add3A_439 = vector.broadcast %add3A_438 : i32 to vector<16xi32>
      %add3A_440 = arith.addi %shift_right_logical3A_4, %add3A_439 : vector<16xi32>
      %mul3A_441 = arith.constant 128 : i32
      %mul3A_442 = arith.muli %scan3A_192, %mul3A_441 : i32
      %add3A_443 = arith.constant 96 : i32
      %add3A_444 = arith.addi %mul3A_442, %add3A_443 : i32
      %lt3A_445 = arith.constant 0 : i32
      %lt3A_446 = vector.broadcast %lt3A_445 : i32 to vector<16xi32>
      %lt3A_447 = arith.cmpi slt, %add3A_440, %lt3A_446 : vector<16xi32>
      %add3A_448 = arith.constant 16 : i32
      %add3A_449 = vector.broadcast %add3A_448 : i32 to vector<16xi32>
      %add3A_450 = arith.addi %add3A_440, %add3A_449 : vector<16xi32>
      %select_n3A_451 = arith.select %lt3A_447, %add3A_450, %add3A_440 : vector<16xi1>, vector<16xi32>
      %broadcast_in_dim3A_452 = vector.shape_cast %select_n3A_451 : vector<16xi32> to vector<16x1xi32>
      %gather3A_453 = vector.shape_cast %broadcast_in_dim3A_452 : vector<16x1xi32> to vector<16xi32>
      %gather3A_454 = tpu.dynamic_gather %add3A_208[%gather3A_453] in [0] : vector<16xi32>, vector<16xi32> -> vector<16xi32>
      %add3A_455 = arith.addi %gather3A_454, %mul3A_10 : vector<16xi32>
      %swap3A_456 = arith.index_cast %add3A_444 : i32 to index
      %swap3A_457 = tpu.vector_load %arg7[%swap3A_456] {strides = array<i32>} : memref<2048xi32, #tpu.memory_space<vmem>>, vector<16xi32>,
      %swap3A_458 = vector.shape_cast %swap3A_457 : vector<16xi32> to vector<16xi32>
      %swap3A_459 = vector.shape_cast %add3A_455 : vector<16xi32> to vector<16xi32>
      tpu.vector_store %arg7[%swap3A_456], %swap3A_459 {strides = array<i32>} : memref<2048xi32, #tpu.memory_space<vmem>>, vector<16xi32>,
      %lt3A_460 = arith.constant 0 : i32
      %lt3A_461 = vector.broadcast %lt3A_460 : i32 to vector<16xi32>
      %lt3A_462 = arith.cmpi slt, %add3A_440, %lt3A_461 : vector<16xi32>
      %add3A_463 = arith.constant 16 : i32
      %add3A_464 = vector.broadcast %add3A_463 : i32 to vector<16xi32>
      %add3A_465 = arith.addi %add3A_440, %add3A_464 : vector<16xi32>
      %select_n3A_466 = arith.select %lt3A_462, %add3A_465, %add3A_440 : vector<16xi1>, vector<16xi32>
      %broadcast_in_dim3A_467 = vector.shape_cast %select_n3A_466 : vector<16xi32> to vector<16x1xi32>
      %gather3A_468 = vector.shape_cast %broadcast_in_dim3A_467 : vector<16x1xi32> to vector<16xi32>
      %gather3A_469 = tpu.dynamic_gather %select_n3A[%gather3A_468] in [0] : vector<16xi32>, vector<16xi32> -> vector<16xi32>
      %add3A_470 = arith.addi %gather3A_469, %and3A_2 : vector<16xi32>
      %swap3A_471 = arith.index_cast %add3A_444 : i32 to index
      %swap3A_472 = tpu.vector_load %arg8[%swap3A_471] {strides = array<i32>} : memref<2048xi32, #tpu.memory_space<vmem>>, vector<16xi32>,
      %swap3A_473 = vector.shape_cast %swap3A_472 : vector<16xi32> to vector<16xi32>
      %swap3A_474 = vector.shape_cast %add3A_470 : vector<16xi32> to vector<16xi32>
      tpu.vector_store %arg8[%swap3A_471], %swap3A_474 {strides = array<i32>} : memref<2048xi32, #tpu.memory_space<vmem>>, vector<16xi32>,
      %add3A_475 = arith.constant 14 : i32
      %add3A_476 = vector.broadcast %add3A_475 : i32 to vector<16xi32>
      %add3A_477 = arith.addi %shift_right_logical3A_4, %add3A_476 : vector<16xi32>
      %mul3A_478 = arith.constant 128 : i32
      %mul3A_479 = arith.muli %scan3A_192, %mul3A_478 : i32
      %add3A_480 = arith.constant 112 : i32
      %add3A_481 = arith.addi %mul3A_479, %add3A_480 : i32
      %lt3A_482 = arith.constant 0 : i32
      %lt3A_483 = vector.broadcast %lt3A_482 : i32 to vector<16xi32>
      %lt3A_484 = arith.cmpi slt, %add3A_477, %lt3A_483 : vector<16xi32>
      %add3A_485 = arith.constant 16 : i32
      %add3A_486 = vector.broadcast %add3A_485 : i32 to vector<16xi32>
      %add3A_487 = arith.addi %add3A_477, %add3A_486 : vector<16xi32>
      %select_n3A_488 = arith.select %lt3A_484, %add3A_487, %add3A_477 : vector<16xi1>, vector<16xi32>
      %broadcast_in_dim3A_489 = vector.shape_cast %select_n3A_488 : vector<16xi32> to vector<16x1xi32>
      %gather3A_490 = vector.shape_cast %broadcast_in_dim3A_489 : vector<16x1xi32> to vector<16xi32>
      %gather3A_491 = tpu.dynamic_gather %add3A_208[%gather3A_490] in [0] : vector<16xi32>, vector<16xi32> -> vector<16xi32>
      %add3A_492 = arith.addi %gather3A_491, %mul3A_10 : vector<16xi32>
      %swap3A_493 = arith.index_cast %add3A_481 : i32 to index
      %swap3A_494 = tpu.vector_load %arg7[%swap3A_493] {strides = array<i32>} : memref<2048xi32, #tpu.memory_space<vmem>>, vector<16xi32>,
      %swap3A_495 = vector.shape_cast %swap3A_494 : vector<16xi32> to vector<16xi32>
      %swap3A_496 = vector.shape_cast %add3A_492 : vector<16xi32> to vector<16xi32>
      tpu.vector_store %arg7[%swap3A_493], %swap3A_496 {strides = array<i32>} : memref<2048xi32, #tpu.memory_space<vmem>>, vector<16xi32>,
      %lt3A_497 = arith.constant 0 : i32
      %lt3A_498 = vector.broadcast %lt3A_497 : i32 to vector<16xi32>
      %lt3A_499 = arith.cmpi slt, %add3A_477, %lt3A_498 : vector<16xi32>
      %add3A_500 = arith.constant 16 : i32
      %add3A_501 = vector.broadcast %add3A_500 : i32 to vector<16xi32>
      %add3A_502 = arith.addi %add3A_477, %add3A_501 : vector<16xi32>
      %select_n3A_503 = arith.select %lt3A_499, %add3A_502, %add3A_477 : vector<16xi1>, vector<16xi32>
      %broadcast_in_dim3A_504 = vector.shape_cast %select_n3A_503 : vector<16xi32> to vector<16x1xi32>
      %gather3A_505 = vector.shape_cast %broadcast_in_dim3A_504 : vector<16x1xi32> to vector<16xi32>
      %gather3A_506 = tpu.dynamic_gather %select_n3A[%gather3A_505] in [0] : vector<16xi32>, vector<16xi32> -> vector<16xi32>
      %add3A_507 = arith.addi %gather3A_506, %and3A_2 : vector<16xi32>
      %swap3A_508 = arith.index_cast %add3A_481 : i32 to index
      %swap3A_509 = tpu.vector_load %arg8[%swap3A_508] {strides = array<i32>} : memref<2048xi32, #tpu.memory_space<vmem>>, vector<16xi32>,
      %swap3A_510 = vector.shape_cast %swap3A_509 : vector<16xi32> to vector<16xi32>
      %swap3A_511 = vector.shape_cast %add3A_507 : vector<16xi32> to vector<16xi32>
      tpu.vector_store %arg8[%swap3A_508], %swap3A_511 {strides = array<i32>} : memref<2048xi32, #tpu.memory_space<vmem>>, vector<16xi32>,
      %mul3A_512 = arith.constant 128 : i32
      %mul3A_513 = arith.muli %scan3A_192, %mul3A_512 : i32
      %mul3A_514 = arith.constant 128 : i32
      %mul3A_515 = arith.muli %scan3A_192, %mul3A_514 : i32
      %dma_start3A_516 = tpu.memref_slice %arg9[%mul3A_515] : memref<2048xi32, #tpu.memory_space<vmem>> -> memref<128xi32, #tpu.memory_space<vmem>>
      %dma_start3A_517 = tpu.memref_slice %arg7[%mul3A_513] : memref<2048xi32, #tpu.memory_space<vmem>> -> memref<128xi32, #tpu.memory_space<vmem>>
      %dma_start3A_518 = arith.constant 0 : i32
      %dma_start3A_519 = tpu.memref_slice %arg3[%dma_start3A_518] : memref<7999488xi32, #tpu.memory_space<hbm>> -> memref<7999488xi32, #tpu.memory_space<hbm>>
      tpu.enqueue_indirect_dma source(%dma_start3A_519 : memref<7999488xi32, #tpu.memory_space<hbm>>) target(%dma_start3A_516 : memref<128xi32, #tpu.memory_space<vmem>>) offsets(%dma_start3A_517 : memref<128xi32, #tpu.memory_space<vmem>>) semaphore(%arg13 : memref<!tpu.dma_semaphore, #tpu.memory_space<semaphore_mem>>)
    }
    %scan3A_27 = arith.constant 16 : i32
    %mul3A_28 = arith.constant 8 : i32
    %mul3A_29 = arith.muli %add3A_21, %mul3A_28 : i32
    %dma_wait3A = arith.constant 0 : i32
    %dma_wait3A_30 = tpu.memref_slice %arg5[%mul3A_29, %dma_wait3A] : memref<1638400x16xf32, #tpu.memory_space<hbm>> -> memref<2048x16xf32, #tpu.memory_space<hbm>>
    %dma_wait3A_31 = arith.constant 0 : i32
    %dma_wait3A_32 = tpu.memref_slice %arg5[%mul3A_29, %dma_wait3A_31] : memref<1638400x16xf32, #tpu.memory_space<hbm>> -> memref<2048x16xf32, #tpu.memory_space<hbm>>
    tpu.wait_dma2 semaphore(%arg15 : memref<!tpu.dma_semaphore, #tpu.memory_space<semaphore_mem>>) src(%arg10 : memref<2048x16xf32, #tpu.memory_space<vmem>>) dst(%dma_wait3A_32 : memref<2048x16xf32, #tpu.memory_space<hbm>>)
    %scan3A_33 = arith.constant 0 : i32
    %scan3A_34 = arith.constant 0 : i32
    %scan3A_35 = arith.constant 16 : i32
    %scan3A_36 = arith.addi %scan3A_34, %scan3A_35 : i32
    %scan3A_37 = arith.constant 1 : i32
    scf.for %scan3A_192 = %scan3A_34 to %scan3A_36 step %scan3A_37  : i32 {
      %mul3A_193 = arith.constant 128 : i32
      %mul3A_194 = arith.muli %scan3A_192, %mul3A_193 : i32
      %mul3A_195 = arith.constant 128 : i32
      %mul3A_196 = arith.muli %scan3A_192, %mul3A_195 : i32
      %dma_wait3A_197 = tpu.memref_slice %arg9[%mul3A_196] : memref<2048xi32, #tpu.memory_space<vmem>> -> memref<128xi32, #tpu.memory_space<vmem>>
      %dma_wait3A_198 = tpu.memref_slice %arg7[%mul3A_194] : memref<2048xi32, #tpu.memory_space<vmem>> -> memref<128xi32, #tpu.memory_space<vmem>>
      %dma_wait3A_199 = arith.constant 0 : i32
      %dma_wait3A_200 = tpu.memref_slice %arg3[%dma_wait3A_199] : memref<7999488xi32, #tpu.memory_space<hbm>> -> memref<7999488xi32, #tpu.memory_space<hbm>>
      tpu.wait_indirect_dma semaphore(%arg13 : memref<!tpu.dma_semaphore, #tpu.memory_space<semaphore_mem>>) src(%dma_wait3A_200 : memref<7999488xi32, #tpu.memory_space<hbm>>) dst(%dma_wait3A_197 : memref<128xi32, #tpu.memory_space<vmem>>)
      %mul3A_201 = arith.constant 128 : i32
      %mul3A_202 = arith.muli %scan3A_192, %mul3A_201 : i32
      %add3A_203 = arith.constant 0 : i32
      %add3A_204 = arith.addi %mul3A_202, %add3A_203 : i32
      %get3A = arith.index_cast %add3A_204 : i32 to index
      %get3A_205 = tpu.vector_load %arg9[%get3A] {strides = array<i32>} : memref<2048xi32, #tpu.memory_space<vmem>>, vector<16xi32>,
      %get3A_206 = vector.shape_cast %get3A_205 : vector<16xi32> to vector<16xi32>
      %add3A_207 = arith.addi %get3A_206, %mul3A_7 : vector<16xi32>
      %get3A_208 = arith.index_cast %add3A_204 : i32 to index
      %get3A_209 = tpu.vector_load %arg8[%get3A_208] {strides = array<i32>} : memref<2048xi32, #tpu.memory_space<vmem>>, vector<16xi32>,
      %get3A_210 = vector.shape_cast %get3A_209 : vector<16xi32> to vector<16xi32>
      %max3A = arith.maxsi %add3A_207, %get3A_210 : vector<16xi32>
      %swap3A = arith.index_cast %add3A_204 : i32 to index
      %swap3A_211 = tpu.vector_load %arg7[%swap3A] {strides = array<i32>} : memref<2048xi32, #tpu.memory_space<vmem>>, vector<16xi32>,
      %swap3A_212 = vector.shape_cast %swap3A_211 : vector<16xi32> to vector<16xi32>
      %swap3A_213 = vector.shape_cast %max3A : vector<16xi32> to vector<16xi32>
      tpu.vector_store %arg7[%swap3A], %swap3A_213 {strides = array<i32>} : memref<2048xi32, #tpu.memory_space<vmem>>, vector<16xi32>,
      %mul3A_214 = arith.constant 128 : i32
      %mul3A_215 = arith.muli %scan3A_192, %mul3A_214 : i32
      %add3A_216 = arith.constant 16 : i32
      %add3A_217 = arith.addi %mul3A_215, %add3A_216 : i32
      %get3A_218 = arith.index_cast %add3A_217 : i32 to index
      %get3A_219 = tpu.vector_load %arg9[%get3A_218] {strides = array<i32>} : memref<2048xi32, #tpu.memory_space<vmem>>, vector<16xi32>,
      %get3A_220 = vector.shape_cast %get3A_219 : vector<16xi32> to vector<16xi32>
      %add3A_221 = arith.addi %get3A_220, %mul3A_7 : vector<16xi32>
      %get3A_222 = arith.index_cast %add3A_217 : i32 to index
      %get3A_223 = tpu.vector_load %arg8[%get3A_222] {strides = array<i32>} : memref<2048xi32, #tpu.memory_space<vmem>>, vector<16xi32>,
      %get3A_224 = vector.shape_cast %get3A_223 : vector<16xi32> to vector<16xi32>
      %max3A_225 = arith.maxsi %add3A_221, %get3A_224 : vector<16xi32>
      %swap3A_226 = arith.index_cast %add3A_217 : i32 to index
      %swap3A_227 = tpu.vector_load %arg7[%swap3A_226] {strides = array<i32>} : memref<2048xi32, #tpu.memory_space<vmem>>, vector<16xi32>,
      %swap3A_228 = vector.shape_cast %swap3A_227 : vector<16xi32> to vector<16xi32>
      %swap3A_229 = vector.shape_cast %max3A_225 : vector<16xi32> to vector<16xi32>
      tpu.vector_store %arg7[%swap3A_226], %swap3A_229 {strides = array<i32>} : memref<2048xi32, #tpu.memory_space<vmem>>, vector<16xi32>,
      %mul3A_230 = arith.constant 128 : i32
      %mul3A_231 = arith.muli %scan3A_192, %mul3A_230 : i32
      %add3A_232 = arith.constant 32 : i32
      %add3A_233 = arith.addi %mul3A_231, %add3A_232 : i32
      %get3A_234 = arith.index_cast %add3A_233 : i32 to index
      %get3A_235 = tpu.vector_load %arg9[%get3A_234] {strides = array<i32>} : memref<2048xi32, #tpu.memory_space<vmem>>, vector<16xi32>,
      %get3A_236 = vector.shape_cast %get3A_235 : vector<16xi32> to vector<16xi32>
      %add3A_237 = arith.addi %get3A_236, %mul3A_7 : vector<16xi32>
      %get3A_238 = arith.index_cast %add3A_233 : i32 to index
      %get3A_239 = tpu.vector_load %arg8[%get3A_238] {strides = array<i32>} : memref<2048xi32, #tpu.memory_space<vmem>>, vector<16xi32>,
      %get3A_240 = vector.shape_cast %get3A_239 : vector<16xi32> to vector<16xi32>
      %max3A_241 = arith.maxsi %add3A_237, %get3A_240 : vector<16xi32>
      %swap3A_242 = arith.index_cast %add3A_233 : i32 to index
      %swap3A_243 = tpu.vector_load %arg7[%swap3A_242] {strides = array<i32>} : memref<2048xi32, #tpu.memory_space<vmem>>, vector<16xi32>,
      %swap3A_244 = vector.shape_cast %swap3A_243 : vector<16xi32> to vector<16xi32>
      %swap3A_245 = vector.shape_cast %max3A_241 : vector<16xi32> to vector<16xi32>
      tpu.vector_store %arg7[%swap3A_242], %swap3A_245 {strides = array<i32>} : memref<2048xi32, #tpu.memory_space<vmem>>, vector<16xi32>,
      %mul3A_246 = arith.constant 128 : i32
      %mul3A_247 = arith.muli %scan3A_192, %mul3A_246 : i32
      %add3A_248 = arith.constant 48 : i32
      %add3A_249 = arith.addi %mul3A_247, %add3A_248 : i32
      %get3A_250 = arith.index_cast %add3A_249 : i32 to index
      %get3A_251 = tpu.vector_load %arg9[%get3A_250] {strides = array<i32>} : memref<2048xi32, #tpu.memory_space<vmem>>, vector<16xi32>,
      %get3A_252 = vector.shape_cast %get3A_251 : vector<16xi32> to vector<16xi32>
      %add3A_253 = arith.addi %get3A_252, %mul3A_7 : vector<16xi32>
      %get3A_254 = arith.index_cast %add3A_249 : i32 to index
      %get3A_255 = tpu.vector_load %arg8[%get3A_254] {strides = array<i32>} : memref<2048xi32, #tpu.memory_space<vmem>>, vector<16xi32>,
      %get3A_256 = vector.shape_cast %get3A_255 : vector<16xi32> to vector<16xi32>
      %max3A_257 = arith.maxsi %add3A_253, %get3A_256 : vector<16xi32>
      %swap3A_258 = arith.index_cast %add3A_249 : i32 to index
      %swap3A_259 = tpu.vector_load %arg7[%swap3A_258] {strides = array<i32>} : memref<2048xi32, #tpu.memory_space<vmem>>, vector<16xi32>,
      %swap3A_260 = vector.shape_cast %swap3A_259 : vector<16xi32> to vector<16xi32>
      %swap3A_261 = vector.shape_cast %max3A_257 : vector<16xi32> to vector<16xi32>
      tpu.vector_store %arg7[%swap3A_258], %swap3A_261 {strides = array<i32>} : memref<2048xi32, #tpu.memory_space<vmem>>, vector<16xi32>,
      %mul3A_262 = arith.constant 128 : i32
      %mul3A_263 = arith.muli %scan3A_192, %mul3A_262 : i32
      %add3A_264 = arith.constant 64 : i32
      %add3A_265 = arith.addi %mul3A_263, %add3A_264 : i32
      %get3A_266 = arith.index_cast %add3A_265 : i32 to index
      %get3A_267 = tpu.vector_load %arg9[%get3A_266] {strides = array<i32>} : memref<2048xi32, #tpu.memory_space<vmem>>, vector<16xi32>,
      %get3A_268 = vector.shape_cast %get3A_267 : vector<16xi32> to vector<16xi32>
      %add3A_269 = arith.addi %get3A_268, %mul3A_7 : vector<16xi32>
      %get3A_270 = arith.index_cast %add3A_265 : i32 to index
      %get3A_271 = tpu.vector_load %arg8[%get3A_270] {strides = array<i32>} : memref<2048xi32, #tpu.memory_space<vmem>>, vector<16xi32>,
      %get3A_272 = vector.shape_cast %get3A_271 : vector<16xi32> to vector<16xi32>
      %max3A_273 = arith.maxsi %add3A_269, %get3A_272 : vector<16xi32>
      %swap3A_274 = arith.index_cast %add3A_265 : i32 to index
      %swap3A_275 = tpu.vector_load %arg7[%swap3A_274] {strides = array<i32>} : memref<2048xi32, #tpu.memory_space<vmem>>, vector<16xi32>,
      %swap3A_276 = vector.shape_cast %swap3A_275 : vector<16xi32> to vector<16xi32>
      %swap3A_277 = vector.shape_cast %max3A_273 : vector<16xi32> to vector<16xi32>
      tpu.vector_store %arg7[%swap3A_274], %swap3A_277 {strides = array<i32>} : memref<2048xi32, #tpu.memory_space<vmem>>, vector<16xi32>,
      %mul3A_278 = arith.constant 128 : i32
      %mul3A_279 = arith.muli %scan3A_192, %mul3A_278 : i32
      %add3A_280 = arith.constant 80 : i32
      %add3A_281 = arith.addi %mul3A_279, %add3A_280 : i32
      %get3A_282 = arith.index_cast %add3A_281 : i32 to index
      %get3A_283 = tpu.vector_load %arg9[%get3A_282] {strides = array<i32>} : memref<2048xi32, #tpu.memory_space<vmem>>, vector<16xi32>,
      %get3A_284 = vector.shape_cast %get3A_283 : vector<16xi32> to vector<16xi32>
      %add3A_285 = arith.addi %get3A_284, %mul3A_7 : vector<16xi32>
      %get3A_286 = arith.index_cast %add3A_281 : i32 to index
      %get3A_287 = tpu.vector_load %arg8[%get3A_286] {strides = array<i32>} : memref<2048xi32, #tpu.memory_space<vmem>>, vector<16xi32>,
      %get3A_288 = vector.shape_cast %get3A_287 : vector<16xi32> to vector<16xi32>
      %max3A_289 = arith.maxsi %add3A_285, %get3A_288 : vector<16xi32>
      %swap3A_290 = arith.index_cast %add3A_281 : i32 to index
      %swap3A_291 = tpu.vector_load %arg7[%swap3A_290] {strides = array<i32>} : memref<2048xi32, #tpu.memory_space<vmem>>, vector<16xi32>,
      %swap3A_292 = vector.shape_cast %swap3A_291 : vector<16xi32> to vector<16xi32>
      %swap3A_293 = vector.shape_cast %max3A_289 : vector<16xi32> to vector<16xi32>
      tpu.vector_store %arg7[%swap3A_290], %swap3A_293 {strides = array<i32>} : memref<2048xi32, #tpu.memory_space<vmem>>, vector<16xi32>,
      %mul3A_294 = arith.constant 128 : i32
      %mul3A_295 = arith.muli %scan3A_192, %mul3A_294 : i32
      %add3A_296 = arith.constant 96 : i32
      %add3A_297 = arith.addi %mul3A_295, %add3A_296 : i32
      %get3A_298 = arith.index_cast %add3A_297 : i32 to index
      %get3A_299 = tpu.vector_load %arg9[%get3A_298] {strides = array<i32>} : memref<2048xi32, #tpu.memory_space<vmem>>, vector<16xi32>,
      %get3A_300 = vector.shape_cast %get3A_299 : vector<16xi32> to vector<16xi32>
      %add3A_301 = arith.addi %get3A_300, %mul3A_7 : vector<16xi32>
      %get3A_302 = arith.index_cast %add3A_297 : i32 to index
      %get3A_303 = tpu.vector_load %arg8[%get3A_302] {strides = array<i32>} : memref<2048xi32, #tpu.memory_space<vmem>>, vector<16xi32>,
      %get3A_304 = vector.shape_cast %get3A_303 : vector<16xi32> to vector<16xi32>
      %max3A_305 = arith.maxsi %add3A_301, %get3A_304 : vector<16xi32>
      %swap3A_306 = arith.index_cast %add3A_297 : i32 to index
      %swap3A_307 = tpu.vector_load %arg7[%swap3A_306] {strides = array<i32>} : memref<2048xi32, #tpu.memory_space<vmem>>, vector<16xi32>,
      %swap3A_308 = vector.shape_cast %swap3A_307 : vector<16xi32> to vector<16xi32>
      %swap3A_309 = vector.shape_cast %max3A_305 : vector<16xi32> to vector<16xi32>
      tpu.vector_store %arg7[%swap3A_306], %swap3A_309 {strides = array<i32>} : memref<2048xi32, #tpu.memory_space<vmem>>, vector<16xi32>,
      %mul3A_310 = arith.constant 128 : i32
      %mul3A_311 = arith.muli %scan3A_192, %mul3A_310 : i32
      %add3A_312 = arith.constant 112 : i32
      %add3A_313 = arith.addi %mul3A_311, %add3A_312 : i32
      %get3A_314 = arith.index_cast %add3A_313 : i32 to index
      %get3A_315 = tpu.vector_load %arg9[%get3A_314] {strides = array<i32>} : memref<2048xi32, #tpu.memory_space<vmem>>, vector<16xi32>,
      %get3A_316 = vector.shape_cast %get3A_315 : vector<16xi32> to vector<16xi32>
      %add3A_317 = arith.addi %get3A_316, %mul3A_7 : vector<16xi32>
      %get3A_318 = arith.index_cast %add3A_313 : i32 to index
      %get3A_319 = tpu.vector_load %arg8[%get3A_318] {strides = array<i32>} : memref<2048xi32, #tpu.memory_space<vmem>>, vector<16xi32>,
      %get3A_320 = vector.shape_cast %get3A_319 : vector<16xi32> to vector<16xi32>
      %max3A_321 = arith.maxsi %add3A_317, %get3A_320 : vector<16xi32>
      %swap3A_322 = arith.index_cast %add3A_313 : i32 to index
      %swap3A_323 = tpu.vector_load %arg7[%swap3A_322] {strides = array<i32>} : memref<2048xi32, #tpu.memory_space<vmem>>, vector<16xi32>,
      %swap3A_324 = vector.shape_cast %swap3A_323 : vector<16xi32> to vector<16xi32>
      %swap3A_325 = vector.shape_cast %max3A_321 : vector<16xi32> to vector<16xi32>
      tpu.vector_store %arg7[%swap3A_322], %swap3A_325 {strides = array<i32>} : memref<2048xi32, #tpu.memory_space<vmem>>, vector<16xi32>,
      %mul3A_326 = arith.constant 128 : i32
      %mul3A_327 = arith.muli %scan3A_192, %mul3A_326 : i32
      %mul3A_328 = arith.constant 128 : i32
      %mul3A_329 = arith.muli %scan3A_192, %mul3A_328 : i32
      %dma_start3A_330 = arith.constant 0 : i32
      %dma_start3A_331 = tpu.memref_slice %arg10[%mul3A_329, %dma_start3A_330] : memref<2048x16xf32, #tpu.memory_space<vmem>> -> memref<128x16xf32, #tpu.memory_space<vmem>>
      %dma_start3A_332 = tpu.memref_slice %arg7[%mul3A_327] : memref<2048xi32, #tpu.memory_space<vmem>> -> memref<128xi32, #tpu.memory_space<vmem>>
      %dma_start3A_333 = arith.constant 0 : i32
      %dma_start3A_334 = arith.constant 0 : i32
      %dma_start3A_335 = tpu.memref_slice %arg12[%dma_start3A_333, %dma_start3A_334] : memref<2568x16xf32, #tpu.memory_space<vmem_shared>> -> memref<2568x16xf32, #tpu.memory_space<vmem_shared>>
      tpu.enqueue_indirect_dma source(%dma_start3A_335 : memref<2568x16xf32, #tpu.memory_space<vmem_shared>>) target(%dma_start3A_331 : memref<128x16xf32, #tpu.memory_space<vmem>>) offsets(%dma_start3A_332 : memref<128xi32, #tpu.memory_space<vmem>>) semaphore(%arg14 : memref<!tpu.dma_semaphore, #tpu.memory_space<semaphore_mem>>)
    }
    %scan3A_38 = arith.constant 16 : i32
    %dma_wait3A_39 = arith.constant 0 : i32
    %dma_wait3A_40 = arith.constant 0 : i32
    %dma_wait3A_41 = tpu.memref_slice %arg10[%dma_wait3A_39, %dma_wait3A_40] : memref<2048x16xf32, #tpu.memory_space<vmem>> -> memref<128x16xf32, #tpu.memory_space<vmem>>
    %dma_wait3A_42 = arith.constant 0 : i32
    %dma_wait3A_43 = tpu.memref_slice %arg7[%dma_wait3A_42] : memref<2048xi32, #tpu.memory_space<vmem>> -> memref<128xi32, #tpu.memory_space<vmem>>
    %dma_wait3A_44 = arith.constant 0 : i32
    %dma_wait3A_45 = arith.constant 0 : i32
    %dma_wait3A_46 = tpu.memref_slice %arg12[%dma_wait3A_44, %dma_wait3A_45] : memref<2568x16xf32, #tpu.memory_space<vmem_shared>> -> memref<2568x16xf32, #tpu.memory_space<vmem_shared>>
    tpu.wait_indirect_dma semaphore(%arg14 : memref<!tpu.dma_semaphore, #tpu.memory_space<semaphore_mem>>) src(%dma_wait3A_46 : memref<2568x16xf32, #tpu.memory_space<vmem_shared>>) dst(%dma_wait3A_41 : memref<128x16xf32, #tpu.memory_space<vmem>>)
    %dma_wait3A_47 = arith.constant 128 : i32
    %dma_wait3A_48 = arith.constant 0 : i32
    %dma_wait3A_49 = tpu.memref_slice %arg10[%dma_wait3A_47, %dma_wait3A_48] : memref<2048x16xf32, #tpu.memory_space<vmem>> -> memref<128x16xf32, #tpu.memory_space<vmem>>
    %dma_wait3A_50 = arith.constant 128 : i32
    %dma_wait3A_51 = tpu.memref_slice %arg7[%dma_wait3A_50] : memref<2048xi32, #tpu.memory_space<vmem>> -> memref<128xi32, #tpu.memory_space<vmem>>
    %dma_wait3A_52 = arith.constant 0 : i32
    %dma_wait3A_53 = arith.constant 0 : i32
    %dma_wait3A_54 = tpu.memref_slice %arg12[%dma_wait3A_52, %dma_wait3A_53] : memref<2568x16xf32, #tpu.memory_space<vmem_shared>> -> memref<2568x16xf32, #tpu.memory_space<vmem_shared>>
    tpu.wait_indirect_dma semaphore(%arg14 : memref<!tpu.dma_semaphore, #tpu.memory_space<semaphore_mem>>) src(%dma_wait3A_54 : memref<2568x16xf32, #tpu.memory_space<vmem_shared>>) dst(%dma_wait3A_49 : memref<128x16xf32, #tpu.memory_space<vmem>>)
    %dma_wait3A_55 = arith.constant 256 : i32
    %dma_wait3A_56 = arith.constant 0 : i32
    %dma_wait3A_57 = tpu.memref_slice %arg10[%dma_wait3A_55, %dma_wait3A_56] : memref<2048x16xf32, #tpu.memory_space<vmem>> -> memref<128x16xf32, #tpu.memory_space<vmem>>
    %dma_wait3A_58 = arith.constant 256 : i32
    %dma_wait3A_59 = tpu.memref_slice %arg7[%dma_wait3A_58] : memref<2048xi32, #tpu.memory_space<vmem>> -> memref<128xi32, #tpu.memory_space<vmem>>
    %dma_wait3A_60 = arith.constant 0 : i32
    %dma_wait3A_61 = arith.constant 0 : i32
    %dma_wait3A_62 = tpu.memref_slice %arg12[%dma_wait3A_60, %dma_wait3A_61] : memref<2568x16xf32, #tpu.memory_space<vmem_shared>> -> memref<2568x16xf32, #tpu.memory_space<vmem_shared>>
    tpu.wait_indirect_dma semaphore(%arg14 : memref<!tpu.dma_semaphore, #tpu.memory_space<semaphore_mem>>) src(%dma_wait3A_62 : memref<2568x16xf32, #tpu.memory_space<vmem_shared>>) dst(%dma_wait3A_57 : memref<128x16xf32, #tpu.memory_space<vmem>>)
    %dma_wait3A_63 = arith.constant 384 : i32
    %dma_wait3A_64 = arith.constant 0 : i32
    %dma_wait3A_65 = tpu.memref_slice %arg10[%dma_wait3A_63, %dma_wait3A_64] : memref<2048x16xf32, #tpu.memory_space<vmem>> -> memref<128x16xf32, #tpu.memory_space<vmem>>
    %dma_wait3A_66 = arith.constant 384 : i32
    %dma_wait3A_67 = tpu.memref_slice %arg7[%dma_wait3A_66] : memref<2048xi32, #tpu.memory_space<vmem>> -> memref<128xi32, #tpu.memory_space<vmem>>
    %dma_wait3A_68 = arith.constant 0 : i32
    %dma_wait3A_69 = arith.constant 0 : i32
    %dma_wait3A_70 = tpu.memref_slice %arg12[%dma_wait3A_68, %dma_wait3A_69] : memref<2568x16xf32, #tpu.memory_space<vmem_shared>> -> memref<2568x16xf32, #tpu.memory_space<vmem_shared>>
    tpu.wait_indirect_dma semaphore(%arg14 : memref<!tpu.dma_semaphore, #tpu.memory_space<semaphore_mem>>) src(%dma_wait3A_70 : memref<2568x16xf32, #tpu.memory_space<vmem_shared>>) dst(%dma_wait3A_65 : memref<128x16xf32, #tpu.memory_space<vmem>>)
    %dma_wait3A_71 = arith.constant 512 : i32
    %dma_wait3A_72 = arith.constant 0 : i32
    %dma_wait3A_73 = tpu.memref_slice %arg10[%dma_wait3A_71, %dma_wait3A_72] : memref<2048x16xf32, #tpu.memory_space<vmem>> -> memref<128x16xf32, #tpu.memory_space<vmem>>
    %dma_wait3A_74 = arith.constant 512 : i32
    %dma_wait3A_75 = tpu.memref_slice %arg7[%dma_wait3A_74] : memref<2048xi32, #tpu.memory_space<vmem>> -> memref<128xi32, #tpu.memory_space<vmem>>
    %dma_wait3A_76 = arith.constant 0 : i32
    %dma_wait3A_77 = arith.constant 0 : i32
    %dma_wait3A_78 = tpu.memref_slice %arg12[%dma_wait3A_76, %dma_wait3A_77] : memref<2568x16xf32, #tpu.memory_space<vmem_shared>> -> memref<2568x16xf32, #tpu.memory_space<vmem_shared>>
    tpu.wait_indirect_dma semaphore(%arg14 : memref<!tpu.dma_semaphore, #tpu.memory_space<semaphore_mem>>) src(%dma_wait3A_78 : memref<2568x16xf32, #tpu.memory_space<vmem_shared>>) dst(%dma_wait3A_73 : memref<128x16xf32, #tpu.memory_space<vmem>>)
    %dma_wait3A_79 = arith.constant 640 : i32
    %dma_wait3A_80 = arith.constant 0 : i32
    %dma_wait3A_81 = tpu.memref_slice %arg10[%dma_wait3A_79, %dma_wait3A_80] : memref<2048x16xf32, #tpu.memory_space<vmem>> -> memref<128x16xf32, #tpu.memory_space<vmem>>
    %dma_wait3A_82 = arith.constant 640 : i32
    %dma_wait3A_83 = tpu.memref_slice %arg7[%dma_wait3A_82] : memref<2048xi32, #tpu.memory_space<vmem>> -> memref<128xi32, #tpu.memory_space<vmem>>
    %dma_wait3A_84 = arith.constant 0 : i32
    %dma_wait3A_85 = arith.constant 0 : i32
    %dma_wait3A_86 = tpu.memref_slice %arg12[%dma_wait3A_84, %dma_wait3A_85] : memref<2568x16xf32, #tpu.memory_space<vmem_shared>> -> memref<2568x16xf32, #tpu.memory_space<vmem_shared>>
    tpu.wait_indirect_dma semaphore(%arg14 : memref<!tpu.dma_semaphore, #tpu.memory_space<semaphore_mem>>) src(%dma_wait3A_86 : memref<2568x16xf32, #tpu.memory_space<vmem_shared>>) dst(%dma_wait3A_81 : memref<128x16xf32, #tpu.memory_space<vmem>>)
    %dma_wait3A_87 = arith.constant 768 : i32
    %dma_wait3A_88 = arith.constant 0 : i32
    %dma_wait3A_89 = tpu.memref_slice %arg10[%dma_wait3A_87, %dma_wait3A_88] : memref<2048x16xf32, #tpu.memory_space<vmem>> -> memref<128x16xf32, #tpu.memory_space<vmem>>
    %dma_wait3A_90 = arith.constant 768 : i32
    %dma_wait3A_91 = tpu.memref_slice %arg7[%dma_wait3A_90] : memref<2048xi32, #tpu.memory_space<vmem>> -> memref<128xi32, #tpu.memory_space<vmem>>
    %dma_wait3A_92 = arith.constant 0 : i32
    %dma_wait3A_93 = arith.constant 0 : i32
    %dma_wait3A_94 = tpu.memref_slice %arg12[%dma_wait3A_92, %dma_wait3A_93] : memref<2568x16xf32, #tpu.memory_space<vmem_shared>> -> memref<2568x16xf32, #tpu.memory_space<vmem_shared>>
    tpu.wait_indirect_dma semaphore(%arg14 : memref<!tpu.dma_semaphore, #tpu.memory_space<semaphore_mem>>) src(%dma_wait3A_94 : memref<2568x16xf32, #tpu.memory_space<vmem_shared>>) dst(%dma_wait3A_89 : memref<128x16xf32, #tpu.memory_space<vmem>>)
    %dma_wait3A_95 = arith.constant 896 : i32
    %dma_wait3A_96 = arith.constant 0 : i32
    %dma_wait3A_97 = tpu.memref_slice %arg10[%dma_wait3A_95, %dma_wait3A_96] : memref<2048x16xf32, #tpu.memory_space<vmem>> -> memref<128x16xf32, #tpu.memory_space<vmem>>
    %dma_wait3A_98 = arith.constant 896 : i32
    %dma_wait3A_99 = tpu.memref_slice %arg7[%dma_wait3A_98] : memref<2048xi32, #tpu.memory_space<vmem>> -> memref<128xi32, #tpu.memory_space<vmem>>
    %dma_wait3A_100 = arith.constant 0 : i32
    %dma_wait3A_101 = arith.constant 0 : i32
    %dma_wait3A_102 = tpu.memref_slice %arg12[%dma_wait3A_100, %dma_wait3A_101] : memref<2568x16xf32, #tpu.memory_space<vmem_shared>> -> memref<2568x16xf32, #tpu.memory_space<vmem_shared>>
    tpu.wait_indirect_dma semaphore(%arg14 : memref<!tpu.dma_semaphore, #tpu.memory_space<semaphore_mem>>) src(%dma_wait3A_102 : memref<2568x16xf32, #tpu.memory_space<vmem_shared>>) dst(%dma_wait3A_97 : memref<128x16xf32, #tpu.memory_space<vmem>>)
    %dma_wait3A_103 = arith.constant 1024 : i32
    %dma_wait3A_104 = arith.constant 0 : i32
    %dma_wait3A_105 = tpu.memref_slice %arg10[%dma_wait3A_103, %dma_wait3A_104] : memref<2048x16xf32, #tpu.memory_space<vmem>> -> memref<128x16xf32, #tpu.memory_space<vmem>>
    %dma_wait3A_106 = arith.constant 1024 : i32
    %dma_wait3A_107 = tpu.memref_slice %arg7[%dma_wait3A_106] : memref<2048xi32, #tpu.memory_space<vmem>> -> memref<128xi32, #tpu.memory_space<vmem>>
    %dma_wait3A_108 = arith.constant 0 : i32
    %dma_wait3A_109 = arith.constant 0 : i32
    %dma_wait3A_110 = tpu.memref_slice %arg12[%dma_wait3A_108, %dma_wait3A_109] : memref<2568x16xf32, #tpu.memory_space<vmem_shared>> -> memref<2568x16xf32, #tpu.memory_space<vmem_shared>>
    tpu.wait_indirect_dma semaphore(%arg14 : memref<!tpu.dma_semaphore, #tpu.memory_space<semaphore_mem>>) src(%dma_wait3A_110 : memref<2568x16xf32, #tpu.memory_space<vmem_shared>>) dst(%dma_wait3A_105 : memref<128x16xf32, #tpu.memory_space<vmem>>)
    %dma_wait3A_111 = arith.constant 1152 : i32
    %dma_wait3A_112 = arith.constant 0 : i32
    %dma_wait3A_113 = tpu.memref_slice %arg10[%dma_wait3A_111, %dma_wait3A_112] : memref<2048x16xf32, #tpu.memory_space<vmem>> -> memref<128x16xf32, #tpu.memory_space<vmem>>
    %dma_wait3A_114 = arith.constant 1152 : i32
    %dma_wait3A_115 = tpu.memref_slice %arg7[%dma_wait3A_114] : memref<2048xi32, #tpu.memory_space<vmem>> -> memref<128xi32, #tpu.memory_space<vmem>>
    %dma_wait3A_116 = arith.constant 0 : i32
    %dma_wait3A_117 = arith.constant 0 : i32
    %dma_wait3A_118 = tpu.memref_slice %arg12[%dma_wait3A_116, %dma_wait3A_117] : memref<2568x16xf32, #tpu.memory_space<vmem_shared>> -> memref<2568x16xf32, #tpu.memory_space<vmem_shared>>
    tpu.wait_indirect_dma semaphore(%arg14 : memref<!tpu.dma_semaphore, #tpu.memory_space<semaphore_mem>>) src(%dma_wait3A_118 : memref<2568x16xf32, #tpu.memory_space<vmem_shared>>) dst(%dma_wait3A_113 : memref<128x16xf32, #tpu.memory_space<vmem>>)
    %dma_wait3A_119 = arith.constant 1280 : i32
    %dma_wait3A_120 = arith.constant 0 : i32
    %dma_wait3A_121 = tpu.memref_slice %arg10[%dma_wait3A_119, %dma_wait3A_120] : memref<2048x16xf32, #tpu.memory_space<vmem>> -> memref<128x16xf32, #tpu.memory_space<vmem>>
    %dma_wait3A_122 = arith.constant 1280 : i32
    %dma_wait3A_123 = tpu.memref_slice %arg7[%dma_wait3A_122] : memref<2048xi32, #tpu.memory_space<vmem>> -> memref<128xi32, #tpu.memory_space<vmem>>
    %dma_wait3A_124 = arith.constant 0 : i32
    %dma_wait3A_125 = arith.constant 0 : i32
    %dma_wait3A_126 = tpu.memref_slice %arg12[%dma_wait3A_124, %dma_wait3A_125] : memref<2568x16xf32, #tpu.memory_space<vmem_shared>> -> memref<2568x16xf32, #tpu.memory_space<vmem_shared>>
    tpu.wait_indirect_dma semaphore(%arg14 : memref<!tpu.dma_semaphore, #tpu.memory_space<semaphore_mem>>) src(%dma_wait3A_126 : memref<2568x16xf32, #tpu.memory_space<vmem_shared>>) dst(%dma_wait3A_121 : memref<128x16xf32, #tpu.memory_space<vmem>>)
    %dma_wait3A_127 = arith.constant 1408 : i32
    %dma_wait3A_128 = arith.constant 0 : i32
    %dma_wait3A_129 = tpu.memref_slice %arg10[%dma_wait3A_127, %dma_wait3A_128] : memref<2048x16xf32, #tpu.memory_space<vmem>> -> memref<128x16xf32, #tpu.memory_space<vmem>>
    %dma_wait3A_130 = arith.constant 1408 : i32
    %dma_wait3A_131 = tpu.memref_slice %arg7[%dma_wait3A_130] : memref<2048xi32, #tpu.memory_space<vmem>> -> memref<128xi32, #tpu.memory_space<vmem>>
    %dma_wait3A_132 = arith.constant 0 : i32
    %dma_wait3A_133 = arith.constant 0 : i32
    %dma_wait3A_134 = tpu.memref_slice %arg12[%dma_wait3A_132, %dma_wait3A_133] : memref<2568x16xf32, #tpu.memory_space<vmem_shared>> -> memref<2568x16xf32, #tpu.memory_space<vmem_shared>>
    tpu.wait_indirect_dma semaphore(%arg14 : memref<!tpu.dma_semaphore, #tpu.memory_space<semaphore_mem>>) src(%dma_wait3A_134 : memref<2568x16xf32, #tpu.memory_space<vmem_shared>>) dst(%dma_wait3A_129 : memref<128x16xf32, #tpu.memory_space<vmem>>)
    %dma_wait3A_135 = arith.constant 1536 : i32
    %dma_wait3A_136 = arith.constant 0 : i32
    %dma_wait3A_137 = tpu.memref_slice %arg10[%dma_wait3A_135, %dma_wait3A_136] : memref<2048x16xf32, #tpu.memory_space<vmem>> -> memref<128x16xf32, #tpu.memory_space<vmem>>
    %dma_wait3A_138 = arith.constant 1536 : i32
    %dma_wait3A_139 = tpu.memref_slice %arg7[%dma_wait3A_138] : memref<2048xi32, #tpu.memory_space<vmem>> -> memref<128xi32, #tpu.memory_space<vmem>>
    %dma_wait3A_140 = arith.constant 0 : i32
    %dma_wait3A_141 = arith.constant 0 : i32
    %dma_wait3A_142 = tpu.memref_slice %arg12[%dma_wait3A_140, %dma_wait3A_141] : memref<2568x16xf32, #tpu.memory_space<vmem_shared>> -> memref<2568x16xf32, #tpu.memory_space<vmem_shared>>
    tpu.wait_indirect_dma semaphore(%arg14 : memref<!tpu.dma_semaphore, #tpu.memory_space<semaphore_mem>>) src(%dma_wait3A_142 : memref<2568x16xf32, #tpu.memory_space<vmem_shared>>) dst(%dma_wait3A_137 : memref<128x16xf32, #tpu.memory_space<vmem>>)
    %dma_wait3A_143 = arith.constant 1664 : i32
    %dma_wait3A_144 = arith.constant 0 : i32
    %dma_wait3A_145 = tpu.memref_slice %arg10[%dma_wait3A_143, %dma_wait3A_144] : memref<2048x16xf32, #tpu.memory_space<vmem>> -> memref<128x16xf32, #tpu.memory_space<vmem>>
    %dma_wait3A_146 = arith.constant 1664 : i32
    %dma_wait3A_147 = tpu.memref_slice %arg7[%dma_wait3A_146] : memref<2048xi32, #tpu.memory_space<vmem>> -> memref<128xi32, #tpu.memory_space<vmem>>
    %dma_wait3A_148 = arith.constant 0 : i32
    %dma_wait3A_149 = arith.constant 0 : i32
    %dma_wait3A_150 = tpu.memref_slice %arg12[%dma_wait3A_148, %dma_wait3A_149] : memref<2568x16xf32, #tpu.memory_space<vmem_shared>> -> memref<2568x16xf32, #tpu.memory_space<vmem_shared>>
    tpu.wait_indirect_dma semaphore(%arg14 : memref<!tpu.dma_semaphore, #tpu.memory_space<semaphore_mem>>) src(%dma_wait3A_150 : memref<2568x16xf32, #tpu.memory_space<vmem_shared>>) dst(%dma_wait3A_145 : memref<128x16xf32, #tpu.memory_space<vmem>>)
    %dma_wait3A_151 = arith.constant 1792 : i32
    %dma_wait3A_152 = arith.constant 0 : i32
    %dma_wait3A_153 = tpu.memref_slice %arg10[%dma_wait3A_151, %dma_wait3A_152] : memref<2048x16xf32, #tpu.memory_space<vmem>> -> memref<128x16xf32, #tpu.memory_space<vmem>>
    %dma_wait3A_154 = arith.constant 1792 : i32
    %dma_wait3A_155 = tpu.memref_slice %arg7[%dma_wait3A_154] : memref<2048xi32, #tpu.memory_space<vmem>> -> memref<128xi32, #tpu.memory_space<vmem>>
    %dma_wait3A_156 = arith.constant 0 : i32
    %dma_wait3A_157 = arith.constant 0 : i32
    %dma_wait3A_158 = tpu.memref_slice %arg12[%dma_wait3A_156, %dma_wait3A_157] : memref<2568x16xf32, #tpu.memory_space<vmem_shared>> -> memref<2568x16xf32, #tpu.memory_space<vmem_shared>>
    tpu.wait_indirect_dma semaphore(%arg14 : memref<!tpu.dma_semaphore, #tpu.memory_space<semaphore_mem>>) src(%dma_wait3A_158 : memref<2568x16xf32, #tpu.memory_space<vmem_shared>>) dst(%dma_wait3A_153 : memref<128x16xf32, #tpu.memory_space<vmem>>)
    %dma_wait3A_159 = arith.constant 1920 : i32
    %dma_wait3A_160 = arith.constant 0 : i32
    %dma_wait3A_161 = tpu.memref_slice %arg10[%dma_wait3A_159, %dma_wait3A_160] : memref<2048x16xf32, #tpu.memory_space<vmem>> -> memref<128x16xf32, #tpu.memory_space<vmem>>
    %dma_wait3A_162 = arith.constant 1920 : i32
    %dma_wait3A_163 = tpu.memref_slice %arg7[%dma_wait3A_162] : memref<2048xi32, #tpu.memory_space<vmem>> -> memref<128xi32, #tpu.memory_space<vmem>>
    %dma_wait3A_164 = arith.constant 0 : i32
    %dma_wait3A_165 = arith.constant 0 : i32
    %dma_wait3A_166 = tpu.memref_slice %arg12[%dma_wait3A_164, %dma_wait3A_165] : memref<2568x16xf32, #tpu.memory_space<vmem_shared>> -> memref<2568x16xf32, #tpu.memory_space<vmem_shared>>
    tpu.wait_indirect_dma semaphore(%arg14 : memref<!tpu.dma_semaphore, #tpu.memory_space<semaphore_mem>>) src(%dma_wait3A_166 : memref<2568x16xf32, #tpu.memory_space<vmem_shared>>) dst(%dma_wait3A_161 : memref<128x16xf32, #tpu.memory_space<vmem>>)
    %mul3A_167 = arith.constant 8 : i32
    %mul3A_168 = arith.muli %add3A_21, %mul3A_167 : i32
    %dma_start3A = arith.constant 0 : i32
    %dma_start3A_169 = tpu.memref_slice %arg5[%mul3A_168, %dma_start3A] : memref<1638400x16xf32, #tpu.memory_space<hbm>> -> memref<2048x16xf32, #tpu.memory_space<hbm>>
    %dma_start3A_170 = arith.constant 0 : i32
    %dma_start3A_171 = tpu.memref_slice %arg5[%mul3A_168, %dma_start3A_170] : memref<1638400x16xf32, #tpu.memory_space<hbm>> -> memref<2048x16xf32, #tpu.memory_space<hbm>>
    tpu.enqueue_dma source(%arg10 : memref<2048x16xf32, #tpu.memory_space<vmem>>) target(%dma_start3A_171 : memref<2048x16xf32, #tpu.memory_space<hbm>>) target_semaphore(%arg15 : memref<!tpu.dma_semaphore, #tpu.memory_space<semaphore_mem>>)
    %mul3A_172 = arith.constant 6400 : i32
    %mul3A_173 = arith.muli %add3A, %mul3A_172 : i32
    %add3A_174 = arith.constant 6144 : i32
    %add3A_175 = arith.addi %mul3A_173, %add3A_174 : i32
    %mul3A_176 = arith.constant 8 : i32
    %mul3A_177 = arith.muli %add3A_175, %mul3A_176 : i32
    %dma_wait3A_178 = arith.constant 0 : i32
    %dma_wait3A_179 = tpu.memref_slice %arg5[%mul3A_177, %dma_wait3A_178] : memref<1638400x16xf32, #tpu.memory_space<hbm>> -> memref<2048x16xf32, #tpu.memory_space<hbm>>
    %dma_wait3A_180 = arith.constant 0 : i32
    %dma_wait3A_181 = tpu.memref_slice %arg5[%mul3A_177, %dma_wait3A_180] : memref<1638400x16xf32, #tpu.memory_space<hbm>> -> memref<2048x16xf32, #tpu.memory_space<hbm>>
    tpu.wait_dma2 semaphore(%arg15 : memref<!tpu.dma_semaphore, #tpu.memory_space<semaphore_mem>>) src(%arg10 : memref<2048x16xf32, #tpu.memory_space<vmem>>) dst(%dma_wait3A_181 : memref<2048x16xf32, #tpu.memory_space<hbm>>)
    %mul3A_182 = arith.constant 6400 : i32
    %mul3A_183 = arith.muli %add3A, %mul3A_182 : i32
    %add3A_184 = arith.constant 5888 : i32
    %add3A_185 = arith.addi %mul3A_183, %add3A_184 : i32
    %mul3A_186 = arith.constant 8 : i32
    %mul3A_187 = arith.muli %add3A_185, %mul3A_186 : i32
    %dma_wait3A_188 = arith.constant 0 : i32
    %dma_wait3A_189 = tpu.memref_slice %arg5[%mul3A_187, %dma_wait3A_188] : memref<1638400x16xf32, #tpu.memory_space<hbm>> -> memref<2048x16xf32, #tpu.memory_space<hbm>>
    %dma_wait3A_190 = arith.constant 0 : i32
    %dma_wait3A_191 = tpu.memref_slice %arg5[%mul3A_187, %dma_wait3A_190] : memref<1638400x16xf32, #tpu.memory_space<hbm>> -> memref<2048x16xf32, #tpu.memory_space<hbm>>
    tpu.wait_dma2 semaphore(%arg16 : memref<!tpu.dma_semaphore, #tpu.memory_space<semaphore_mem>>) src(%arg11 : memref<2048x16xf32, #tpu.memory_space<vmem>>) dst(%dma_wait3A_191 : memref<2048x16xf32, #tpu.memory_space<hbm>>)
    return
  }
}

</mosaic_0001>

<sc_bundles>
// kernel: kernel.3.cloned.1.call-start
scs
__scs_entry_jumppad:
0x0: {  	(pc) =	sbr.rel $0x88, $3  }
0x1: {  	(tag) =	ssettag $0x0;
	lr =	simm.s32 $0x1  }
0x2: {  	[smem:$0x3F9E] =	sst lr;
	_ =	strace $0xD0000000  }
0x3: {  	_ = 	snop  }
0x4: {  	_ = 	snop  }
0x5: {  	_ = 	snop  }
0x6: {  	_ = 	snop  }
0x7: {  	_ = 	snop  }
__scs_overlays_trampoline_lowered:
0x8: {  	[smem:$0x3FAD] =	sst s0  }
0x9: {  	[smem:$0x3FAE] =	sst s1  }
0xa: {  	[smem:$0x3FAF] =	sst s2  }
0xb: {  	[smem:$0x3FB0] =	sst s3  }
0xc: {  	[smem:$0x3FB1] =	sst s4  }
0xd: {  	[smem:$0x3FB2] =	sst s5  }
0xe: {  	[smem:$0x3FB3] =	sst s6  }
0xf: {  	[smem:$0x3FB4] =	sst s7  }
0x10: {  	[smem:$0x3FB5] =	sst s8  }
0x11: {  	[smem:$0x3FB6] =	sst s9;
	s0 =	simm.s32 @!p0 $0x0  }
0x12: {  	s1 =	sld [smem:$0x3F9C];
	s0 =	simm.s32 @p0 $0x1  }
0x13: {  	[smem:$0x3FB7] =	sst s0;
	s0 =	simm.s32 @!p1 $0x0  }
0x14: {  	s2 =	sld [smem:$0x3F9B];
	s0 =	simm.s32 @p1 $0x1  }
0x15: {  	[smem:$0x3FB8] =	sst s0;
	s0 =	simm.s32 @!p2 $0x0  }
0x16: {  	s3 =	sld [smem:$0x3FDB];
	s0 =	simm.s32 @p2 $0x1  }
0x17: {  	s4 =	simm.s32 $0x1BF5;
	[smem:$0x3FBA] =	sst s0  }
0x18: {  	s0 =	sld [smem:$0x3F9D];
	_ =	swait.ge [sflag:s4], $0x0  }
0x19: {  	s7 =	sld [smem:$0x3F9E]  }
0x1a: {  	s8 =	sadd.s32 $0xFFFFE003, lr  }
0x1b: {  	s9 =	sadd.s32 $0xFFFFFEF7, lr;
	s5 =	simm.s32 $0xFFFFFFFF;
	p2 =	slt.u32 s8, $0xFFFFF086  }
0x1c: {  	p1 =	slt.u32 s9, $0xF7A;
	s5 =	simm.s32 @!p2 $0x0  }
0x1d: {  	s5 =	simm.s32 @p1 $0x1;
	p0 =	seq.s32 s7, s2  }
0x1e: {  	s7 =	smul.u32 @!p0 $0xF7A, s2;
	p2 =	seq.s32 @!p0 s5, $0x0  }
0x1f: {  	s9 =	smul.u32 $0xF7A, s1;
	s8 =	simm.s32 @!p0 $0x1BF5;
	p2 =	por !p2, p0  }
0x20: {  	[sflag:s8] =	ssyncset.s32 @!p0 $0xFFFFF086;
	s6 =	sadd.s32 @!p0 s3, s7;
	s7 =	simm.s32 @!p0 $0x108  }
0x21: {  	s3 =	sadd.s32 s3, s9;
	s6 =	sadd.s32 @!p0 $0x88, s6;
	s7 =	simm.s32 @p2 $0x1082  }
0x22: {  	[simem:s7], [sflag:s8] =	dma.local @!p0 [hbm:s6], $0xF7A  }
0x23: {  	s9 =	sor.u32 $0xD0000000, s2;
	s6 =	simm.s32 $0x108;
	_ =	swait.ge @!p0 [sflag:s8], $0x0  }
0x24: {  	s3 =	sadd.s32 $0x88, s3;
	s6 =	simm.s32 @!p1 $0x1082;
	[sflag:s4] =	ssyncset.s32 $0xFFFFF086  }
0x25: {  	[simem:s6], [sflag:s4] =	dma.local [hbm:s3], $0xF7A  }
0x26: {  	[smem:$0x3F9E] =	sst s1;
	(tag) =	ssettag s2;
	_ =	strace s9  }
0x27: {  	s1 =	sld [smem:$0x3FAE]  }
0x28: {  	s2 =	sld [smem:$0x3FAF]  }
0x29: {  	s4 =	sld [smem:$0x3FB1]  }
0x2a: {  	p0 =	seq.s32 s5, $0x0;
	s5 =	sld [smem:$0x3FB2]  }
0x2b: {  	s6 =	sld [smem:$0x3FB3]  }
0x2c: {  	s7 =	sld [smem:$0x3FB4]  }
0x2d: {  	s3 =	simm.s32 $0x108;
	s8 =	sld [smem:$0x3FB5]  }
0x2e: {  	s3 =	simm.s32 @!p0 $0x1082;
	s9 =	sld [smem:$0x3FB6]  }
0x2f: {  	lr =	sadd.s32 s0, s3;
	s0 =	sld [smem:$0x3FAD]  }
0x30: {  	s3 =	sld [smem:$0x3FB0]  }
0x31: {  	[smem:$0x3FB9] =	sst s10  }
0x32: {  	s10 =	sld [smem:$0x3FB7];
	_ =	sdelay $0x3  }
0x33: {  	p0 =	seq.s32 s10, $0x1;
	s10 =	sld [smem:$0x3FB9];
	_ =	sdelay $0x3  }
0x34: {  	[smem:$0x3FB9] =	sst s10  }
0x35: {  	s10 =	sld [smem:$0x3FB8];
	_ =	sdelay $0x3  }
0x36: {  	p1 =	seq.s32 s10, $0x1;
	s10 =	sld [smem:$0x3FB9];
	_ =	sdelay $0x3  }
0x37: {  	[smem:$0x3FB9] =	sst s10  }
0x38: {  	s10 =	sld [smem:$0x3FBA]  }
0x39: {  	_ = 	snop;
	(pc) =	sbr.ind lr, $3  }
0x3a: {  	_ = 	snop  }
0x3b: {  	_ = 	snop  }
0x3c: {  	p2 =	seq.s32 s10, $0x1;
	s10 =	sld [smem:$0x3FB9]  }
0x3d: {  	_ =	shalt  }
0x3e: {  	_ =	shalt  }
0x3f: {  	_ =	shalt  }
0x40: {  	_ =	shalt  }
0x41: {  	_ =	shalt  }
0x42: {  	_ =	shalt  }
0x43: {  	_ =	shalt  }
0x44: {  	_ =	shalt  }
0x45: {  	_ =	shalt  }
0x46: {  	_ =	shalt  }
0x47: {  	_ =	shalt  }
0x48: {  	_ =	shalt  }
0x49: {  	_ =	shalt  }
0x4a: {  	_ =	shalt  }
0x4b: {  	_ =	shalt  }
0x4c: {  	_ =	shalt  }
0x4d: {  	_ =	shalt  }
0x4e: {  	_ =	shalt  }
0x4f: {  	_ =	shalt  }
0x50: {  	_ =	shalt  }
0x51: {  	_ =	shalt  }
0x52: {  	_ =	shalt  }
0x53: {  	_ =	shalt  }
0x54: {  	_ =	shalt  }
0x55: {  	_ =	shalt  }
0x56: {  	_ =	shalt  }
0x57: {  	_ =	shalt  }
0x58: {  	_ =	shalt  }
0x59: {  	_ =	shalt  }
0x5a: {  	_ =	shalt  }
0x5b: {  	_ =	shalt  }
0x5c: {  	_ =	shalt  }
0x5d: {  	_ =	shalt  }
0x5e: {  	_ =	shalt  }
0x5f: {  	_ =	shalt  }
0x60: {  	_ =	shalt  }
0x61: {  	_ =	shalt  }
0x62: {  	_ =	shalt  }
0x63: {  	_ =	shalt  }
0x64: {  	_ =	shalt  }
0x65: {  	_ =	shalt  }
0x66: {  	_ =	shalt  }
0x67: {  	_ =	shalt  }
0x68: {  	_ =	shalt  }
0x69: {  	_ =	shalt  }
0x6a: {  	_ =	shalt  }
0x6b: {  	_ =	shalt  }
0x6c: {  	_ =	shalt  }
0x6d: {  	_ =	shalt  }
0x6e: {  	_ =	shalt  }
0x6f: {  	_ =	shalt  }
0x70: {  	_ =	shalt  }
0x71: {  	_ =	shalt  }
0x72: {  	_ =	shalt  }
0x73: {  	_ =	shalt  }
0x74: {  	_ =	shalt  }
0x75: {  	_ =	shalt  }
0x76: {  	_ =	shalt  }
0x77: {  	_ =	shalt  }
0x78: {  	_ =	shalt  }
0x79: {  	_ =	shalt  }
0x7a: {  	_ =	shalt  }
0x7b: {  	_ =	shalt  }
0x7c: {  	_ =	shalt  }
0x7d: {  	_ =	shalt  }
0x7e: {  	_ =	shalt  }
0x7f: {  	_ =	shalt  }
0x80: {  	_ =	shalt  }
0x81: {  	_ =	shalt  }
0x82: {  	_ =	shalt  }
0x83: {  	_ =	shalt  }
0x84: {  	_ =	shalt  }
0x85: {  	_ =	shalt  }
0x86: {  	_ =	shalt  }
0x87: {  	_ =	shalt  }
.Lfunc_end0:
.L_simem_size_0:
called_computation_lowered:
.L_overlay_start_0:
0x88: {  	s2 =	sld [smem:$0x3FD9]  }
0x89: {  	s3 =	sld [smem:$0x3FFE];
	_ =	sdelay $0x1  }
0x8a: {  	s1 =	srdreg.scid  }
0x8b: {  	s0 =	sand.u32 $0x1, s1  }
0x8c: {  	s17 =	sshll.u32 s0, $0xA;
	s2 =	sadd.s32 s3, s2  }
0x8d: {  	s2 =	sadd.s32 s2, s17  }
0x8e: {  	[smem:$0x3FC5] =	sst s2  }
0x8f: {  	_ = 	snop  }
0x90: {  	s2 =	sld [smem:$0x3FD0];
	(tm) =	ssettm $0x1  }
0x91: {  	s18 =	sld [smem:$0x3FFB];
	_ =	sdelay $0x3  }
0x92: {  	_ =	strace s18  }
0x93: {  	s3 =	sld [smem:$0x3FFC];
	_ =	sdelay $0x3  }
0x94: {  	_ =	strace s3  }
0x95: {  	s3 =	sld [smem:$0x3FFD];
	_ =	sdelay $0x3  }
0x96: {  	_ =	strace s3  }
0x97: {  	_ =	strace $0x8FFFFFFF  }
0x98: {  	s19 =	sld [smem:$0x3FDB];
	_ =	sdelay $0x1  }
0x99: {  	s4 =	simm.s32 $_scs_section_size  }
0x9a: {  	s5 =	simm.s32 $_size__tile_overlayer_lowered;
	s6 =	simm.s32 $_tile_overlayer_lowered  }
0x9b: {  	s22 =	simm.s32 $0x1BFF;
	s21 =	sshll.u32 s6, $0x1;
	s3 =	sadd.s32 s4, s19  }
0x9c: {  	s7 =	simm.s32 $0x0;
	s20 =	sshll.u32 s5, $0x1;
	s5 =	sadd.s32 s21, s3  }
0x9d: {  	[timem:s7], [sflag:s22] =	dma.local [hbm:s5], s20  }
0x9e: {  	_ =	swait.ge [sflag:s22], s20  }
0x9f: {  	s4 =	ssub.s32 $0x0, s20;
	[sflag:s22] =	ssyncset.done $0x0  }
0xa0: {  	[sflag:s22] =	ssyncadd.s32 s4;
	_ =	sdelay $0x1  }
0xa1: {  	s23 =	simm.s32 $0x1B8B  }
0xa2: {  	_ =	swait.ge [sflag:s23], $0x1  }
0xa3: {  	[sflag:s23] =	ssyncset.done $0x0  }
0xa4: {  	s25 =	simm.s32 $0x1B8E;
	s24 =	sld [smem:$0x3FFE];
	[sflag:s23] =	ssyncadd.s32 $0xFFFFFFFF  }
0xa5: {  	s26 =	simm.s32 $execute0_lowered;
	[smem:$0x3FD2] =	sst s25  }
0xa6: {  	s5 =	sshll.u32 s26, $0x1;
	_ =	strace $0x80000046;
	[dreg:$0x1] =	wrdreg $0xFFFFFFFF  }
0xa7: {  	s28 =	simm.s32 $_size_execute0_lowered;
	s3 =	sadd.s32 s3, s5;
	[dreg:$0x0] =	wrdreg $0x0  }
0xa8: {  	s5 =	sshll.u32 s28, $0x1;
	[dreg:$0x2] =	wrdreg s3  }
0xa9: {  	[dreg:$0x3] =	wrdreg s5  }
0xaa: {  	[dreg:$0x4] =	wrdreg $0xC0  }
0xab: {  	_ =	task [dreg:s7], $0x5FFFF  }
0xac: {  	[dreg:$0x1] =	wrdreg $0xFFFFFFFF  }
0xad: {  	[dreg:$0x0] =	wrdreg $0x60  }
0xae: {  	[dreg:$0x2] =	wrdreg s24  }
0xaf: {  	[dreg:$0x3] =	wrdreg s2  }
0xb0: {  	[dreg:$0x4] =	wrdreg $0x119000  }
0xb1: {  	[dreg:$0x5] =	wrdreg $0x9  }
0xb2: {  	_ =	task.clear_ibuf [dreg:s7], $0x6FFFF;
	_ =	strace $0x90000046  }
0xb3: {  	s29 =	simm.s32 $0x9;
	_ =	strace $0x80000048  }
0xb4: {  	_ =	swait.ge [sflag:s29], $0x1  }
0xb5: {  	[sflag:s29] =	ssyncadd.s32 $0xFFFFFFFF  }
0xb6: {  	_ =	strace $0x90000048  }
0xb7: {  	_ =	sfence  }
0xb8: {  	s30 =	sld [smem:$0x0];
	_ =	sdelay $0x2  }
0xb9: {  	s31 =	sshll.u32 s1, $0xD;
	s1 =	sshrl.u32 s1, $0x2  }
0xba: {  	s3 =	sand.u32 $0x4000, s31;
	s1 =	sadd.s32 s1, s30  }
0xbb: {  	s0 =	sor.u32 s3, s0;
	s1 =	sshll.u32 s1, $0x11  }
0xbc: {  	s0 =	sor.u32 s1, s0  }
0xbd: {  	s0 =	sadd.s32 $0x8F2B, s0  }
0xbe: {  	[sflag:s0] =	ssyncadd.remote.s32 $0x1  }
0xbf: {  	_ =	sfence.sel $0xFFFF  }
0xc0: {  	[dreg:$0x0] =	wrdreg $0xFFFFFFFF;
	(pc) =	sbr.abs _section_cstart, $3  }
0xc1: {  	[dreg:$0x1] =	wrdreg $0xFFFFFFFF  }
0xc2: {  	_ =	task.clear_ibuf [dreg:s7], $0x2FFFF;
	_ =	strace $0x9FFFFFFF  }
0xc3: {  	(tm) =	ssettm $0x7FFFFFFF  }
tec
execute0_lowered:
.L_overlay_start_1:
0x0: {  	(tag) =	ssettag $0x1  }
0x1: {  	s7 =	rddreg [dreg:$0x0]  }
0x2: {  	s0 =	rddreg [dreg:$0x1];
	s1 =	srdreg.scid  }
0x3: {  	s9 =	stileid.u32;
	s2 =	rddreg [dreg:$0x2];
	s3 =	simm.s32 $0x0  }
0x4: {  	s12 =	simm.s32 $0x5;
	s13 =	simm.s32 $0x80;
	s14 =	simm.s32 $0x1  }
0x5: {  	s15 =	simm.s32 $0x2;
	s16 =	simm.s32 $0x1900;
	s17 =	simm.s32 $0x9900  }
0x6: {  	s18 =	simm.s32 $0x3;
	s19 =	simm.s32 $0x4;
	s20 =	simm.s32 $0x0  }
0x7: {  	s6 =	sand.u32 $0x1, s1;
	s4 =	sshll.u32 s9, $0x1;
	s1 =	rddreg [dreg:$0x3]  }
0x8: {  	[smem:$0x7FF] =	sst s3;
	s5 =	sadd.s32 $0xF6000, s7;
	s4 =	sor.u32 s6, s4  }
0x9: {  	v1 =	vlaneseq.u32;
	p0 =	sne.s32 s9, $0x0;
	s8 =	ssub.s32 $0x2, s6;
	s4 =	smul.u32 $0x1900, s4  }
0xa: {  	v0 =	vshrl.u32 v1, $0x3;
	v1 =	vand.u32 $0x7, v1;
	_ =	strace $0x80000047;
	s6 =	sadd.s32 $0x800, s7;
	s10 =	sshrl.u32 s8, $0x1  }
0xb: {  	s7 =	sadd.s32 $0xF4A00, s7;
	v2 =	vmul.u32 $0x80, v1;
	v3 =	vor.u32 $0x2, v0;
	v4 =	vor.u32 $0x4, v0;
	s10 =	ssub.s32 s8, s10;
	s11 =	sadd.s32 $0x1800, s4  }
0xc: {  	v5 =	vor.u32 $0x6, v0;
	v6 =	vor.u32 $0x8, v0;
	v7 =	vor.u32 $0xA, v0;
	s10 =	smax.u32 s10, $0x1;
	s31 =	sshrl.u32 s11, $0x3;
	s11 =	sshll.u32 s11, $0x4  }
0xd: {  	v8 =	vor.u32 $0xC, v0;
	v9 =	vor.u32 $0xE, v0;
	v10 =	vmul.u32 $0x100, v1;
	s8 =	sadd.s32 s5, s31;
	s9 =	sadd.s32 s0, s11;
	s11 =	sshrl.u32 @!p0 s2, $0x3  }
.LBB2_1:
0xe: {  	s21 =	simm.s32 @!p0 $0x1C05  }
0xf: {  	[spmem:s11], [sflag:s21] =	dma.local @!p0 [hbm:s7], $0x1410  }
0x10: {  	s21 =	simm.s32 @!p0 $0x5  }
0x11: {  	_ =	swait.ge @!p0 [sflag:s21], $0x1410  }
0x12: {  	[sflag:s21] =	ssyncset.done @!p0 $0x0  }
0x13: {  	[sflag:s21] =	ssyncadd.s32 @!p0 $0xFFFFEBF0  }
0x14: {  	s21 =	simm.s32 $0x0;
	[bflag:$0x0] =	sbarrier.arrive $0xFFFF  }
.LBB2_2:
0x15: {  	s22 =	sshll.u32 s21, $0x9  }
0x16: {  	s23 =	sadd.s32 s4, s22  }
0x17: {  	s24 =	sshrl.u32 s23, $0x3  }
0x18: {  	s25 =	sadd.s32 s5, s24;
	s24 =	simm.s32 $0x0  }
0x19: {  	[tilespmem:s24], [sflag:$0x5] =	stream.linear.gather [hbm4b:s25+s24], $0x100, $0x38;
	[tilespmem:$0x12308] =	vst v63  }
0x1a: {  	_ =	swait.ge [sflag:s12], $0x100  }
0x1b: {  	[sflag:s12] =	ssyncset.done $0x0  }
0x1c: {  	[sflag:s12] =	ssyncadd.s32 $0xFFFFFF00  }
0x1d: {  	v11 =	vld [tilespmem:s24+$0x0];
	_ =	sdelay $0x4  }
0x1e: {  	vm0 =	vgt.s32 v11, $0xF41FF;
	v12 =	vshll.u32 v11, $0x3  }
0x1f: {  	v13 =	vsel vm0, $0xF41FF, v11;
	v11 =	vadd.s32 $0xFF85F800, v12  }
0x20: {  	v12 =	vshll.u32 v13, $0x3;
	v11 =	vnsel vm0, $0x0, v11  }
0x21: {  	v13 =	vand.u32 $0x7F, v13;
	v12 =	vand.u32 $0xFFFFFC00, v12;
	v14 =	vperm.xlane v11, v0  }
0x22: {  	v15 =	vperm.xlane v11, v4;
	v12 =	vor.u32 v13, v12;
	v13 =	vperm.xlane v11, v3  }
0x23: {  	s25 =	simm.s32 $0x0;
	v16 =	vperm.xlane v12, v0;
	v14 =	vadd.s32 v1, v14;
	v17 =	vperm.xlane v12, v9  }
0x24: {  	v19 =	vperm.xlane v12, v4;
	v20 =	vperm.xlane v12, v5;
	[tilespmem:s25+$0x900] =	vst v14;
	v13 =	vadd.s32 v1, v13  }
0x25: {  	v14 =	vperm.xlane v12, v7;
	v16 =	vadd.s32 v2, v16;
	[tilespmem:s25+$0x910] =	vst v13;
	v18 =	vadd.s32 v2, v17  }
0x26: {  	s26 =	simm.s32 $0x200;
	v13 =	vadd.s32 v2, v20;
	v17 =	vperm.xlane v12, v6;
	[tilespmem:s25+$0x100] =	vst v16;
	v16 =	vadd.s32 v2, v19  }
.LBB2_3:
0x27: {  	p1 =	sne.s32 s26, $0x1E00  }
0x28: {  	v19 =	vperm.xlane v12, v3;
	v15 =	vadd.s32 v1, v15;
	v12 =	vperm.xlane v12, v8;
	[tilespmem:s25+$0x170] =	vst v18;
	s24 =	sadd.s32 $0x10, s24;
	s28 =	smov.u32 s26;
	s26 =	sadd.s32 $0x200, s26  }
0x29: {  	v14 =	vadd.s32 v2, v14;
	[tilespmem:s25+$0x920] =	vst v15;
	v15 =	vperm.xlane v11, v5;
	v17 =	vadd.s32 v2, v17  }
0x2a: {  	v18 =	vadd.s32 v2, v19;
	[tilespmem:s25+$0x120] =	vst v16;
	v16 =	vperm.xlane v11, v6;
	v12 =	vadd.s32 v2, v12  }
0x2b: {  	v19 =	vperm.xlane v11, v8;
	v15 =	vadd.s32 v1, v15;
	[tilespmem:s25+$0x140] =	vst v17;
	v17 =	vperm.xlane v11, v7  }
0x2c: {  	v11 =	vperm.xlane v11, v9;
	v16 =	vadd.s32 v1, v16;
	[tilespmem:s25+$0x160] =	vst v12  }
0x2d: {  	[tilespmem:s25+$0x930] =	vst v15;
	v12 =	vadd.s32 v1, v17;
	v15 =	vadd.s32 v1, v19  }
0x2e: {  	v11 =	vadd.s32 v1, v11;
	[tilespmem:s25+$0x960] =	vst v15  }
0x2f: {  	[tilespmem:s25+$0x130] =	vst v13  }
0x30: {  	[tilespmem:s25+$0x950] =	vst v12  }
0x31: {  	[tilespmem:s25+$0x940] =	vst v16  }
0x32: {  	[tilespmem:s25+$0x150] =	vst v14  }
0x33: {  	s29 =	sadd.s32 $0x100, s25;
	s30 =	sadd.s32 $0x1100, s25;
	[tilespmem:s25+$0x970] =	vst v11  }
0x34: {  	[tilespmem:s25+$0x110] =	vst v18  }
0x35: {  	[tilespmem:s30], [sflag:$0x1] =	stream.indirect.gather [hbm4b:s6+s13], $0x1, s29, s13, $0xb8;
	[tilespmem:$0x12308] =	vst v63  }
0x36: {  	v11 =	vld [tilespmem:s24+$0x0];
	_ =	sdelay $0x4  }
0x37: {  	vm0 =	vgt.s32 v11, $0xF41FF;
	v12 =	vshll.u32 v11, $0x3  }
0x38: {  	v13 =	vsel vm0, $0xF41FF, v11;
	v11 =	vadd.s32 $0xFF85F800, v12  }
0x39: {  	v12 =	vshll.u32 v13, $0x3;
	v11 =	vnsel vm0, $0x0, v11  }
0x3a: {  	v13 =	vand.u32 $0x7F, v13;
	v12 =	vand.u32 $0xFFFFFC00, v12;
	v14 =	vperm.xlane v11, v0  }
.Ltmp0:
0x3b: {  	v15 =	vperm.xlane v11, v4;
	v12 =	vor.u32 v13, v12;
	v13 =	vperm.xlane v11, v3;
	(pc) =	sbr.rel @p1 .LBB2_3-.Ltmp0, $4  }
0x3c: {  	s25 =	sshra.s32 s28, $0x2;
	v16 =	vperm.xlane v12, v0;
	v14 =	vadd.s32 v1, v14;
	v17 =	vperm.xlane v12, v9  }
0x3d: {  	v19 =	vperm.xlane v12, v4;
	v20 =	vperm.xlane v12, v5;
	[tilespmem:s25+$0x900] =	vst v14;
	v13 =	vadd.s32 v1, v13  }
0x3e: {  	v14 =	vperm.xlane v12, v7;
	v16 =	vadd.s32 v2, v16;
	[tilespmem:s25+$0x910] =	vst v13;
	v18 =	vadd.s32 v2, v17  }
0x3f: {  	v13 =	vadd.s32 v2, v20;
	v17 =	vperm.xlane v12, v6;
	[tilespmem:s25+$0x100] =	vst v16;
	v16 =	vadd.s32 v2, v19  }
0x40: {  	[tilespmem:s25+$0x170] =	vst v18  }
0x41: {  	[tilespmem:s25+$0x120] =	vst v16  }
0x42: {  	v15 =	vadd.s32 v1, v15;
	[tilespmem:s25+$0x130] =	vst v13  }
0x43: {  	v18 =	vperm.xlane v12, v8;
	v14 =	vadd.s32 v2, v14;
	[tilespmem:s25+$0x920] =	vst v15  }
0x44: {  	v12 =	vperm.xlane v12, v3;
	v17 =	vadd.s32 v2, v17;
	[tilespmem:s25+$0x150] =	vst v14  }
0x45: {  	v15 =	vperm.xlane v11, v5;
	v16 =	vadd.s32 v2, v18;
	[tilespmem:s25+$0x140] =	vst v17  }
0x46: {  	v17 =	vperm.xlane v11, v8;
	v12 =	vadd.s32 v2, v12;
	[tilespmem:s25+$0x160] =	vst v16  }
0x47: {  	v15 =	vadd.s32 v1, v15;
	v16 =	vperm.xlane v11, v7;
	[tilespmem:s25+$0x110] =	vst v12  }
0x48: {  	[tilespmem:s25+$0x930] =	vst v15;
	v15 =	vadd.s32 v1, v17;
	v17 =	vperm.xlane v11, v6  }
0x49: {  	v11 =	vperm.xlane v11, v9;
	[tilespmem:s25+$0x960] =	vst v15;
	v15 =	vadd.s32 v1, v16  }
0x4a: {  	v13 =	vadd.s32 v1, v17;
	[tilespmem:s25+$0x950] =	vst v15  }
0x4b: {  	v11 =	vadd.s32 v1, v11;
	[tilespmem:s25+$0x940] =	vst v13  }
0x4c: {  	s24 =	sadd.s32 $0x100, s25;
	s26 =	sadd.s32 $0x1100, s25;
	p1 =	seq.s32 s21, $0x0;
	[tilespmem:s25+$0x970] =	vst v11  }
0x4d: {  	[tilespmem:s26], [sflag:$0x1] =	stream.indirect.gather [hbm4b:s6+s13], $0x1, s24, s13, $0xb8;
	[tilespmem:$0x12308] =	vst v63  }
0x4e: {  	s24 =	simm.s32 @!p1 $0x3  }
0x4f: {  	_ =	swait.ge @!p1 [sflag:s24], $0x8000  }
0x50: {  	[sflag:s24] =	ssyncset.done @!p1 $0x0  }
0x51: {  	[sflag:s24] =	ssyncadd.s32 @!p1 $0xFFFF8000  }
0x52: {  	_ =	swait.ge [sflag:s14], $0x80  }
0x53: {  	[sflag:s14] =	ssyncset.done $0x0  }
0x54: {  	s24 =	simm.s32 $0x0;
	[sflag:s14] =	ssyncadd.s32 $0xFFFFFF80  }
0x55: {  	v12 =	vld [tilespmem:s24+$0x950]  }
0x56: {  	v14 =	vld [tilespmem:s24+$0x1150]  }
0x57: {  	v11 =	vld [tilespmem:s24+$0x970]  }
0x58: {  	v15 =	vld [tilespmem:s24+$0x920]  }
0x59: {  	v13 =	vld [tilespmem:s24+$0x940]  }
0x5a: {  	s28 =	simm.s32 $0x200;
	s25 =	simm.s32 $0x1900;
	s26 =	simm.s32 $0x1900;
	v16 =	vld [tilespmem:s24+$0x1140]  }
.LBB2_5:
0x5b: {  	p2 =	sne.s32 s28, $0x1E00  }
0x5c: {  	v17 =	vld [tilespmem:s24+$0x1120];
	s26 =	sadd.s32 $0x800, s26;
	s29 =	smov.u32 s28;
	s28 =	sadd.s32 $0x200, s28  }
0x5d: {  	v18 =	vld [tilespmem:s24+$0x1170]  }
0x5e: {  	v19 =	vld [tilespmem:s24+$0x1160]  }
0x5f: {  	v20 =	vld [tilespmem:s24+$0x1100]  }
0x60: {  	v21 =	vld [tilespmem:s24+$0x900]  }
0x61: {  	v16 =	vadd.s32 v10, v16;
	v17 =	vadd.s32 v10, v17;
	v22 =	vld [tilespmem:s24+$0x1130]  }
0x62: {  	vm1 =	vgt.s32 v16, v13;
	vm0 =	vgt.s32 v17, v15;
	v23 =	vld [tilespmem:s24+$0x930]  }
0x63: {  	v14 =	vadd.s32 v10, v14;
	v18 =	vadd.s32 v10, v18;
	v15 =	vsel vm0, v17, v15;
	v17 =	vld [tilespmem:s24+$0x960]  }
0x64: {  	vm0 =	vgt.s32 v14, v12;
	vm2 =	vgt.s32 v18, v11;
	v20 =	vadd.s32 v10, v20;
	v24 =	vld [tilespmem:s24+$0x1110];
	[tilespmem:s24+$0x120] =	vst v15  }
0x65: {  	v12 =	vsel vm0, v14, v12;
	v11 =	vsel vm2, v18, v11;
	vm3 =	vgt.s32 v20, v21;
	v15 =	vld [tilespmem:s24+$0x910]  }
0x66: {  	v13 =	vsel vm1, v16, v13;
	v14 =	vsel vm3, v20, v21;
	v18 =	vadd.s32 v10, v22;
	[tilespmem:s24+$0x150] =	vst v12  }
0x67: {  	v12 =	vadd.s32 v10, v19;
	[tilespmem:s24+$0x100] =	vst v14;
	vm0 =	vgt.s32 v18, v23  }
0x68: {  	v14 =	vsel vm0, v18, v23;
	[tilespmem:s24+$0x140] =	vst v13;
	vm0 =	vgt.s32 v12, v17  }
0x69: {  	v13 =	vadd.s32 v10, v24;
	v12 =	vsel vm0, v12, v17;
	[tilespmem:s24+$0x170] =	vst v11  }
0x6a: {  	vm0 =	vgt.s32 v13, v15;
	[tilespmem:s24+$0x160] =	vst v12  }
0x6b: {  	v11 =	vsel vm0, v13, v15;
	[tilespmem:s24+$0x130] =	vst v14  }
0x6c: {  	s30 =	sadd.s32 $0x100, s24;
	[tilespmem:s24+$0x110] =	vst v11  }
0x6d: {  	[tilespmem:s25], [sflag:$0x2] =	stream.indirect.gather [spmem:s2], $0x10, s30, s13, $0xb8;
	[tilespmem:$0x12308] =	vst v63  }
0x6e: {  	s25 =	smov.u32 s26;
	_ =	swait.ge [sflag:s14], $0x80  }
0x6f: {  	[sflag:s14] =	ssyncset.done $0x0  }
0x70: {  	s24 =	sshra.s32 s29, $0x2;
	[sflag:s14] =	ssyncadd.s32 $0xFFFFFF80  }
0x71: {  	v12 =	vld [tilespmem:s24+$0x950]  }
.Ltmp1:
0x72: {  	v14 =	vld [tilespmem:s24+$0x1150];
	(pc) =	sbr.rel @p2 .LBB2_5-.Ltmp1, $4  }
0x73: {  	v11 =	vld [tilespmem:s24+$0x970]  }
0x74: {  	v15 =	vld [tilespmem:s24+$0x920]  }
0x75: {  	v13 =	vld [tilespmem:s24+$0x940]  }
0x76: {  	v16 =	vld [tilespmem:s24+$0x1140]  }
0x77: {  	v17 =	vld [tilespmem:s24+$0x1120]  }
0x78: {  	v18 =	vld [tilespmem:s24+$0x1170]  }
0x79: {  	v19 =	vld [tilespmem:s24+$0x1160]  }
0x7a: {  	v20 =	vld [tilespmem:s24+$0x1100]  }
0x7b: {  	v21 =	vld [tilespmem:s24+$0x900]  }
0x7c: {  	v22 =	vld [tilespmem:s24+$0x1130]  }
0x7d: {  	v23 =	vld [tilespmem:s24+$0x930];
	v14 =	vadd.s32 v10, v14;
	v17 =	vadd.s32 v10, v17  }
0x7e: {  	v24 =	vld [tilespmem:s24+$0x960];
	vm9 =	vgt.s32 v14, v12;
	vm0 =	vgt.s32 v17, v15  }
0x7f: {  	v12 =	vsel vm9, v14, v12;
	v20 =	vadd.s32 v10, v20;
	v15 =	vsel vm0, v17, v15;
	v17 =	vld [tilespmem:s24+$0x1110]  }
0x80: {  	v14 =	vadd.s32 v10, v18;
	vm1 =	vgt.s32 v20, v21;
	[tilespmem:s24+$0x120] =	vst v15;
	v15 =	vadd.s32 v10, v16;
	v16 =	vld [tilespmem:s24+$0x910]  }
0x81: {  	[tilespmem:s24+$0x150] =	vst v12;
	vm11 =	vgt.s32 v14, v11;
	v18 =	vsel vm1, v20, v21  }
0x82: {  	v11 =	vsel vm11, v14, v11;
	v14 =	vadd.s32 v10, v22;
	[tilespmem:s24+$0x100] =	vst v18;
	vm10 =	vgt.s32 v15, v13  }
0x83: {  	vm13 =	vgt.s32 v14, v23;
	[tilespmem:s24+$0x170] =	vst v11;
	v12 =	vsel vm10, v15, v13;
	v13 =	vadd.s32 v10, v19  }
0x84: {  	v11 =	vsel vm13, v14, v23;
	[tilespmem:s24+$0x140] =	vst v12;
	vm12 =	vgt.s32 v13, v24;
	v12 =	vadd.s32 v10, v17  }
0x85: {  	[tilespmem:s24+$0x130] =	vst v11;
	v13 =	vsel vm12, v13, v24;
	vm14 =	vgt.s32 v12, v16  }
0x86: {  	[tilespmem:s24+$0x160] =	vst v13;
	v12 =	vsel vm14, v12, v16  }
0x87: {  	s26 =	sadd.s32 $0x100, s24;
	[tilespmem:s24+$0x110] =	vst v12  }
0x88: {  	[tilespmem:s25], [sflag:$0x2] =	stream.indirect.gather [spmem:s2], $0x10, s26, s13, $0xb8;
	[tilespmem:$0x12308] =	vst v63  }
0x89: {  	_ =	swait.ge [sflag:s15], $0x800  }
0x8a: {  	[sflag:s15] =	ssyncset.done $0x0  }
0x8b: {  	[sflag:s15] =	ssyncadd.s32 $0xFFFFF800  }
0x8c: {  	_ =	swait.ge [sflag:s15], $0x800  }
0x8d: {  	[sflag:s15] =	ssyncset.done $0x0  }
0x8e: {  	[sflag:s15] =	ssyncadd.s32 $0xFFFFF800  }
0x8f: {  	_ =	swait.ge [sflag:s15], $0x800  }
0x90: {  	[sflag:s15] =	ssyncset.done $0x0  }
0x91: {  	[sflag:s15] =	ssyncadd.s32 $0xFFFFF800  }
0x92: {  	_ =	swait.ge [sflag:s15], $0x800  }
0x93: {  	[sflag:s15] =	ssyncset.done $0x0  }
0x94: {  	[sflag:s15] =	ssyncadd.s32 $0xFFFFF800  }
0x95: {  	_ =	swait.ge [sflag:s15], $0x800  }
0x96: {  	[sflag:s15] =	ssyncset.done $0x0  }
0x97: {  	[sflag:s15] =	ssyncadd.s32 $0xFFFFF800  }
0x98: {  	_ =	swait.ge [sflag:s15], $0x800  }
0x99: {  	[sflag:s15] =	ssyncset.done $0x0  }
0x9a: {  	[sflag:s15] =	ssyncadd.s32 $0xFFFFF800  }
0x9b: {  	_ =	swait.ge [sflag:s15], $0x800  }
0x9c: {  	[sflag:s15] =	ssyncset.done $0x0  }
0x9d: {  	[sflag:s15] =	ssyncadd.s32 $0xFFFFF800  }
0x9e: {  	_ =	swait.ge [sflag:s15], $0x800  }
0x9f: {  	[sflag:s15] =	ssyncset.done $0x0  }
0xa0: {  	[sflag:s15] =	ssyncadd.s32 $0xFFFFF800  }
0xa1: {  	_ =	swait.ge [sflag:s15], $0x800  }
0xa2: {  	[sflag:s15] =	ssyncset.done $0x0  }
0xa3: {  	[sflag:s15] =	ssyncadd.s32 $0xFFFFF800  }
0xa4: {  	_ =	swait.ge [sflag:s15], $0x800  }
0xa5: {  	[sflag:s15] =	ssyncset.done $0x0  }
0xa6: {  	[sflag:s15] =	ssyncadd.s32 $0xFFFFF800  }
0xa7: {  	_ =	swait.ge [sflag:s15], $0x800  }
0xa8: {  	[sflag:s15] =	ssyncset.done $0x0  }
0xa9: {  	[sflag:s15] =	ssyncadd.s32 $0xFFFFF800  }
0xaa: {  	_ =	swait.ge [sflag:s15], $0x800  }
0xab: {  	[sflag:s15] =	ssyncset.done $0x0  }
0xac: {  	[sflag:s15] =	ssyncadd.s32 $0xFFFFF800  }
0xad: {  	_ =	swait.ge [sflag:s15], $0x800  }
0xae: {  	[sflag:s15] =	ssyncset.done $0x0  }
0xaf: {  	[sflag:s15] =	ssyncadd.s32 $0xFFFFF800  }
0xb0: {  	_ =	swait.ge [sflag:s15], $0x800  }
0xb1: {  	[sflag:s15] =	ssyncset.done $0x0  }
0xb2: {  	[sflag:s15] =	ssyncadd.s32 $0xFFFFF800  }
0xb3: {  	_ =	swait.ge [sflag:s15], $0x800  }
0xb4: {  	[sflag:s15] =	ssyncset.done $0x0  }
0xb5: {  	[sflag:s15] =	ssyncadd.s32 $0xFFFFF800  }
0xb6: {  	s23 =	sshll.u32 s23, $0x4;
	s22 =	sadd.s32 s22, s4;
	_ =	swait.ge [sflag:s15], $0x800  }
0xb7: {  	s30 =	sadd.s32 s0, s23;
	s22 =	sadd.s32 $0x100, s22;
	[sflag:s15] =	ssyncset.done $0x0  }
0xb8: {  	s23 =	simm.s32 $0x0;
	s31 =	sshrl.u32 s22, $0x3;
	[sflag:s15] =	ssyncadd.s32 $0xFFFFF800  }
0xb9: {  	[hbm4b:s30+s23] =	stream.linear.scatter [tilespmem:s16], [sflag:$0x3], $0x8000, $0x38;
	[tilespmem:$0x12308] =	vst v63  }
0xba: {  	s24 =	sadd.s32 s5, s31  }
0xbb: {  	[tilespmem:s23], [sflag:$0x5] =	stream.linear.gather [hbm4b:s24+s23], $0x100, $0x38;
	[tilespmem:$0x12308] =	vst v63  }
0xbc: {  	_ =	swait.ge [sflag:s12], $0x100  }
0xbd: {  	[sflag:s12] =	ssyncset.done $0x0  }
0xbe: {  	[sflag:s12] =	ssyncadd.s32 $0xFFFFFF00  }
0xbf: {  	v11 =	vld [tilespmem:s23+$0x0];
	_ =	sdelay $0x4  }
0xc0: {  	vm15 =	vgt.s32 v11, $0xF41FF;
	v12 =	vshll.u32 v11, $0x3  }
0xc1: {  	v13 =	vsel vm15, $0xF41FF, v11;
	v11 =	vadd.s32 $0xFF85F800, v12  }
0xc2: {  	v12 =	vshll.u32 v13, $0x3;
	v11 =	vnsel vm15, $0x0, v11  }
0xc3: {  	v13 =	vand.u32 $0x7F, v13;
	v12 =	vand.u32 $0xFFFFFC00, v12;
	v14 =	vperm.xlane v11, v0  }
0xc4: {  	v15 =	vperm.xlane v11, v4;
	v12 =	vor.u32 v13, v12;
	v13 =	vperm.xlane v11, v3  }
0xc5: {  	s24 =	simm.s32 $0x0;
	v16 =	vperm.xlane v12, v0;
	v14 =	vadd.s32 v1, v14;
	v17 =	vperm.xlane v12, v9  }
0xc6: {  	v19 =	vperm.xlane v12, v4;
	v20 =	vperm.xlane v12, v5;
	[tilespmem:s24+$0x900] =	vst v14;
	v13 =	vadd.s32 v1, v13  }
0xc7: {  	v14 =	vperm.xlane v12, v7;
	v16 =	vadd.s32 v2, v16;
	[tilespmem:s24+$0x910] =	vst v13;
	v18 =	vadd.s32 v2, v17  }
0xc8: {  	s25 =	simm.s32 $0x200;
	v13 =	vadd.s32 v2, v20;
	v17 =	vperm.xlane v12, v6;
	[tilespmem:s24+$0x100] =	vst v16;
	v16 =	vadd.s32 v2, v19  }
.LBB2_7:
0xc9: {  	p2 =	sne.s32 s25, $0x1E00  }
0xca: {  	v19 =	vperm.xlane v12, v3;
	v15 =	vadd.s32 v1, v15;
	v12 =	vperm.xlane v12, v8;
	[tilespmem:s24+$0x170] =	vst v18;
	s23 =	sadd.s32 $0x10, s23;
	s26 =	smov.u32 s25;
	s25 =	sadd.s32 $0x200, s25  }
0xcb: {  	v14 =	vadd.s32 v2, v14;
	[tilespmem:s24+$0x920] =	vst v15;
	v15 =	vperm.xlane v11, v5;
	v17 =	vadd.s32 v2, v17  }
0xcc: {  	v18 =	vadd.s32 v2, v19;
	[tilespmem:s24+$0x120] =	vst v16;
	v16 =	vperm.xlane v11, v6;
	v12 =	vadd.s32 v2, v12  }
0xcd: {  	v19 =	vperm.xlane v11, v8;
	v15 =	vadd.s32 v1, v15;
	[tilespmem:s24+$0x140] =	vst v17;
	v17 =	vperm.xlane v11, v7  }
0xce: {  	v11 =	vperm.xlane v11, v9;
	v16 =	vadd.s32 v1, v16;
	[tilespmem:s24+$0x160] =	vst v12  }
0xcf: {  	[tilespmem:s24+$0x930] =	vst v15;
	v12 =	vadd.s32 v1, v17;
	v15 =	vadd.s32 v1, v19  }
0xd0: {  	v11 =	vadd.s32 v1, v11;
	[tilespmem:s24+$0x960] =	vst v15  }
0xd1: {  	[tilespmem:s24+$0x130] =	vst v13  }
0xd2: {  	[tilespmem:s24+$0x950] =	vst v12  }
0xd3: {  	[tilespmem:s24+$0x940] =	vst v16  }
0xd4: {  	[tilespmem:s24+$0x150] =	vst v14  }
0xd5: {  	s28 =	sadd.s32 $0x100, s24;
	s29 =	sadd.s32 $0x1100, s24;
	[tilespmem:s24+$0x970] =	vst v11  }
0xd6: {  	[tilespmem:s24+$0x110] =	vst v18  }
0xd7: {  	[tilespmem:s29], [sflag:$0x1] =	stream.indirect.gather [hbm4b:s6+s13], $0x1, s28, s13, $0xb8;
	[tilespmem:$0x12308] =	vst v63  }
0xd8: {  	v11 =	vld [tilespmem:s23+$0x0];
	_ =	sdelay $0x4  }
0xd9: {  	vm0 =	vgt.s32 v11, $0xF41FF;
	v12 =	vshll.u32 v11, $0x3  }
0xda: {  	v13 =	vsel vm0, $0xF41FF, v11;
	v11 =	vadd.s32 $0xFF85F800, v12  }
0xdb: {  	v12 =	vshll.u32 v13, $0x3;
	v11 =	vnsel vm0, $0x0, v11  }
0xdc: {  	v13 =	vand.u32 $0x7F, v13;
	v12 =	vand.u32 $0xFFFFFC00, v12;
	v14 =	vperm.xlane v11, v0  }
.Ltmp2:
0xdd: {  	v15 =	vperm.xlane v11, v4;
	v12 =	vor.u32 v13, v12;
	v13 =	vperm.xlane v11, v3;
	(pc) =	sbr.rel @p2 .LBB2_7-.Ltmp2, $4  }
0xde: {  	s24 =	sshra.s32 s26, $0x2;
	v16 =	vperm.xlane v12, v0;
	v14 =	vadd.s32 v1, v14;
	v17 =	vperm.xlane v12, v9  }
0xdf: {  	v19 =	vperm.xlane v12, v4;
	v20 =	vperm.xlane v12, v5;
	[tilespmem:s24+$0x900] =	vst v14;
	v13 =	vadd.s32 v1, v13  }
0xe0: {  	v14 =	vperm.xlane v12, v7;
	v16 =	vadd.s32 v2, v16;
	[tilespmem:s24+$0x910] =	vst v13;
	v18 =	vadd.s32 v2, v17  }
0xe1: {  	v13 =	vadd.s32 v2, v20;
	v17 =	vperm.xlane v12, v6;
	[tilespmem:s24+$0x100] =	vst v16;
	v16 =	vadd.s32 v2, v19  }
0xe2: {  	[tilespmem:s24+$0x170] =	vst v18  }
0xe3: {  	[tilespmem:s24+$0x120] =	vst v16  }
0xe4: {  	v15 =	vadd.s32 v1, v15;
	[tilespmem:s24+$0x130] =	vst v13  }
0xe5: {  	v18 =	vperm.xlane v12, v8;
	v14 =	vadd.s32 v2, v14;
	[tilespmem:s24+$0x920] =	vst v15  }
0xe6: {  	v12 =	vperm.xlane v12, v3;
	v17 =	vadd.s32 v2, v17;
	[tilespmem:s24+$0x150] =	vst v14  }
0xe7: {  	v15 =	vperm.xlane v11, v5;
	v16 =	vadd.s32 v2, v18;
	[tilespmem:s24+$0x140] =	vst v17  }
0xe8: {  	v17 =	vperm.xlane v11, v8;
	v12 =	vadd.s32 v2, v12;
	[tilespmem:s24+$0x160] =	vst v16  }
0xe9: {  	v15 =	vadd.s32 v1, v15;
	v16 =	vperm.xlane v11, v7;
	[tilespmem:s24+$0x110] =	vst v12  }
0xea: {  	[tilespmem:s24+$0x930] =	vst v15;
	v15 =	vadd.s32 v1, v17;
	v17 =	vperm.xlane v11, v6  }
0xeb: {  	v11 =	vperm.xlane v11, v9;
	[tilespmem:s24+$0x960] =	vst v15;
	v15 =	vadd.s32 v1, v16  }
0xec: {  	v13 =	vadd.s32 v1, v17;
	[tilespmem:s24+$0x950] =	vst v15  }
0xed: {  	v11 =	vadd.s32 v1, v11;
	[tilespmem:s24+$0x940] =	vst v13  }
0xee: {  	s23 =	sadd.s32 $0x100, s24;
	s25 =	sadd.s32 $0x1100, s24;
	[tilespmem:s24+$0x970] =	vst v11  }
0xef: {  	[tilespmem:s25], [sflag:$0x1] =	stream.indirect.gather [hbm4b:s6+s13], $0x1, s23, s13, $0xb8;
	[tilespmem:$0x12308] =	vst v63  }
0xf0: {  	s23 =	simm.s32 @!p1 $0x4  }
0xf1: {  	_ =	swait.ge @!p1 [sflag:s23], $0x8000  }
0xf2: {  	[sflag:s23] =	ssyncset.done @!p1 $0x0  }
0xf3: {  	[sflag:s23] =	ssyncadd.s32 @!p1 $0xFFFF8000  }
0xf4: {  	_ =	swait.ge [sflag:s14], $0x80  }
0xf5: {  	[sflag:s14] =	ssyncset.done $0x0  }
0xf6: {  	s23 =	simm.s32 $0x0;
	[sflag:s14] =	ssyncadd.s32 $0xFFFFFF80  }
0xf7: {  	v12 =	vld [tilespmem:s23+$0x950]  }
0xf8: {  	v14 =	vld [tilespmem:s23+$0x1150]  }
0xf9: {  	v11 =	vld [tilespmem:s23+$0x970]  }
0xfa: {  	v15 =	vld [tilespmem:s23+$0x920]  }
0xfb: {  	v13 =	vld [tilespmem:s23+$0x940]  }
0xfc: {  	s26 =	simm.s32 $0x200;
	s24 =	simm.s32 $0x9900;
	s25 =	simm.s32 $0x9900;
	v16 =	vld [tilespmem:s23+$0x1140]  }
.LBB2_9:
0xfd: {  	p1 =	sne.s32 s26, $0x1E00  }
0xfe: {  	v17 =	vld [tilespmem:s23+$0x1120];
	s25 =	sadd.s32 $0x800, s25;
	s28 =	smov.u32 s26;
	s26 =	sadd.s32 $0x200, s26  }
0xff: {  	v18 =	vld [tilespmem:s23+$0x1170]  }
0x100: {  	v19 =	vld [tilespmem:s23+$0x1160]  }
0x101: {  	v20 =	vld [tilespmem:s23+$0x1100]  }
0x102: {  	v21 =	vld [tilespmem:s23+$0x900]  }
0x103: {  	v16 =	vadd.s32 v10, v16;
	v17 =	vadd.s32 v10, v17;
	v22 =	vld [tilespmem:s23+$0x1130]  }
0x104: {  	vm1 =	vgt.s32 v16, v13;
	vm0 =	vgt.s32 v17, v15;
	v23 =	vld [tilespmem:s23+$0x930]  }
0x105: {  	v14 =	vadd.s32 v10, v14;
	v18 =	vadd.s32 v10, v18;
	v15 =	vsel vm0, v17, v15;
	v17 =	vld [tilespmem:s23+$0x960]  }
0x106: {  	vm0 =	vgt.s32 v14, v12;
	vm2 =	vgt.s32 v18, v11;
	v20 =	vadd.s32 v10, v20;
	v24 =	vld [tilespmem:s23+$0x1110];
	[tilespmem:s23+$0x120] =	vst v15  }
0x107: {  	v12 =	vsel vm0, v14, v12;
	v11 =	vsel vm2, v18, v11;
	vm3 =	vgt.s32 v20, v21;
	v15 =	vld [tilespmem:s23+$0x910]  }
0x108: {  	v13 =	vsel vm1, v16, v13;
	v14 =	vsel vm3, v20, v21;
	v18 =	vadd.s32 v10, v22;
	[tilespmem:s23+$0x150] =	vst v12  }
0x109: {  	v12 =	vadd.s32 v10, v19;
	[tilespmem:s23+$0x100] =	vst v14;
	vm0 =	vgt.s32 v18, v23  }
0x10a: {  	v14 =	vsel vm0, v18, v23;
	[tilespmem:s23+$0x140] =	vst v13;
	vm0 =	vgt.s32 v12, v17  }
0x10b: {  	v13 =	vadd.s32 v10, v24;
	v12 =	vsel vm0, v12, v17;
	[tilespmem:s23+$0x170] =	vst v11  }
0x10c: {  	vm0 =	vgt.s32 v13, v15;
	[tilespmem:s23+$0x160] =	vst v12  }
0x10d: {  	v11 =	vsel vm0, v13, v15;
	[tilespmem:s23+$0x130] =	vst v14  }
0x10e: {  	s29 =	sadd.s32 $0x100, s23;
	[tilespmem:s23+$0x110] =	vst v11  }
0x10f: {  	[tilespmem:s24], [sflag:$0x2] =	stream.indirect.gather [spmem:s2], $0x10, s29, s13, $0xb8;
	[tilespmem:$0x12308] =	vst v63  }
0x110: {  	s24 =	smov.u32 s25;
	_ =	swait.ge [sflag:s14], $0x80  }
0x111: {  	[sflag:s14] =	ssyncset.done $0x0  }
0x112: {  	s23 =	sshra.s32 s28, $0x2;
	[sflag:s14] =	ssyncadd.s32 $0xFFFFFF80  }
0x113: {  	v12 =	vld [tilespmem:s23+$0x950]  }
.Ltmp3:
0x114: {  	v14 =	vld [tilespmem:s23+$0x1150];
	(pc) =	sbr.rel @p1 .LBB2_9-.Ltmp3, $4  }
0x115: {  	v11 =	vld [tilespmem:s23+$0x970]  }
0x116: {  	v15 =	vld [tilespmem:s23+$0x920]  }
0x117: {  	v13 =	vld [tilespmem:s23+$0x940]  }
0x118: {  	v16 =	vld [tilespmem:s23+$0x1140]  }
0x119: {  	v17 =	vld [tilespmem:s23+$0x1120]  }
0x11a: {  	v18 =	vld [tilespmem:s23+$0x1170]  }
0x11b: {  	v19 =	vld [tilespmem:s23+$0x1160]  }
0x11c: {  	v20 =	vld [tilespmem:s23+$0x1100]  }
0x11d: {  	v21 =	vld [tilespmem:s23+$0x900]  }
0x11e: {  	v22 =	vld [tilespmem:s23+$0x1130]  }
0x11f: {  	v24 =	vld [tilespmem:s23+$0x960];
	v14 =	vadd.s32 v10, v14  }
0x120: {  	v55 =	vld [tilespmem:s23+$0x1110];
	vm10 =	vgt.s32 v14, v12;
	v56 =	vadd.s32 v10, v16  }
0x121: {  	v57 =	vld [tilespmem:s23+$0x910];
	v12 =	vsel vm10, v14, v12;
	v17 =	vadd.s32 v10, v17;
	vm11 =	vgt.s32 v56, v13  }
0x122: {  	v23 =	vld [tilespmem:s23+$0x930];
	[tilespmem:s23+$0x150] =	vst v12;
	v20 =	vadd.s32 v10, v20;
	vm0 =	vgt.s32 v17, v15;
	v60 =	vsel vm11, v56, v13  }
0x123: {  	v58 =	vadd.s32 v10, v18;
	vm1 =	vgt.s32 v20, v21;
	v15 =	vsel vm0, v17, v15;
	[tilespmem:s23+$0x140] =	vst v60  }
0x124: {  	v61 =	vadd.s32 v10, v19;
	vm12 =	vgt.s32 v58, v11;
	v59 =	vsel vm1, v20, v21;
	[tilespmem:s23+$0x120] =	vst v15  }
0x125: {  	v63 =	vadd.s32 v10, v55;
	vm13 =	vgt.s32 v61, v24;
	v11 =	vsel vm12, v58, v11;
	[tilespmem:s23+$0x100] =	vst v59  }
0x126: {  	v62 =	vadd.s32 v10, v22;
	vm15 =	vgt.s32 v63, v57;
	v13 =	vsel vm13, v61, v24;
	[tilespmem:s23+$0x170] =	vst v11  }
0x127: {  	vm14 =	vgt.s32 v62, v23;
	v12 =	vsel vm15, v63, v57;
	[tilespmem:s23+$0x160] =	vst v13  }
0x128: {  	v11 =	vsel vm14, v62, v23;
	[tilespmem:s23+$0x110] =	vst v12  }
0x129: {  	s25 =	sadd.s32 $0x100, s23;
	[tilespmem:s23+$0x130] =	vst v11  }
0x12a: {  	[tilespmem:s24], [sflag:$0x2] =	stream.indirect.gather [spmem:s2], $0x10, s25, s13, $0xb8;
	[tilespmem:$0x12308] =	vst v63  }
0x12b: {  	_ =	swait.ge [sflag:s15], $0x800  }
0x12c: {  	[sflag:s15] =	ssyncset.done $0x0  }
0x12d: {  	[sflag:s15] =	ssyncadd.s32 $0xFFFFF800  }
0x12e: {  	_ =	swait.ge [sflag:s15], $0x800  }
0x12f: {  	[sflag:s15] =	ssyncset.done $0x0  }
0x130: {  	[sflag:s15] =	ssyncadd.s32 $0xFFFFF800  }
0x131: {  	_ =	swait.ge [sflag:s15], $0x800  }
0x132: {  	[sflag:s15] =	ssyncset.done $0x0  }
0x133: {  	[sflag:s15] =	ssyncadd.s32 $0xFFFFF800  }
0x134: {  	_ =	swait.ge [sflag:s15], $0x800  }
0x135: {  	[sflag:s15] =	ssyncset.done $0x0  }
0x136: {  	[sflag:s15] =	ssyncadd.s32 $0xFFFFF800  }
0x137: {  	_ =	swait.ge [sflag:s15], $0x800  }
0x138: {  	[sflag:s15] =	ssyncset.done $0x0  }
0x139: {  	[sflag:s15] =	ssyncadd.s32 $0xFFFFF800  }
0x13a: {  	_ =	swait.ge [sflag:s15], $0x800  }
0x13b: {  	[sflag:s15] =	ssyncset.done $0x0  }
0x13c: {  	[sflag:s15] =	ssyncadd.s32 $0xFFFFF800  }
0x13d: {  	_ =	swait.ge [sflag:s15], $0x800  }
0x13e: {  	[sflag:s15] =	ssyncset.done $0x0  }
0x13f: {  	[sflag:s15] =	ssyncadd.s32 $0xFFFFF800  }
0x140: {  	_ =	swait.ge [sflag:s15], $0x800  }
0x141: {  	[sflag:s15] =	ssyncset.done $0x0  }
0x142: {  	[sflag:s15] =	ssyncadd.s32 $0xFFFFF800  }
0x143: {  	_ =	swait.ge [sflag:s15], $0x800  }
0x144: {  	[sflag:s15] =	ssyncset.done $0x0  }
0x145: {  	[sflag:s15] =	ssyncadd.s32 $0xFFFFF800  }
0x146: {  	_ =	swait.ge [sflag:s15], $0x800  }
0x147: {  	[sflag:s15] =	ssyncset.done $0x0  }
0x148: {  	[sflag:s15] =	ssyncadd.s32 $0xFFFFF800  }
0x149: {  	_ =	swait.ge [sflag:s15], $0x800  }
0x14a: {  	[sflag:s15] =	ssyncset.done $0x0  }
0x14b: {  	[sflag:s15] =	ssyncadd.s32 $0xFFFFF800  }
0x14c: {  	_ =	swait.ge [sflag:s15], $0x800  }
0x14d: {  	[sflag:s15] =	ssyncset.done $0x0  }
0x14e: {  	[sflag:s15] =	ssyncadd.s32 $0xFFFFF800  }
0x14f: {  	_ =	swait.ge [sflag:s15], $0x800  }
0x150: {  	[sflag:s15] =	ssyncset.done $0x0  }
0x151: {  	[sflag:s15] =	ssyncadd.s32 $0xFFFFF800  }
0x152: {  	_ =	swait.ge [sflag:s15], $0x800  }
0x153: {  	[sflag:s15] =	ssyncset.done $0x0  }
0x154: {  	[sflag:s15] =	ssyncadd.s32 $0xFFFFF800  }
0x155: {  	s21 =	sadd.s32 $0x1, s21;
	_ =	swait.ge [sflag:s15], $0x800  }
0x156: {  	p1 =	sne.s32 s21, $0xC;
	[sflag:s15] =	ssyncset.done $0x0  }
.Ltmp4:
0x157: {  	[sflag:s15] =	ssyncadd.s32 $0xFFFFF800;
	(pc) =	sbr.rel @p1 .LBB2_2-.Ltmp4, $4  }
0x158: {  	s22 =	sshll.u32 s22, $0x4;
	_ =	swait.ge [sflag:s15], $0x800  }
0x159: {  	s22 =	sand.u32 $0x1FFFF000, s22;
	[sflag:s15] =	ssyncset.done $0x0  }
0x15a: {  	s22 =	sadd.s32 s0, s22;
	[sflag:s15] =	ssyncadd.s32 $0xFFFFF800  }
0x15b: {  	[hbm4b:s22+s3] =	stream.linear.scatter [tilespmem:s17], [sflag:$0x4], $0x8000, $0x38;
	[tilespmem:$0x12308] =	vst v63  }
0x15c: {  	s21 =	simm.s32 $0x0  }
0x15d: {  	[tilespmem:s21], [sflag:$0x5] =	stream.linear.gather [hbm4b:s8+s21], $0x100, $0x38;
	[tilespmem:$0x12308] =	vst v63  }
0x15e: {  	_ =	swait.ge [sflag:s12], $0x100  }
0x15f: {  	[sflag:s12] =	ssyncset.done $0x0  }
0x160: {  	[sflag:s12] =	ssyncadd.s32 $0xFFFFFF00  }
0x161: {  	v11 =	vld [tilespmem:s21+$0x0];
	_ =	sdelay $0x4  }
0x162: {  	vm0 =	vgt.s32 v11, $0xF41FF;
	v12 =	vshll.u32 v11, $0x3  }
0x163: {  	v13 =	vsel vm0, $0xF41FF, v11;
	v11 =	vadd.s32 $0xFF85F800, v12  }
0x164: {  	v12 =	vshll.u32 v13, $0x3;
	v11 =	vnsel vm0, $0x0, v11  }
0x165: {  	v13 =	vand.u32 $0x7F, v13;
	v12 =	vand.u32 $0xFFFFFC00, v12;
	v14 =	vperm.xlane v11, v0  }
0x166: {  	v15 =	vperm.xlane v11, v4;
	v12 =	vor.u32 v13, v12;
	v13 =	vperm.xlane v11, v3  }
0x167: {  	s22 =	simm.s32 $0x0;
	v16 =	vperm.xlane v12, v0;
	v14 =	vadd.s32 v1, v14;
	v17 =	vperm.xlane v12, v9  }
0x168: {  	v19 =	vperm.xlane v12, v4;
	v20 =	vperm.xlane v12, v5;
	[tilespmem:s22+$0x900] =	vst v14;
	v13 =	vadd.s32 v1, v13  }
0x169: {  	v14 =	vperm.xlane v12, v7;
	v16 =	vadd.s32 v2, v16;
	[tilespmem:s22+$0x910] =	vst v13;
	v18 =	vadd.s32 v2, v17  }
0x16a: {  	s23 =	simm.s32 $0x200;
	v13 =	vadd.s32 v2, v20;
	v17 =	vperm.xlane v12, v6;
	[tilespmem:s22+$0x100] =	vst v16;
	v16 =	vadd.s32 v2, v19  }
.LBB2_12:
0x16b: {  	p1 =	sne.s32 s23, $0x1E00  }
0x16c: {  	v19 =	vperm.xlane v12, v3;
	v15 =	vadd.s32 v1, v15;
	v12 =	vperm.xlane v12, v8;
	[tilespmem:s22+$0x170] =	vst v18;
	s21 =	sadd.s32 $0x10, s21;
	s24 =	smov.u32 s23;
	s23 =	sadd.s32 $0x200, s23  }
0x16d: {  	v14 =	vadd.s32 v2, v14;
	[tilespmem:s22+$0x920] =	vst v15;
	v15 =	vperm.xlane v11, v5;
	v17 =	vadd.s32 v2, v17  }
0x16e: {  	v18 =	vadd.s32 v2, v19;
	[tilespmem:s22+$0x120] =	vst v16;
	v16 =	vperm.xlane v11, v6;
	v12 =	vadd.s32 v2, v12  }
0x16f: {  	v19 =	vperm.xlane v11, v8;
	v15 =	vadd.s32 v1, v15;
	[tilespmem:s22+$0x140] =	vst v17;
	v17 =	vperm.xlane v11, v7  }
0x170: {  	v11 =	vperm.xlane v11, v9;
	v16 =	vadd.s32 v1, v16;
	[tilespmem:s22+$0x160] =	vst v12  }
0x171: {  	[tilespmem:s22+$0x930] =	vst v15;
	v12 =	vadd.s32 v1, v17;
	v15 =	vadd.s32 v1, v19  }
0x172: {  	v11 =	vadd.s32 v1, v11;
	[tilespmem:s22+$0x960] =	vst v15  }
0x173: {  	[tilespmem:s22+$0x130] =	vst v13  }
0x174: {  	[tilespmem:s22+$0x950] =	vst v12  }
0x175: {  	[tilespmem:s22+$0x940] =	vst v16  }
0x176: {  	[tilespmem:s22+$0x150] =	vst v14  }
0x177: {  	s25 =	sadd.s32 $0x100, s22;
	s26 =	sadd.s32 $0x1100, s22;
	[tilespmem:s22+$0x970] =	vst v11  }
0x178: {  	[tilespmem:s22+$0x110] =	vst v18  }
0x179: {  	[tilespmem:s26], [sflag:$0x1] =	stream.indirect.gather [hbm4b:s6+s13], $0x1, s25, s13, $0xb8;
	[tilespmem:$0x12308] =	vst v63  }
0x17a: {  	v11 =	vld [tilespmem:s21+$0x0];
	_ =	sdelay $0x4  }
0x17b: {  	vm0 =	vgt.s32 v11, $0xF41FF;
	v12 =	vshll.u32 v11, $0x3  }
0x17c: {  	v13 =	vsel vm0, $0xF41FF, v11;
	v11 =	vadd.s32 $0xFF85F800, v12  }
0x17d: {  	v12 =	vshll.u32 v13, $0x3;
	v11 =	vnsel vm0, $0x0, v11  }
0x17e: {  	v13 =	vand.u32 $0x7F, v13;
	v12 =	vand.u32 $0xFFFFFC00, v12;
	v14 =	vperm.xlane v11, v0  }
.Ltmp5:
0x17f: {  	v15 =	vperm.xlane v11, v4;
	v12 =	vor.u32 v13, v12;
	v13 =	vperm.xlane v11, v3;
	(pc) =	sbr.rel @p1 .LBB2_12-.Ltmp5, $4  }
0x180: {  	s22 =	sshra.s32 s24, $0x2;
	v16 =	vperm.xlane v12, v0;
	v14 =	vadd.s32 v1, v14;
	v17 =	vperm.xlane v12, v9  }
0x181: {  	v19 =	vperm.xlane v12, v4;
	v20 =	vperm.xlane v12, v5;
	[tilespmem:s22+$0x900] =	vst v14;
	v13 =	vadd.s32 v1, v13  }
0x182: {  	v14 =	vperm.xlane v12, v7;
	v16 =	vadd.s32 v2, v16;
	[tilespmem:s22+$0x910] =	vst v13;
	v18 =	vadd.s32 v2, v17  }
0x183: {  	v13 =	vadd.s32 v2, v20;
	v17 =	vperm.xlane v12, v6;
	[tilespmem:s22+$0x100] =	vst v16;
	v16 =	vadd.s32 v2, v19  }
0x184: {  	[tilespmem:s22+$0x170] =	vst v18  }
0x185: {  	[tilespmem:s22+$0x120] =	vst v16  }
0x186: {  	v15 =	vadd.s32 v1, v15;
	[tilespmem:s22+$0x130] =	vst v13  }
0x187: {  	v18 =	vperm.xlane v12, v8;
	v14 =	vadd.s32 v2, v14;
	[tilespmem:s22+$0x920] =	vst v15  }
0x188: {  	v12 =	vperm.xlane v12, v3;
	v17 =	vadd.s32 v2, v17;
	[tilespmem:s22+$0x150] =	vst v14  }
0x189: {  	v15 =	vperm.xlane v11, v5;
	v16 =	vadd.s32 v2, v18;
	[tilespmem:s22+$0x140] =	vst v17  }
0x18a: {  	v17 =	vperm.xlane v11, v8;
	v12 =	vadd.s32 v2, v12;
	[tilespmem:s22+$0x160] =	vst v16  }
0x18b: {  	v15 =	vadd.s32 v1, v15;
	v16 =	vperm.xlane v11, v7;
	[tilespmem:s22+$0x110] =	vst v12  }
0x18c: {  	[tilespmem:s22+$0x930] =	vst v15;
	v15 =	vadd.s32 v1, v17;
	v17 =	vperm.xlane v11, v6  }
0x18d: {  	v11 =	vperm.xlane v11, v9;
	[tilespmem:s22+$0x960] =	vst v15;
	v15 =	vadd.s32 v1, v16  }
0x18e: {  	v13 =	vadd.s32 v1, v17;
	[tilespmem:s22+$0x950] =	vst v15  }
0x18f: {  	v11 =	vadd.s32 v1, v11;
	[tilespmem:s22+$0x940] =	vst v13  }
0x190: {  	s21 =	sadd.s32 $0x100, s22;
	s23 =	sadd.s32 $0x1100, s22;
	[tilespmem:s22+$0x970] =	vst v11  }
0x191: {  	[tilespmem:s23], [sflag:$0x1] =	stream.indirect.gather [hbm4b:s6+s13], $0x1, s21, s13, $0xb8;
	[tilespmem:$0x12308] =	vst v63  }
0x192: {  	_ =	swait.ge [sflag:s18], $0x8000  }
0x193: {  	[sflag:s18] =	ssyncset.done $0x0  }
0x194: {  	[sflag:s18] =	ssyncadd.s32 $0xFFFF8000  }
0x195: {  	_ =	swait.ge [sflag:s14], $0x80  }
0x196: {  	[sflag:s14] =	ssyncset.done $0x0  }
0x197: {  	s21 =	simm.s32 $0x0;
	[sflag:s14] =	ssyncadd.s32 $0xFFFFFF80  }
0x198: {  	v12 =	vld [tilespmem:s21+$0x950]  }
0x199: {  	v14 =	vld [tilespmem:s21+$0x1150]  }
0x19a: {  	v11 =	vld [tilespmem:s21+$0x970]  }
0x19b: {  	v15 =	vld [tilespmem:s21+$0x920]  }
0x19c: {  	v13 =	vld [tilespmem:s21+$0x940]  }
0x19d: {  	s24 =	simm.s32 $0x200;
	s22 =	simm.s32 $0x1900;
	s23 =	simm.s32 $0x1900;
	v16 =	vld [tilespmem:s21+$0x1140]  }
.LBB2_14:
0x19e: {  	p1 =	sne.s32 s24, $0x1E00  }
0x19f: {  	v17 =	vld [tilespmem:s21+$0x1120];
	s23 =	sadd.s32 $0x800, s23;
	s25 =	smov.u32 s24;
	s24 =	sadd.s32 $0x200, s24  }
0x1a0: {  	v18 =	vld [tilespmem:s21+$0x1170]  }
0x1a1: {  	v19 =	vld [tilespmem:s21+$0x1160]  }
0x1a2: {  	v20 =	vld [tilespmem:s21+$0x1100]  }
0x1a3: {  	v21 =	vld [tilespmem:s21+$0x900]  }
0x1a4: {  	v16 =	vadd.s32 v10, v16;
	v17 =	vadd.s32 v10, v17;
	v22 =	vld [tilespmem:s21+$0x1130]  }
0x1a5: {  	vm1 =	vgt.s32 v16, v13;
	vm0 =	vgt.s32 v17, v15;
	v23 =	vld [tilespmem:s21+$0x930]  }
0x1a6: {  	v14 =	vadd.s32 v10, v14;
	v18 =	vadd.s32 v10, v18;
	v15 =	vsel vm0, v17, v15;
	v17 =	vld [tilespmem:s21+$0x960]  }
0x1a7: {  	vm0 =	vgt.s32 v14, v12;
	vm2 =	vgt.s32 v18, v11;
	v20 =	vadd.s32 v10, v20;
	v24 =	vld [tilespmem:s21+$0x1110];
	[tilespmem:s21+$0x120] =	vst v15  }
0x1a8: {  	v12 =	vsel vm0, v14, v12;
	v11 =	vsel vm2, v18, v11;
	vm3 =	vgt.s32 v20, v21;
	v15 =	vld [tilespmem:s21+$0x910]  }
0x1a9: {  	v13 =	vsel vm1, v16, v13;
	v14 =	vsel vm3, v20, v21;
	v18 =	vadd.s32 v10, v22;
	[tilespmem:s21+$0x150] =	vst v12  }
0x1aa: {  	v12 =	vadd.s32 v10, v19;
	[tilespmem:s21+$0x100] =	vst v14;
	vm0 =	vgt.s32 v18, v23  }
0x1ab: {  	v14 =	vsel vm0, v18, v23;
	[tilespmem:s21+$0x140] =	vst v13;
	vm0 =	vgt.s32 v12, v17  }
0x1ac: {  	v13 =	vadd.s32 v10, v24;
	v12 =	vsel vm0, v12, v17;
	[tilespmem:s21+$0x170] =	vst v11  }
0x1ad: {  	vm0 =	vgt.s32 v13, v15;
	[tilespmem:s21+$0x160] =	vst v12  }
0x1ae: {  	v11 =	vsel vm0, v13, v15;
	[tilespmem:s21+$0x130] =	vst v14  }
0x1af: {  	s26 =	sadd.s32 $0x100, s21;
	[tilespmem:s21+$0x110] =	vst v11  }
0x1b0: {  	[tilespmem:s22], [sflag:$0x2] =	stream.indirect.gather [spmem:s2], $0x10, s26, s13, $0xb8;
	[tilespmem:$0x12308] =	vst v63  }
0x1b1: {  	s22 =	smov.u32 s23;
	_ =	swait.ge [sflag:s14], $0x80  }
0x1b2: {  	[sflag:s14] =	ssyncset.done $0x0  }
0x1b3: {  	s21 =	sshra.s32 s25, $0x2;
	[sflag:s14] =	ssyncadd.s32 $0xFFFFFF80  }
0x1b4: {  	v12 =	vld [tilespmem:s21+$0x950]  }
.Ltmp6:
0x1b5: {  	v14 =	vld [tilespmem:s21+$0x1150];
	(pc) =	sbr.rel @p1 .LBB2_14-.Ltmp6, $4  }
0x1b6: {  	v11 =	vld [tilespmem:s21+$0x970]  }
0x1b7: {  	v15 =	vld [tilespmem:s21+$0x920]  }
0x1b8: {  	v13 =	vld [tilespmem:s21+$0x940]  }
0x1b9: {  	v16 =	vld [tilespmem:s21+$0x1140]  }
0x1ba: {  	v17 =	vld [tilespmem:s21+$0x1120]  }
0x1bb: {  	v18 =	vld [tilespmem:s21+$0x1170]  }
0x1bc: {  	v19 =	vld [tilespmem:s21+$0x1160]  }
0x1bd: {  	v20 =	vld [tilespmem:s21+$0x1100]  }
0x1be: {  	v21 =	vld [tilespmem:s21+$0x900]  }
0x1bf: {  	v22 =	vld [tilespmem:s21+$0x1130]  }
0x1c0: {  	v24 =	vld [tilespmem:s21+$0x960];
	v14 =	vadd.s32 v10, v14  }
0x1c1: {  	v55 =	vld [tilespmem:s21+$0x1110];
	vm10 =	vgt.s32 v14, v12;
	v56 =	vadd.s32 v10, v16  }
0x1c2: {  	v57 =	vld [tilespmem:s21+$0x910];
	v12 =	vsel vm10, v14, v12;
	v17 =	vadd.s32 v10, v17;
	vm11 =	vgt.s32 v56, v13  }
0x1c3: {  	v23 =	vld [tilespmem:s21+$0x930];
	[tilespmem:s21+$0x150] =	vst v12;
	v20 =	vadd.s32 v10, v20;
	vm0 =	vgt.s32 v17, v15;
	v60 =	vsel vm11, v56, v13  }
0x1c4: {  	v58 =	vadd.s32 v10, v18;
	vm1 =	vgt.s32 v20, v21;
	v15 =	vsel vm0, v17, v15;
	[tilespmem:s21+$0x140] =	vst v60  }
0x1c5: {  	v61 =	vadd.s32 v10, v19;
	vm12 =	vgt.s32 v58, v11;
	v59 =	vsel vm1, v20, v21;
	[tilespmem:s21+$0x120] =	vst v15  }
0x1c6: {  	v63 =	vadd.s32 v10, v55;
	vm13 =	vgt.s32 v61, v24;
	v11 =	vsel vm12, v58, v11;
	[tilespmem:s21+$0x100] =	vst v59  }
0x1c7: {  	v62 =	vadd.s32 v10, v22;
	vm15 =	vgt.s32 v63, v57;
	v13 =	vsel vm13, v61, v24;
	[tilespmem:s21+$0x170] =	vst v11  }
0x1c8: {  	vm14 =	vgt.s32 v62, v23;
	v12 =	vsel vm15, v63, v57;
	[tilespmem:s21+$0x160] =	vst v13  }
0x1c9: {  	v11 =	vsel vm14, v62, v23;
	[tilespmem:s21+$0x110] =	vst v12  }
0x1ca: {  	s23 =	sadd.s32 $0x100, s21;
	[tilespmem:s21+$0x130] =	vst v11  }
0x1cb: {  	[tilespmem:s22], [sflag:$0x2] =	stream.indirect.gather [spmem:s2], $0x10, s23, s13, $0xb8;
	[tilespmem:$0x12308] =	vst v63  }
0x1cc: {  	_ =	swait.ge [sflag:s15], $0x800  }
0x1cd: {  	[sflag:s15] =	ssyncset.done $0x0  }
0x1ce: {  	[sflag:s15] =	ssyncadd.s32 $0xFFFFF800  }
0x1cf: {  	_ =	swait.ge [sflag:s15], $0x800  }
0x1d0: {  	[sflag:s15] =	ssyncset.done $0x0  }
0x1d1: {  	[sflag:s15] =	ssyncadd.s32 $0xFFFFF800  }
0x1d2: {  	_ =	swait.ge [sflag:s15], $0x800  }
0x1d3: {  	[sflag:s15] =	ssyncset.done $0x0  }
0x1d4: {  	[sflag:s15] =	ssyncadd.s32 $0xFFFFF800  }
0x1d5: {  	_ =	swait.ge [sflag:s15], $0x800  }
0x1d6: {  	[sflag:s15] =	ssyncset.done $0x0  }
0x1d7: {  	[sflag:s15] =	ssyncadd.s32 $0xFFFFF800  }
0x1d8: {  	_ =	swait.ge [sflag:s15], $0x800  }
0x1d9: {  	[sflag:s15] =	ssyncset.done $0x0  }
0x1da: {  	[sflag:s15] =	ssyncadd.s32 $0xFFFFF800  }
0x1db: {  	_ =	swait.ge [sflag:s15], $0x800  }
0x1dc: {  	[sflag:s15] =	ssyncset.done $0x0  }
0x1dd: {  	[sflag:s15] =	ssyncadd.s32 $0xFFFFF800  }
0x1de: {  	_ =	swait.ge [sflag:s15], $0x800  }
0x1df: {  	[sflag:s15] =	ssyncset.done $0x0  }
0x1e0: {  	[sflag:s15] =	ssyncadd.s32 $0xFFFFF800  }
0x1e1: {  	_ =	swait.ge [sflag:s15], $0x800  }
0x1e2: {  	[sflag:s15] =	ssyncset.done $0x0  }
0x1e3: {  	[sflag:s15] =	ssyncadd.s32 $0xFFFFF800  }
0x1e4: {  	_ =	swait.ge [sflag:s15], $0x800  }
0x1e5: {  	[sflag:s15] =	ssyncset.done $0x0  }
0x1e6: {  	[sflag:s15] =	ssyncadd.s32 $0xFFFFF800  }
0x1e7: {  	_ =	swait.ge [sflag:s15], $0x800  }
0x1e8: {  	[sflag:s15] =	ssyncset.done $0x0  }
0x1e9: {  	[sflag:s15] =	ssyncadd.s32 $0xFFFFF800  }
0x1ea: {  	_ =	swait.ge [sflag:s15], $0x800  }
0x1eb: {  	[sflag:s15] =	ssyncset.done $0x0  }
0x1ec: {  	[sflag:s15] =	ssyncadd.s32 $0xFFFFF800  }
0x1ed: {  	_ =	swait.ge [sflag:s15], $0x800  }
0x1ee: {  	[sflag:s15] =	ssyncset.done $0x0  }
0x1ef: {  	[sflag:s15] =	ssyncadd.s32 $0xFFFFF800  }
0x1f0: {  	_ =	swait.ge [sflag:s15], $0x800  }
0x1f1: {  	[sflag:s15] =	ssyncset.done $0x0  }
0x1f2: {  	[sflag:s15] =	ssyncadd.s32 $0xFFFFF800  }
0x1f3: {  	_ =	swait.ge [sflag:s15], $0x800  }
0x1f4: {  	[sflag:s15] =	ssyncset.done $0x0  }
0x1f5: {  	[sflag:s15] =	ssyncadd.s32 $0xFFFFF800  }
0x1f6: {  	_ =	swait.ge [sflag:s15], $0x800  }
0x1f7: {  	[sflag:s15] =	ssyncset.done $0x0  }
0x1f8: {  	[sflag:s15] =	ssyncadd.s32 $0xFFFFF800  }
0x1f9: {  	_ =	swait.ge [sflag:s15], $0x800  }
0x1fa: {  	[sflag:s15] =	ssyncset.done $0x0  }
0x1fb: {  	s20 =	sadd.s32 $0x1, s20;
	[sflag:s15] =	ssyncadd.s32 $0xFFFFF800  }
0x1fc: {  	[hbm4b:s9+s3] =	stream.linear.scatter [tilespmem:s16], [sflag:$0x3], $0x8000, $0x38;
	[tilespmem:$0x12308] =	vst v63  }
0x1fd: {  	p1 =	sne.s32 s20, s10;
	_ =	swait.ge [sflag:s18], $0x8000  }
.Ltmp7:
0x1fe: {  	[sflag:s18] =	ssyncset.done $0x0;
	(pc) =	sbr.rel @p1 .LBB2_1-.Ltmp7, $4  }
0x1ff: {  	[sflag:s18] =	ssyncadd.s32 $0xFFFF8000  }
0x200: {  	_ =	swait.ge [sflag:s19], $0x8000  }
0x201: {  	[sflag:s19] =	ssyncset.done $0x0  }
0x202: {  	[sflag:s19] =	ssyncadd.s32 $0xFFFF8000  }
0x203: {  	_ =	sfence.sel $0x180000  }
0x204: {  	[bflag:$0x0] =	sbarrier.arrive $0xFFFF  }
0x205: {  	_ =	strace $0x90000047  }
0x206: {  	s0 =	sadd.s32 @!p0 $0x100000, s1;
	[bflag:$0x2] =	sbarrier.arrive $0xFFFF  }
0x207: {  	[sflag:s0] =	ssyncadd.tile.s32 @!p0 $0x1;
	_ =	shalt  }
.Lfunc_end2:
_tile_overlayer_lowered:
.L_overlay_start_2:
0x208: {  	(tag) =	ssettag $0x2  }
0x209: {  	s0 =	rddreg [dreg:$0x0];
	s2 =	stileid.u32  }
0x20a: {  	s1 =	rddreg [dreg:$0x1];
	p0 =	sne.s32 s2, $0x0  }
0x20b: {  	s3 =	rddreg [dreg:$0x2];
	[bflag:$0x3] =	sbarrier.arrive $0xFFFF;
	s2 =	simm.s32 @!p0 $0x1C05  }
0x20c: {  	[timem:s3], [sflag:s2] =	dma.local @!p0 [hbm:s0], s1  }
0x20d: {  	s0 =	simm.s32 @!p0 $0x5  }
0x20e: {  	_ =	swait.ge @!p0 [sflag:s0], s1  }
0x20f: {  	s1 =	ssub.s32 @!p0 $0x0, s1;
	[sflag:s0] =	ssyncset.done @!p0 $0x0  }
0x210: {  	[sflag:s0] =	ssyncadd.s32 @!p0 s1  }
0x211: {  	[bflag:$0x3] =	sbarrier.arrive $0xFFFF  }
0x212: {  	_ =	shalt  }

</sc_bundles>
